<compile_context>
chip_gen: v7x
topology: tpu7x:2x2x1
jax: 0.10.2.dev20260603
libtpu: 0.0.44.dev20260713+nightly
codegen_flags: <defaults>
</compile_context>

<pallas_src>
import functools
import math

import jax
import jax.numpy as jnp
from jax import lax
from jax.experimental import pallas as pl
from jax.experimental.pallas import tpu as pltpu
from jax.experimental.pallas import tpu_sc as plsc

_BN = 128
_BE = 512
_NW = 32


def _mm(a, b, bm=128, bn=256):
    m, k = a.shape
    _, n = b.shape
    bn = min(bn, n)

    def body(a_ref, b_ref, o_ref):
        o_ref[:] = jnp.dot(a_ref[:], b_ref[:], preferred_element_type=jnp.float32)

    return pl.pallas_call(
        body,
        grid=(m // bm, n // bn),
        in_specs=[
            pl.BlockSpec((bm, k), lambda i, j: (i, 0)),
            pl.BlockSpec((k, bn), lambda i, j: (0, j)),
        ],
        out_specs=pl.BlockSpec((bm, bn), lambda i, j: (i, j)),
        out_shape=jax.ShapeDtypeStruct((m, n), jnp.float32),
    )(a, b)


def _mm_hm(a, w, heads, ch, bm=128):
    m, k = a.shape
    w_hm = w.reshape(k, heads, ch).transpose(1, 0, 2)

    def body(a_ref, w_ref, o_ref):
        o_ref[0] = jnp.dot(a_ref[:], w_ref[0],
                           preferred_element_type=jnp.float32)

    return pl.pallas_call(
        body,
        grid=(heads, m // bm),
        in_specs=[
            pl.BlockSpec((bm, k), lambda h, i: (i, 0)),
            pl.BlockSpec((1, k, ch), lambda h, i: (h, 0, 0)),
        ],
        out_specs=pl.BlockSpec((1, bm, ch), lambda h, i: (h, i, 0)),
        out_shape=jax.ShapeDtypeStruct((heads, m, ch), jnp.float32),
    )(a, w_hm)


def _mm_from_hm(a_hm, w, n_out, bm=128):
    heads, m, ch = a_hm.shape
    w_hm = w.reshape(heads, ch, n_out)

    def body(a_ref, w_ref, o_ref):
        @pl.when(pl.program_id(1) == 0)
        def _():
            o_ref[:] = jnp.zeros_like(o_ref)

        o_ref[:] += jnp.dot(a_ref[0], w_ref[0],
                            preferred_element_type=jnp.float32)

    return pl.pallas_call(
        body,
        grid=(m // bm, heads),
        in_specs=[
            pl.BlockSpec((1, bm, ch), lambda i, j: (j, i, 0)),
            pl.BlockSpec((1, ch, n_out), lambda i, j: (j, 0, 0)),
        ],
        out_specs=pl.BlockSpec((bm, n_out), lambda i, j: (i, 0)),
        out_shape=jax.ShapeDtypeStruct((m, n_out), jnp.float32),
    )(a_hm, w_hm)


def _sc_gather(table, idx):
    r = idx.shape[0]
    _, d = table.shape
    rpw = r // _NW
    nbuf = 4
    cap = max(8, min(rpw, (96 * 1024) // (d * 4)))
    chunk = 8
    for cand in range(8, cap + 1, 8):
        if rpw % cand == 0:
            chunk = cand
    nch = rpw // chunk
    ngrp = nch // nbuf
    grem = nch % nbuf
    gsz = nbuf * chunk
    mesh = plsc.VectorSubcoreMesh(core_axis_name="c", subcore_axis_name="s")

    @functools.partial(
        pl.kernel,
        mesh=mesh,
        out_type=jax.ShapeDtypeStruct((r, d), jnp.float32),
        scratch_types=[
            pltpu.VMEM((rpw,), jnp.int32),
            pltpu.VMEM((nbuf, chunk, d), jnp.float32),
            pltpu.SemaphoreType.DMA,
            pltpu.SemaphoreType.DMA,
        ],
    )
    def gath(table_hbm, idx_hbm, out_hbm, idx_v, buf, gsem, osem):
        wid = lax.axis_index("s") * 2 + lax.axis_index("c")
        base = wid * rpw
        pltpu.sync_copy(idx_hbm.at[pl.ds(base, rpw)], idx_v)

        def group(g, carry):
            g0 = g * gsz
            hs = [
                pltpu.async_copy(
                    table_hbm.at[idx_v.at[pl.ds(g0 + b * chunk, chunk)]],
                    buf.at[b], gsem)
                for b in range(nbuf)
            ]
            os = []
            for b in range(nbuf):
                hs[b].wait()
                os.append(pltpu.async_copy(
                    buf.at[b],
                    out_hbm.at[pl.ds(base + g0 + b * chunk, chunk)], osem))
            for o in os:
                o.wait()
            return carry

        lax.fori_loop(0, ngrp, group, 0)

        t0 = ngrp * gsz
        hs = []
        for b in range(grem):
            hs.append(pltpu.async_copy(
                table_hbm.at[idx_v.at[pl.ds(t0 + b * chunk, chunk)]],
                buf.at[b], gsem))
        os = []
        for b in range(grem):
            hs[b].wait()
            os.append(pltpu.async_copy(
                buf.at[b],
                out_hbm.at[pl.ds(base + t0 + b * chunk, chunk)], osem))
        for o in os:
            o.wait()

    return gath(table, idx)


def _edge_pass(g, xr, cnt, dst_pad, att, bias, kmax, relu):
    heads, n_pad, ch = xr.shape
    nblk = n_pad // _BN
    nch = kmax // _BE

    def body(cnt_ref, dst_ref, g_ref, xr_ref, att_ref, b_ref, out_ref,
             acc_ref, den_ref):
        c = pl.program_id(1)

        @pl.when(c == 0)
        def _():
            acc_ref[:] = jnp.zeros_like(acc_ref)
            den_ref[:] = jnp.zeros_like(den_ref)

        cntv = cnt_ref[0, 0, 0]
        dl = dst_ref[0]
        ii = lax.broadcasted_iota(jnp.int32, (_BN, _BE), 0)
        jj = lax.broadcasted_iota(jnp.int32, (_BN, _BE), 1)
        st = jnp.where((ii == dl) & (jj + c * _BE < cntv), 1.0, 0.0)

        for h in range(heads):
            gh = g_ref[:, h, :]
            xre = lax.dot_general(st, xr_ref[h], (((0,), (0,)), ((), ())),
                                  preferred_element_type=jnp.float32)
            th = gh + xre
            th = jnp.where(th > 0, th, 0.2 * th)
            lg = lax.dot_general(th, att_ref[h], (((1,), (1,)), ((), ())),
                                 preferred_element_type=jnp.float32)
            ex = jnp.exp(lg)
            acc_ref[h] += lax.dot_general(st, gh * ex, (((1,), (0,)), ((), ())),
                                          preferred_element_type=jnp.float32)
            den_ref[h] += lax.dot_general(st, ex, (((1,), (0,)), ((), ())),
                                          preferred_element_type=jnp.float32)

        @pl.when(c == nch - 1)
        def _():
            res = acc_ref[:] / (den_ref[:] + 1e-16) + b_ref[:]
            if relu:
                res = jnp.maximum(res, 0.0)
            out_ref[:] = res

    return pl.pallas_call(
        body,
        grid=(nblk, nch),
        in_specs=[
            pl.BlockSpec((1, 1, 1), lambda i, c: (i, 0, 0),
                         memory_space=pltpu.SMEM),
            pl.BlockSpec((1, 1, _BE), lambda i, c: (i, 0, c)),
            pl.BlockSpec((_BE, heads, ch), lambda i, c: (i * (kmax // _BE) + c,
                                                         0, 0)),
            pl.BlockSpec((heads, _BN, ch), lambda i, c: (0, i, 0)),
            pl.BlockSpec((heads, 1, ch), lambda i, c: (0, 0, 0)),
            pl.BlockSpec((heads, 1, ch), lambda i, c: (0, 0, 0)),
        ],
        out_specs=pl.BlockSpec((heads, _BN, ch), lambda i, c: (0, i, 0)),
        out_shape=jax.ShapeDtypeStruct((heads, n_pad, ch), jnp.float32),
        scratch_shapes=[
            pltpu.VMEM((heads, _BN, ch), jnp.float32),
            pltpu.VMEM((heads, _BN, 1), jnp.float32),
        ],
    )(cnt, dst_pad, g, xr, att, bias)


def _prep(edge_index, nblk, kmax):
    src = edge_index[0].astype(jnp.int32)
    dst = edge_index[1].astype(jnp.int32)
    e = src.shape[0]
    order = jnp.argsort(dst)
    src_s = src[order]
    dst_s = dst[order]
    bounds = jnp.searchsorted(dst_s, (jnp.arange(nblk + 1) * _BN).astype(jnp.int32))
    bounds = bounds.astype(jnp.int32)
    cnt = (bounds[1:] - bounds[:-1]).reshape(nblk, 1, 1)
    cnt = jnp.minimum(cnt, kmax)
    blk = dst_s // _BN
    pos = jnp.arange(e, dtype=jnp.int32) - bounds[blk]
    pos = jnp.minimum(pos, kmax - 1)
    src_pad = jnp.zeros((nblk, kmax), jnp.int32).at[blk, pos].set(src_s)
    dst_pad = jnp.zeros((nblk, 1, kmax), jnp.int32).at[blk, 0, pos].set(
        dst_s - blk * _BN)
    r = nblk * kmax
    r_pad = -(-r // (_NW * 8)) * (_NW * 8)
    src_flat = jnp.pad(src_pad.reshape(r), (0, r_pad - r))
    return cnt, src_flat, dst_pad


def kernel(x, edge_index, W1l, W1r, att1, b1, W2l, W2r, att2, b2):
    n, dim_in = x.shape
    e = edge_index.shape[1]
    h1, c1 = att1.shape
    c2 = att2.shape[1]
    nblk = -(-n // _BN)
    n_pad = nblk * _BN

    mean = e * _BN / n
    kmax = min(-(-e // _BE) * _BE,
               -(-int(mean + 16.0 * math.sqrt(mean) + 64) // _BE) * _BE)

    x_p = jnp.pad(x, ((0, n_pad - n), (0, 0)))
    cnt, src_flat, dst_pad = _prep(edge_index, nblk, kmax)
    r = nblk * kmax

    r_pad = src_flat.shape[0]

    xl1 = _mm(x_p, W1l)
    xr1 = _mm_hm(x_p, W1r, h1, c1)
    g1 = _sc_gather(xl1, src_flat).reshape(r_pad, h1, c1)
    h = _edge_pass(g1, xr1, cnt, dst_pad, att1.reshape(h1, 1, c1),
                   b1.reshape(h1, 1, c1), kmax, relu=True)

    c2p = -(-c2 // 128) * 128
    xl2 = jnp.pad(_mm_from_hm(h, W2l, c2), ((0, 0), (0, c2p - c2)))
    xr2 = jnp.pad(_mm_from_hm(h, W2r, c2), ((0, 0), (0, c2p - c2)))[None]
    g2 = _sc_gather(xl2, src_flat).reshape(r_pad, 1, c2p)
    att2p = jnp.pad(att2, ((0, 0), (0, c2p - c2)))
    b2p = jnp.pad(b2, (0, c2p - c2))
    out = _edge_pass(g2, xr2, cnt, dst_pad, att2p.reshape(1, 1, c2p),
                     b2p.reshape(1, 1, c2p), kmax, relu=False)
    return out[0, :n, :c2]

# --- scband reference (transcript-rebuilt; emitter-appended) ---
"""Pipeline reference for scband-gyat-84885733638249 (READ-ONLY COPY).

The authoritative reference and input builder live on the scoring server;
editing this copy changes nothing except your own understanding.
"""

import jax, jax.numpy as jnp
import numpy as np

N = 10000
E = 320000
DIM_IN = 128
DIM_H = 128
HEADS = 8
DIM_OUT = 64


def setup_inputs(seed: int = 0) -> dict:
    key = jax.random.key(seed)
    ks = jax.random.split(key, 12)
    x = jax.random.normal(ks[0], (N, DIM_IN), dtype=jnp.float32)
    # int64 spec; jax defaults to int32 unless x64 is enabled -- values are in-range either way
    edge_index = jax.random.randint(ks[1], (2, E), 0, N)
    s1 = 1.0 / np.sqrt(DIM_IN)
    s2 = 1.0 / np.sqrt(DIM_H * HEADS)
    W1l = jax.random.normal(ks[2], (DIM_IN, HEADS * DIM_H), dtype=jnp.float32) * s1
    W1r = jax.random.normal(ks[3], (DIM_IN, HEADS * DIM_H), dtype=jnp.float32) * s1
    att1 = jax.random.normal(ks[4], (HEADS, DIM_H), dtype=jnp.float32) * (1.0 / np.sqrt(DIM_H))
    b1 = jnp.zeros((HEADS * DIM_H,), dtype=jnp.float32)
    W2l = jax.random.normal(ks[5], (HEADS * DIM_H, DIM_OUT), dtype=jnp.float32) * s2
    W2r = jax.random.normal(ks[6], (HEADS * DIM_H, DIM_OUT), dtype=jnp.float32) * s2
    att2 = jax.random.normal(ks[7], (1, DIM_OUT), dtype=jnp.float32) * (1.0 / np.sqrt(DIM_OUT))
    b2 = jnp.zeros((DIM_OUT,), dtype=jnp.float32)
    return {"x": x, "edge_index": edge_index, "W1l": W1l, "W1r": W1r, "att1": att1, "b1": b1,
            "W2l": W2l, "W2r": W2r, "att2": att2, "b2": b2}


def gatv2_layer(x, src, dst, Wl, Wr, att, bias, heads, out_ch, num_nodes):
    # PyG GATv2Conv: x_j uses lin_l (source), x_i uses lin_r (target)
    xl = (x @ Wl).reshape(num_nodes, heads, out_ch)
    xr = (x @ Wr).reshape(num_nodes, heads, out_ch)
    e = jax.nn.leaky_relu(xl[src] + xr[dst], negative_slope=0.2)  # [E, H, C]
    logits = jnp.einsum('ehc,hc->eh', e, att)                      # [E, H]
    # softmax over incoming edges per destination node
    amax = jax.ops.segment_max(logits, dst, num_segments=num_nodes)
    amax = jnp.where(jnp.isfinite(amax), amax, 0.0)
    amax = jax.lax.stop_gradient(amax)
    ex = jnp.exp(logits - amax[dst])
    denom = jax.ops.segment_sum(ex, dst, num_segments=num_nodes)
    alpha = ex / (denom[dst] + 1e-16)
    msg = xl[src] * alpha[:, :, None]
    out = jax.ops.segment_sum(msg, dst, num_segments=num_nodes)
    return out.reshape(num_nodes, heads * out_ch) + bias


def reference(x, edge_index, W1l, W1r, att1, b1, W2l, W2r, att2, b2):
    src = edge_index[0]
    dst = edge_index[1]
    # dropout is identity in eval mode
    h = gatv2_layer(x, src, dst, W1l, W1r, att1, b1, HEADS, DIM_H, N)
    h = jax.nn.relu(h)
    out = gatv2_layer(h, src, dst, W2l, W2r, att2, b2, 1, DIM_OUT, N)
    return out

if __name__ == "__main__":
    import jax
    _d = setup_inputs()
    print(jax.jit(kernel)(*tuple(_d.values())))

</pallas_src>

<mosaic_0001>
#map = affine_map<(d0, d1) -> (0, 0)>
#map1 = affine_map<(d0, d1) -> (0)>
module attributes {stable_mosaic.version = 14 : i64} {
  func.func @gath(%arg0: i32, %arg1: i32, %arg2: memref<10112x1024xf32, #tpu.memory_space<hbm>>, %arg3: memref<444928xi32, #tpu.memory_space<hbm>>, %arg4: memref<444928x1024xf32, #tpu.memory_space<hbm>>, %arg5: memref<13904xi32, #tpu.memory_space<vmem>>, %arg6: memref<4x16x1024xf32, #tpu.memory_space<vmem>>, %arg7: memref<!tpu.dma_semaphore, #tpu.memory_space<semaphore_mem>>, %arg8: memref<!tpu.dma_semaphore, #tpu.memory_space<semaphore_mem>>) attributes {dimension_semantics = [#tpu.dimension_semantics<core_parallel>, #tpu.dimension_semantics<subcore_parallel>], iteration_bounds = array<i64: 2, 16>, scalar_prefetch = 0 : i64, scratch_operands = 4 : i64, tpu.core_type = #tpu.core_type<sc_vector_subcore>, window_params = [{transform_indices = #map}, {transform_indices = #map1}, {transform_indices = #map}]} {
    %mul3A = arith.constant 2 : i32
    %mul3A_0 = arith.muli %arg1, %mul3A : i32
    %add3A = arith.addi %mul3A_0, %arg0 : i32
    %mul3A_1 = arith.constant 13904 : i32
    %mul3A_2 = arith.muli %add3A, %mul3A_1 : i32
    "tpu.region"() ({
      %run_scoped3A = tpu.sem_alloc : memref<!tpu.dma_semaphore, #tpu.memory_space<semaphore_mem>>
      %dma_start3A_56 = tpu.memref_slice %arg3[%mul3A_2] : memref<444928xi32, #tpu.memory_space<hbm>> -> memref<13904xi32, #tpu.memory_space<hbm>>
      %dma_start3A_57 = tpu.memref_slice %arg3[%mul3A_2] : memref<444928xi32, #tpu.memory_space<hbm>> -> memref<13904xi32, #tpu.memory_space<hbm>>
      tpu.enqueue_dma source(%dma_start3A_57 : memref<13904xi32, #tpu.memory_space<hbm>>) target(%arg5 : memref<13904xi32, #tpu.memory_space<vmem>>) target_semaphore(%run_scoped3A : memref<!tpu.dma_semaphore, #tpu.memory_space<semaphore_mem>>)
      %dma_wait3A_58 = tpu.memref_slice %arg3[%mul3A_2] : memref<444928xi32, #tpu.memory_space<hbm>> -> memref<13904xi32, #tpu.memory_space<hbm>>
      %dma_wait3A_59 = tpu.memref_slice %arg3[%mul3A_2] : memref<444928xi32, #tpu.memory_space<hbm>> -> memref<13904xi32, #tpu.memory_space<hbm>>
      tpu.wait_dma2 semaphore(%run_scoped3A : memref<!tpu.dma_semaphore, #tpu.memory_space<semaphore_mem>>) src(%dma_wait3A_59 : memref<13904xi32, #tpu.memory_space<hbm>>) dst(%arg5 : memref<13904xi32, #tpu.memory_space<vmem>>)
      tpu.yield
    }) : () -> ()
    %scan3A = arith.constant 0 : i32
    %scan3A_3 = arith.constant 0 : i32
    %scan3A_4 = arith.constant 217 : i32
    %scan3A_5 = arith.addi %scan3A_3, %scan3A_4 : i32
    %scan3A_6 = arith.constant 1 : i32
    scf.for %scan3A_56 = %scan3A_3 to %scan3A_5 step %scan3A_6  : i32 {
      %mul3A_57 = arith.constant 64 : i32
      %mul3A_58 = arith.muli %scan3A_56, %mul3A_57 : i32
      %add3A_59 = arith.constant 0 : i32
      %add3A_60 = arith.addi %mul3A_58, %add3A_59 : i32
      %dma_start3A_61 = arith.constant 0 : i32
      %dma_start3A_62 = arith.constant 0 : i32
      %dma_start3A_63 = arith.constant 0 : i32
      %dma_start3A_64 = tpu.memref_slice %arg6[%dma_start3A_61, %dma_start3A_62, %dma_start3A_63] : memref<4x16x1024xf32, #tpu.memory_space<vmem>> -> memref<1x16x1024xf32, #tpu.memory_space<vmem>>
      %dma_start3A_65 = tpu.memref_squeeze %dma_start3A_64 : memref<1x16x1024xf32, #tpu.memory_space<vmem>> -> memref<16x1024xf32, #tpu.memory_space<vmem>>
      %dma_start3A_66 = tpu.memref_slice %arg5[%add3A_60] : memref<13904xi32, #tpu.memory_space<vmem>> -> memref<16xi32, #tpu.memory_space<vmem>>
      %dma_start3A_67 = arith.constant 0 : i32
      %dma_start3A_68 = arith.constant 0 : i32
      %dma_start3A_69 = tpu.memref_slice %arg2[%dma_start3A_67, %dma_start3A_68] : memref<10112x1024xf32, #tpu.memory_space<hbm>> -> memref<10112x1024xf32, #tpu.memory_space<hbm>>
      tpu.enqueue_indirect_dma source(%dma_start3A_69 : memref<10112x1024xf32, #tpu.memory_space<hbm>>) target(%dma_start3A_65 : memref<16x1024xf32, #tpu.memory_space<vmem>>) offsets(%dma_start3A_66 : memref<16xi32, #tpu.memory_space<vmem>>) semaphore(%arg7 : memref<!tpu.dma_semaphore, #tpu.memory_space<semaphore_mem>>)
      %add3A_70 = arith.constant 16 : i32
      %add3A_71 = arith.addi %mul3A_58, %add3A_70 : i32
      %dma_start3A_72 = arith.constant 1 : i32
      %dma_start3A_73 = arith.constant 0 : i32
      %dma_start3A_74 = arith.constant 0 : i32
      %dma_start3A_75 = tpu.memref_slice %arg6[%dma_start3A_72, %dma_start3A_73, %dma_start3A_74] : memref<4x16x1024xf32, #tpu.memory_space<vmem>> -> memref<1x16x1024xf32, #tpu.memory_space<vmem>>
      %dma_start3A_76 = tpu.memref_squeeze %dma_start3A_75 : memref<1x16x1024xf32, #tpu.memory_space<vmem>> -> memref<16x1024xf32, #tpu.memory_space<vmem>>
      %dma_start3A_77 = tpu.memref_slice %arg5[%add3A_71] : memref<13904xi32, #tpu.memory_space<vmem>> -> memref<16xi32, #tpu.memory_space<vmem>>
      %dma_start3A_78 = arith.constant 0 : i32
      %dma_start3A_79 = arith.constant 0 : i32
      %dma_start3A_80 = tpu.memref_slice %arg2[%dma_start3A_78, %dma_start3A_79] : memref<10112x1024xf32, #tpu.memory_space<hbm>> -> memref<10112x1024xf32, #tpu.memory_space<hbm>>
      tpu.enqueue_indirect_dma source(%dma_start3A_80 : memref<10112x1024xf32, #tpu.memory_space<hbm>>) target(%dma_start3A_76 : memref<16x1024xf32, #tpu.memory_space<vmem>>) offsets(%dma_start3A_77 : memref<16xi32, #tpu.memory_space<vmem>>) semaphore(%arg7 : memref<!tpu.dma_semaphore, #tpu.memory_space<semaphore_mem>>)
      %add3A_81 = arith.constant 32 : i32
      %add3A_82 = arith.addi %mul3A_58, %add3A_81 : i32
      %dma_start3A_83 = arith.constant 2 : i32
      %dma_start3A_84 = arith.constant 0 : i32
      %dma_start3A_85 = arith.constant 0 : i32
      %dma_start3A_86 = tpu.memref_slice %arg6[%dma_start3A_83, %dma_start3A_84, %dma_start3A_85] : memref<4x16x1024xf32, #tpu.memory_space<vmem>> -> memref<1x16x1024xf32, #tpu.memory_space<vmem>>
      %dma_start3A_87 = tpu.memref_squeeze %dma_start3A_86 : memref<1x16x1024xf32, #tpu.memory_space<vmem>> -> memref<16x1024xf32, #tpu.memory_space<vmem>>
      %dma_start3A_88 = tpu.memref_slice %arg5[%add3A_82] : memref<13904xi32, #tpu.memory_space<vmem>> -> memref<16xi32, #tpu.memory_space<vmem>>
      %dma_start3A_89 = arith.constant 0 : i32
      %dma_start3A_90 = arith.constant 0 : i32
      %dma_start3A_91 = tpu.memref_slice %arg2[%dma_start3A_89, %dma_start3A_90] : memref<10112x1024xf32, #tpu.memory_space<hbm>> -> memref<10112x1024xf32, #tpu.memory_space<hbm>>
      tpu.enqueue_indirect_dma source(%dma_start3A_91 : memref<10112x1024xf32, #tpu.memory_space<hbm>>) target(%dma_start3A_87 : memref<16x1024xf32, #tpu.memory_space<vmem>>) offsets(%dma_start3A_88 : memref<16xi32, #tpu.memory_space<vmem>>) semaphore(%arg7 : memref<!tpu.dma_semaphore, #tpu.memory_space<semaphore_mem>>)
      %add3A_92 = arith.constant 48 : i32
      %add3A_93 = arith.addi %mul3A_58, %add3A_92 : i32
      %dma_start3A_94 = arith.constant 3 : i32
      %dma_start3A_95 = arith.constant 0 : i32
      %dma_start3A_96 = arith.constant 0 : i32
      %dma_start3A_97 = tpu.memref_slice %arg6[%dma_start3A_94, %dma_start3A_95, %dma_start3A_96] : memref<4x16x1024xf32, #tpu.memory_space<vmem>> -> memref<1x16x1024xf32, #tpu.memory_space<vmem>>
      %dma_start3A_98 = tpu.memref_squeeze %dma_start3A_97 : memref<1x16x1024xf32, #tpu.memory_space<vmem>> -> memref<16x1024xf32, #tpu.memory_space<vmem>>
      %dma_start3A_99 = tpu.memref_slice %arg5[%add3A_93] : memref<13904xi32, #tpu.memory_space<vmem>> -> memref<16xi32, #tpu.memory_space<vmem>>
      %dma_start3A_100 = arith.constant 0 : i32
      %dma_start3A_101 = arith.constant 0 : i32
      %dma_start3A_102 = tpu.memref_slice %arg2[%dma_start3A_100, %dma_start3A_101] : memref<10112x1024xf32, #tpu.memory_space<hbm>> -> memref<10112x1024xf32, #tpu.memory_space<hbm>>
      tpu.enqueue_indirect_dma source(%dma_start3A_102 : memref<10112x1024xf32, #tpu.memory_space<hbm>>) target(%dma_start3A_98 : memref<16x1024xf32, #tpu.memory_space<vmem>>) offsets(%dma_start3A_99 : memref<16xi32, #tpu.memory_space<vmem>>) semaphore(%arg7 : memref<!tpu.dma_semaphore, #tpu.memory_space<semaphore_mem>>)
      %dma_wait3A_103 = arith.constant 0 : i32
      %dma_wait3A_104 = arith.constant 0 : i32
      %dma_wait3A_105 = arith.constant 0 : i32
      %dma_wait3A_106 = tpu.memref_slice %arg6[%dma_wait3A_103, %dma_wait3A_104, %dma_wait3A_105] : memref<4x16x1024xf32, #tpu.memory_space<vmem>> -> memref<1x16x1024xf32, #tpu.memory_space<vmem>>
      %dma_wait3A_107 = tpu.memref_squeeze %dma_wait3A_106 : memref<1x16x1024xf32, #tpu.memory_space<vmem>> -> memref<16x1024xf32, #tpu.memory_space<vmem>>
      %dma_wait3A_108 = tpu.memref_slice %arg5[%add3A_60] : memref<13904xi32, #tpu.memory_space<vmem>> -> memref<16xi32, #tpu.memory_space<vmem>>
      %dma_wait3A_109 = arith.constant 0 : i32
      %dma_wait3A_110 = arith.constant 0 : i32
      %dma_wait3A_111 = tpu.memref_slice %arg2[%dma_wait3A_109, %dma_wait3A_110] : memref<10112x1024xf32, #tpu.memory_space<hbm>> -> memref<10112x1024xf32, #tpu.memory_space<hbm>>
      tpu.wait_indirect_dma semaphore(%arg7 : memref<!tpu.dma_semaphore, #tpu.memory_space<semaphore_mem>>) src(%dma_wait3A_111 : memref<10112x1024xf32, #tpu.memory_space<hbm>>) dst(%dma_wait3A_107 : memref<16x1024xf32, #tpu.memory_space<vmem>>)
      %add3A_112 = arith.addi %mul3A_2, %mul3A_58 : i32
      %add3A_113 = arith.constant 0 : i32
      %add3A_114 = arith.addi %add3A_112, %add3A_113 : i32
      %dma_start3A_115 = arith.constant 0 : i32
      %dma_start3A_116 = arith.constant 0 : i32
      %dma_start3A_117 = arith.constant 0 : i32
      %dma_start3A_118 = tpu.memref_slice %arg6[%dma_start3A_115, %dma_start3A_116, %dma_start3A_117] : memref<4x16x1024xf32, #tpu.memory_space<vmem>> -> memref<1x16x1024xf32, #tpu.memory_space<vmem>>
      %dma_start3A_119 = tpu.memref_squeeze %dma_start3A_118 : memref<1x16x1024xf32, #tpu.memory_space<vmem>> -> memref<16x1024xf32, #tpu.memory_space<vmem>>
      %dma_start3A_120 = arith.constant 0 : i32
      %dma_start3A_121 = tpu.memref_slice %arg4[%add3A_114, %dma_start3A_120] : memref<444928x1024xf32, #tpu.memory_space<hbm>> -> memref<16x1024xf32, #tpu.memory_space<hbm>>
      %dma_start3A_122 = arith.constant 0 : i32
      %dma_start3A_123 = tpu.memref_slice %arg4[%add3A_114, %dma_start3A_122] : memref<444928x1024xf32, #tpu.memory_space<hbm>> -> memref<16x1024xf32, #tpu.memory_space<hbm>>
      %dma_start3A_124 = arith.constant 0 : i32
      %dma_start3A_125 = arith.constant 0 : i32
      %dma_start3A_126 = tpu.memref_slice %arg6[%dma_start3A_115, %dma_start3A_124, %dma_start3A_125] : memref<4x16x1024xf32, #tpu.memory_space<vmem>> -> memref<1x16x1024xf32, #tpu.memory_space<vmem>>
      %dma_start3A_127 = tpu.memref_squeeze %dma_start3A_126 : memref<1x16x1024xf32, #tpu.memory_space<vmem>> -> memref<16x1024xf32, #tpu.memory_space<vmem>>
      tpu.enqueue_dma source(%dma_start3A_127 : memref<16x1024xf32, #tpu.memory_space<vmem>>) target(%dma_start3A_123 : memref<16x1024xf32, #tpu.memory_space<hbm>>) target_semaphore(%arg8 : memref<!tpu.dma_semaphore, #tpu.memory_space<semaphore_mem>>)
      %dma_wait3A_128 = arith.constant 1 : i32
      %dma_wait3A_129 = arith.constant 0 : i32
      %dma_wait3A_130 = arith.constant 0 : i32
      %dma_wait3A_131 = tpu.memref_slice %arg6[%dma_wait3A_128, %dma_wait3A_129, %dma_wait3A_130] : memref<4x16x1024xf32, #tpu.memory_space<vmem>> -> memref<1x16x1024xf32, #tpu.memory_space<vmem>>
      %dma_wait3A_132 = tpu.memref_squeeze %dma_wait3A_131 : memref<1x16x1024xf32, #tpu.memory_space<vmem>> -> memref<16x1024xf32, #tpu.memory_space<vmem>>
      %dma_wait3A_133 = tpu.memref_slice %arg5[%add3A_71] : memref<13904xi32, #tpu.memory_space<vmem>> -> memref<16xi32, #tpu.memory_space<vmem>>
      %dma_wait3A_134 = arith.constant 0 : i32
      %dma_wait3A_135 = arith.constant 0 : i32
      %dma_wait3A_136 = tpu.memref_slice %arg2[%dma_wait3A_134, %dma_wait3A_135] : memref<10112x1024xf32, #tpu.memory_space<hbm>> -> memref<10112x1024xf32, #tpu.memory_space<hbm>>
      tpu.wait_indirect_dma semaphore(%arg7 : memref<!tpu.dma_semaphore, #tpu.memory_space<semaphore_mem>>) src(%dma_wait3A_136 : memref<10112x1024xf32, #tpu.memory_space<hbm>>) dst(%dma_wait3A_132 : memref<16x1024xf32, #tpu.memory_space<vmem>>)
      %add3A_137 = arith.addi %mul3A_2, %mul3A_58 : i32
      %add3A_138 = arith.constant 16 : i32
      %add3A_139 = arith.addi %add3A_137, %add3A_138 : i32
      %dma_start3A_140 = arith.constant 1 : i32
      %dma_start3A_141 = arith.constant 0 : i32
      %dma_start3A_142 = arith.constant 0 : i32
      %dma_start3A_143 = tpu.memref_slice %arg6[%dma_start3A_140, %dma_start3A_141, %dma_start3A_142] : memref<4x16x1024xf32, #tpu.memory_space<vmem>> -> memref<1x16x1024xf32, #tpu.memory_space<vmem>>
      %dma_start3A_144 = tpu.memref_squeeze %dma_start3A_143 : memref<1x16x1024xf32, #tpu.memory_space<vmem>> -> memref<16x1024xf32, #tpu.memory_space<vmem>>
      %dma_start3A_145 = arith.constant 0 : i32
      %dma_start3A_146 = tpu.memref_slice %arg4[%add3A_139, %dma_start3A_145] : memref<444928x1024xf32, #tpu.memory_space<hbm>> -> memref<16x1024xf32, #tpu.memory_space<hbm>>
      %dma_start3A_147 = arith.constant 0 : i32
      %dma_start3A_148 = tpu.memref_slice %arg4[%add3A_139, %dma_start3A_147] : memref<444928x1024xf32, #tpu.memory_space<hbm>> -> memref<16x1024xf32, #tpu.memory_space<hbm>>
      %dma_start3A_149 = arith.constant 0 : i32
      %dma_start3A_150 = arith.constant 0 : i32
      %dma_start3A_151 = tpu.memref_slice %arg6[%dma_start3A_140, %dma_start3A_149, %dma_start3A_150] : memref<4x16x1024xf32, #tpu.memory_space<vmem>> -> memref<1x16x1024xf32, #tpu.memory_space<vmem>>
      %dma_start3A_152 = tpu.memref_squeeze %dma_start3A_151 : memref<1x16x1024xf32, #tpu.memory_space<vmem>> -> memref<16x1024xf32, #tpu.memory_space<vmem>>
      tpu.enqueue_dma source(%dma_start3A_152 : memref<16x1024xf32, #tpu.memory_space<vmem>>) target(%dma_start3A_148 : memref<16x1024xf32, #tpu.memory_space<hbm>>) target_semaphore(%arg8 : memref<!tpu.dma_semaphore, #tpu.memory_space<semaphore_mem>>)
      %dma_wait3A_153 = arith.constant 2 : i32
      %dma_wait3A_154 = arith.constant 0 : i32
      %dma_wait3A_155 = arith.constant 0 : i32
      %dma_wait3A_156 = tpu.memref_slice %arg6[%dma_wait3A_153, %dma_wait3A_154, %dma_wait3A_155] : memref<4x16x1024xf32, #tpu.memory_space<vmem>> -> memref<1x16x1024xf32, #tpu.memory_space<vmem>>
      %dma_wait3A_157 = tpu.memref_squeeze %dma_wait3A_156 : memref<1x16x1024xf32, #tpu.memory_space<vmem>> -> memref<16x1024xf32, #tpu.memory_space<vmem>>
      %dma_wait3A_158 = tpu.memref_slice %arg5[%add3A_82] : memref<13904xi32, #tpu.memory_space<vmem>> -> memref<16xi32, #tpu.memory_space<vmem>>
      %dma_wait3A_159 = arith.constant 0 : i32
      %dma_wait3A_160 = arith.constant 0 : i32
      %dma_wait3A_161 = tpu.memref_slice %arg2[%dma_wait3A_159, %dma_wait3A_160] : memref<10112x1024xf32, #tpu.memory_space<hbm>> -> memref<10112x1024xf32, #tpu.memory_space<hbm>>
      tpu.wait_indirect_dma semaphore(%arg7 : memref<!tpu.dma_semaphore, #tpu.memory_space<semaphore_mem>>) src(%dma_wait3A_161 : memref<10112x1024xf32, #tpu.memory_space<hbm>>) dst(%dma_wait3A_157 : memref<16x1024xf32, #tpu.memory_space<vmem>>)
      %add3A_162 = arith.addi %mul3A_2, %mul3A_58 : i32
      %add3A_163 = arith.constant 32 : i32
      %add3A_164 = arith.addi %add3A_162, %add3A_163 : i32
      %dma_start3A_165 = arith.constant 2 : i32
      %dma_start3A_166 = arith.constant 0 : i32
      %dma_start3A_167 = arith.constant 0 : i32
      %dma_start3A_168 = tpu.memref_slice %arg6[%dma_start3A_165, %dma_start3A_166, %dma_start3A_167] : memref<4x16x1024xf32, #tpu.memory_space<vmem>> -> memref<1x16x1024xf32, #tpu.memory_space<vmem>>
      %dma_start3A_169 = tpu.memref_squeeze %dma_start3A_168 : memref<1x16x1024xf32, #tpu.memory_space<vmem>> -> memref<16x1024xf32, #tpu.memory_space<vmem>>
      %dma_start3A_170 = arith.constant 0 : i32
      %dma_start3A_171 = tpu.memref_slice %arg4[%add3A_164, %dma_start3A_170] : memref<444928x1024xf32, #tpu.memory_space<hbm>> -> memref<16x1024xf32, #tpu.memory_space<hbm>>
      %dma_start3A_172 = arith.constant 0 : i32
      %dma_start3A_173 = tpu.memref_slice %arg4[%add3A_164, %dma_start3A_172] : memref<444928x1024xf32, #tpu.memory_space<hbm>> -> memref<16x1024xf32, #tpu.memory_space<hbm>>
      %dma_start3A_174 = arith.constant 0 : i32
      %dma_start3A_175 = arith.constant 0 : i32
      %dma_start3A_176 = tpu.memref_slice %arg6[%dma_start3A_165, %dma_start3A_174, %dma_start3A_175] : memref<4x16x1024xf32, #tpu.memory_space<vmem>> -> memref<1x16x1024xf32, #tpu.memory_space<vmem>>
      %dma_start3A_177 = tpu.memref_squeeze %dma_start3A_176 : memref<1x16x1024xf32, #tpu.memory_space<vmem>> -> memref<16x1024xf32, #tpu.memory_space<vmem>>
      tpu.enqueue_dma source(%dma_start3A_177 : memref<16x1024xf32, #tpu.memory_space<vmem>>) target(%dma_start3A_173 : memref<16x1024xf32, #tpu.memory_space<hbm>>) target_semaphore(%arg8 : memref<!tpu.dma_semaphore, #tpu.memory_space<semaphore_mem>>)
      %dma_wait3A_178 = arith.constant 3 : i32
      %dma_wait3A_179 = arith.constant 0 : i32
      %dma_wait3A_180 = arith.constant 0 : i32
      %dma_wait3A_181 = tpu.memref_slice %arg6[%dma_wait3A_178, %dma_wait3A_179, %dma_wait3A_180] : memref<4x16x1024xf32, #tpu.memory_space<vmem>> -> memref<1x16x1024xf32, #tpu.memory_space<vmem>>
      %dma_wait3A_182 = tpu.memref_squeeze %dma_wait3A_181 : memref<1x16x1024xf32, #tpu.memory_space<vmem>> -> memref<16x1024xf32, #tpu.memory_space<vmem>>
      %dma_wait3A_183 = tpu.memref_slice %arg5[%add3A_93] : memref<13904xi32, #tpu.memory_space<vmem>> -> memref<16xi32, #tpu.memory_space<vmem>>
      %dma_wait3A_184 = arith.constant 0 : i32
      %dma_wait3A_185 = arith.constant 0 : i32
      %dma_wait3A_186 = tpu.memref_slice %arg2[%dma_wait3A_184, %dma_wait3A_185] : memref<10112x1024xf32, #tpu.memory_space<hbm>> -> memref<10112x1024xf32, #tpu.memory_space<hbm>>
      tpu.wait_indirect_dma semaphore(%arg7 : memref<!tpu.dma_semaphore, #tpu.memory_space<semaphore_mem>>) src(%dma_wait3A_186 : memref<10112x1024xf32, #tpu.memory_space<hbm>>) dst(%dma_wait3A_182 : memref<16x1024xf32, #tpu.memory_space<vmem>>)
      %add3A_187 = arith.addi %mul3A_2, %mul3A_58 : i32
      %add3A_188 = arith.constant 48 : i32
      %add3A_189 = arith.addi %add3A_187, %add3A_188 : i32
      %dma_start3A_190 = arith.constant 3 : i32
      %dma_start3A_191 = arith.constant 0 : i32
      %dma_start3A_192 = arith.constant 0 : i32
      %dma_start3A_193 = tpu.memref_slice %arg6[%dma_start3A_190, %dma_start3A_191, %dma_start3A_192] : memref<4x16x1024xf32, #tpu.memory_space<vmem>> -> memref<1x16x1024xf32, #tpu.memory_space<vmem>>
      %dma_start3A_194 = tpu.memref_squeeze %dma_start3A_193 : memref<1x16x1024xf32, #tpu.memory_space<vmem>> -> memref<16x1024xf32, #tpu.memory_space<vmem>>
      %dma_start3A_195 = arith.constant 0 : i32
      %dma_start3A_196 = tpu.memref_slice %arg4[%add3A_189, %dma_start3A_195] : memref<444928x1024xf32, #tpu.memory_space<hbm>> -> memref<16x1024xf32, #tpu.memory_space<hbm>>
      %dma_start3A_197 = arith.constant 0 : i32
      %dma_start3A_198 = tpu.memref_slice %arg4[%add3A_189, %dma_start3A_197] : memref<444928x1024xf32, #tpu.memory_space<hbm>> -> memref<16x1024xf32, #tpu.memory_space<hbm>>
      %dma_start3A_199 = arith.constant 0 : i32
      %dma_start3A_200 = arith.constant 0 : i32
      %dma_start3A_201 = tpu.memref_slice %arg6[%dma_start3A_190, %dma_start3A_199, %dma_start3A_200] : memref<4x16x1024xf32, #tpu.memory_space<vmem>> -> memref<1x16x1024xf32, #tpu.memory_space<vmem>>
      %dma_start3A_202 = tpu.memref_squeeze %dma_start3A_201 : memref<1x16x1024xf32, #tpu.memory_space<vmem>> -> memref<16x1024xf32, #tpu.memory_space<vmem>>
      tpu.enqueue_dma source(%dma_start3A_202 : memref<16x1024xf32, #tpu.memory_space<vmem>>) target(%dma_start3A_198 : memref<16x1024xf32, #tpu.memory_space<hbm>>) target_semaphore(%arg8 : memref<!tpu.dma_semaphore, #tpu.memory_space<semaphore_mem>>)
      %dma_wait3A_203 = arith.constant 0 : i32
      %dma_wait3A_204 = arith.constant 0 : i32
      %dma_wait3A_205 = arith.constant 0 : i32
      %dma_wait3A_206 = tpu.memref_slice %arg6[%dma_wait3A_203, %dma_wait3A_204, %dma_wait3A_205] : memref<4x16x1024xf32, #tpu.memory_space<vmem>> -> memref<1x16x1024xf32, #tpu.memory_space<vmem>>
      %dma_wait3A_207 = tpu.memref_squeeze %dma_wait3A_206 : memref<1x16x1024xf32, #tpu.memory_space<vmem>> -> memref<16x1024xf32, #tpu.memory_space<vmem>>
      %dma_wait3A_208 = arith.constant 0 : i32
      %dma_wait3A_209 = tpu.memref_slice %arg4[%add3A_114, %dma_wait3A_208] : memref<444928x1024xf32, #tpu.memory_space<hbm>> -> memref<16x1024xf32, #tpu.memory_space<hbm>>
      %dma_wait3A_210 = arith.constant 0 : i32
      %dma_wait3A_211 = tpu.memref_slice %arg4[%add3A_114, %dma_wait3A_210] : memref<444928x1024xf32, #tpu.memory_space<hbm>> -> memref<16x1024xf32, #tpu.memory_space<hbm>>
      %dma_wait3A_212 = arith.constant 0 : i32
      %dma_wait3A_213 = arith.constant 0 : i32
      %dma_wait3A_214 = tpu.memref_slice %arg6[%dma_wait3A_203, %dma_wait3A_212, %dma_wait3A_213] : memref<4x16x1024xf32, #tpu.memory_space<vmem>> -> memref<1x16x1024xf32, #tpu.memory_space<vmem>>
      %dma_wait3A_215 = tpu.memref_squeeze %dma_wait3A_214 : memref<1x16x1024xf32, #tpu.memory_space<vmem>> -> memref<16x1024xf32, #tpu.memory_space<vmem>>
      tpu.wait_dma2 semaphore(%arg8 : memref<!tpu.dma_semaphore, #tpu.memory_space<semaphore_mem>>) src(%dma_wait3A_215 : memref<16x1024xf32, #tpu.memory_space<vmem>>) dst(%dma_wait3A_211 : memref<16x1024xf32, #tpu.memory_space<hbm>>)
      %dma_wait3A_216 = arith.constant 1 : i32
      %dma_wait3A_217 = arith.constant 0 : i32
      %dma_wait3A_218 = arith.constant 0 : i32
      %dma_wait3A_219 = tpu.memref_slice %arg6[%dma_wait3A_216, %dma_wait3A_217, %dma_wait3A_218] : memref<4x16x1024xf32, #tpu.memory_space<vmem>> -> memref<1x16x1024xf32, #tpu.memory_space<vmem>>
      %dma_wait3A_220 = tpu.memref_squeeze %dma_wait3A_219 : memref<1x16x1024xf32, #tpu.memory_space<vmem>> -> memref<16x1024xf32, #tpu.memory_space<vmem>>
      %dma_wait3A_221 = arith.constant 0 : i32
      %dma_wait3A_222 = tpu.memref_slice %arg4[%add3A_139, %dma_wait3A_221] : memref<444928x1024xf32, #tpu.memory_space<hbm>> -> memref<16x1024xf32, #tpu.memory_space<hbm>>
      %dma_wait3A_223 = arith.constant 0 : i32
      %dma_wait3A_224 = tpu.memref_slice %arg4[%add3A_139, %dma_wait3A_223] : memref<444928x1024xf32, #tpu.memory_space<hbm>> -> memref<16x1024xf32, #tpu.memory_space<hbm>>
      %dma_wait3A_225 = arith.constant 0 : i32
      %dma_wait3A_226 = arith.constant 0 : i32
      %dma_wait3A_227 = tpu.memref_slice %arg6[%dma_wait3A_216, %dma_wait3A_225, %dma_wait3A_226] : memref<4x16x1024xf32, #tpu.memory_space<vmem>> -> memref<1x16x1024xf32, #tpu.memory_space<vmem>>
      %dma_wait3A_228 = tpu.memref_squeeze %dma_wait3A_227 : memref<1x16x1024xf32, #tpu.memory_space<vmem>> -> memref<16x1024xf32, #tpu.memory_space<vmem>>
      tpu.wait_dma2 semaphore(%arg8 : memref<!tpu.dma_semaphore, #tpu.memory_space<semaphore_mem>>) src(%dma_wait3A_228 : memref<16x1024xf32, #tpu.memory_space<vmem>>) dst(%dma_wait3A_224 : memref<16x1024xf32, #tpu.memory_space<hbm>>)
      %dma_wait3A_229 = arith.constant 2 : i32
      %dma_wait3A_230 = arith.constant 0 : i32
      %dma_wait3A_231 = arith.constant 0 : i32
      %dma_wait3A_232 = tpu.memref_slice %arg6[%dma_wait3A_229, %dma_wait3A_230, %dma_wait3A_231] : memref<4x16x1024xf32, #tpu.memory_space<vmem>> -> memref<1x16x1024xf32, #tpu.memory_space<vmem>>
      %dma_wait3A_233 = tpu.memref_squeeze %dma_wait3A_232 : memref<1x16x1024xf32, #tpu.memory_space<vmem>> -> memref<16x1024xf32, #tpu.memory_space<vmem>>
      %dma_wait3A_234 = arith.constant 0 : i32
      %dma_wait3A_235 = tpu.memref_slice %arg4[%add3A_164, %dma_wait3A_234] : memref<444928x1024xf32, #tpu.memory_space<hbm>> -> memref<16x1024xf32, #tpu.memory_space<hbm>>
      %dma_wait3A_236 = arith.constant 0 : i32
      %dma_wait3A_237 = tpu.memref_slice %arg4[%add3A_164, %dma_wait3A_236] : memref<444928x1024xf32, #tpu.memory_space<hbm>> -> memref<16x1024xf32, #tpu.memory_space<hbm>>
      %dma_wait3A_238 = arith.constant 0 : i32
      %dma_wait3A_239 = arith.constant 0 : i32
      %dma_wait3A_240 = tpu.memref_slice %arg6[%dma_wait3A_229, %dma_wait3A_238, %dma_wait3A_239] : memref<4x16x1024xf32, #tpu.memory_space<vmem>> -> memref<1x16x1024xf32, #tpu.memory_space<vmem>>
      %dma_wait3A_241 = tpu.memref_squeeze %dma_wait3A_240 : memref<1x16x1024xf32, #tpu.memory_space<vmem>> -> memref<16x1024xf32, #tpu.memory_space<vmem>>
      tpu.wait_dma2 semaphore(%arg8 : memref<!tpu.dma_semaphore, #tpu.memory_space<semaphore_mem>>) src(%dma_wait3A_241 : memref<16x1024xf32, #tpu.memory_space<vmem>>) dst(%dma_wait3A_237 : memref<16x1024xf32, #tpu.memory_space<hbm>>)
      %dma_wait3A_242 = arith.constant 3 : i32
      %dma_wait3A_243 = arith.constant 0 : i32
      %dma_wait3A_244 = arith.constant 0 : i32
      %dma_wait3A_245 = tpu.memref_slice %arg6[%dma_wait3A_242, %dma_wait3A_243, %dma_wait3A_244] : memref<4x16x1024xf32, #tpu.memory_space<vmem>> -> memref<1x16x1024xf32, #tpu.memory_space<vmem>>
      %dma_wait3A_246 = tpu.memref_squeeze %dma_wait3A_245 : memref<1x16x1024xf32, #tpu.memory_space<vmem>> -> memref<16x1024xf32, #tpu.memory_space<vmem>>
      %dma_wait3A_247 = arith.constant 0 : i32
      %dma_wait3A_248 = tpu.memref_slice %arg4[%add3A_189, %dma_wait3A_247] : memref<444928x1024xf32, #tpu.memory_space<hbm>> -> memref<16x1024xf32, #tpu.memory_space<hbm>>
      %dma_wait3A_249 = arith.constant 0 : i32
      %dma_wait3A_250 = tpu.memref_slice %arg4[%add3A_189, %dma_wait3A_249] : memref<444928x1024xf32, #tpu.memory_space<hbm>> -> memref<16x1024xf32, #tpu.memory_space<hbm>>
      %dma_wait3A_251 = arith.constant 0 : i32
      %dma_wait3A_252 = arith.constant 0 : i32
      %dma_wait3A_253 = tpu.memref_slice %arg6[%dma_wait3A_242, %dma_wait3A_251, %dma_wait3A_252] : memref<4x16x1024xf32, #tpu.memory_space<vmem>> -> memref<1x16x1024xf32, #tpu.memory_space<vmem>>
      %dma_wait3A_254 = tpu.memref_squeeze %dma_wait3A_253 : memref<1x16x1024xf32, #tpu.memory_space<vmem>> -> memref<16x1024xf32, #tpu.memory_space<vmem>>
      tpu.wait_dma2 semaphore(%arg8 : memref<!tpu.dma_semaphore, #tpu.memory_space<semaphore_mem>>) src(%dma_wait3A_254 : memref<16x1024xf32, #tpu.memory_space<vmem>>) dst(%dma_wait3A_250 : memref<16x1024xf32, #tpu.memory_space<hbm>>)
    }
    %scan3A_7 = arith.constant 217 : i32
    %dma_start3A = arith.constant 0 : i32
    %dma_start3A_8 = arith.constant 0 : i32
    %dma_start3A_9 = arith.constant 0 : i32
    %dma_start3A_10 = tpu.memref_slice %arg6[%dma_start3A, %dma_start3A_8, %dma_start3A_9] : memref<4x16x1024xf32, #tpu.memory_space<vmem>> -> memref<1x16x1024xf32, #tpu.memory_space<vmem>>
    %dma_start3A_11 = tpu.memref_squeeze %dma_start3A_10 : memref<1x16x1024xf32, #tpu.memory_space<vmem>> -> memref<16x1024xf32, #tpu.memory_space<vmem>>
    %dma_start3A_12 = arith.constant 13888 : i32
    %dma_start3A_13 = tpu.memref_slice %arg5[%dma_start3A_12] : memref<13904xi32, #tpu.memory_space<vmem>> -> memref<16xi32, #tpu.memory_space<vmem>>
    %dma_start3A_14 = arith.constant 0 : i32
    %dma_start3A_15 = arith.constant 0 : i32
    %dma_start3A_16 = tpu.memref_slice %arg2[%dma_start3A_14, %dma_start3A_15] : memref<10112x1024xf32, #tpu.memory_space<hbm>> -> memref<10112x1024xf32, #tpu.memory_space<hbm>>
    tpu.enqueue_indirect_dma source(%dma_start3A_16 : memref<10112x1024xf32, #tpu.memory_space<hbm>>) target(%dma_start3A_11 : memref<16x1024xf32, #tpu.memory_space<vmem>>) offsets(%dma_start3A_13 : memref<16xi32, #tpu.memory_space<vmem>>) semaphore(%arg7 : memref<!tpu.dma_semaphore, #tpu.memory_space<semaphore_mem>>)
    %dma_wait3A = arith.constant 0 : i32
    %dma_wait3A_17 = arith.constant 0 : i32
    %dma_wait3A_18 = arith.constant 0 : i32
    %dma_wait3A_19 = tpu.memref_slice %arg6[%dma_wait3A, %dma_wait3A_17, %dma_wait3A_18] : memref<4x16x1024xf32, #tpu.memory_space<vmem>> -> memref<1x16x1024xf32, #tpu.memory_space<vmem>>
    %dma_wait3A_20 = tpu.memref_squeeze %dma_wait3A_19 : memref<1x16x1024xf32, #tpu.memory_space<vmem>> -> memref<16x1024xf32, #tpu.memory_space<vmem>>
    %dma_wait3A_21 = arith.constant 13888 : i32
    %dma_wait3A_22 = tpu.memref_slice %arg5[%dma_wait3A_21] : memref<13904xi32, #tpu.memory_space<vmem>> -> memref<16xi32, #tpu.memory_space<vmem>>
    %dma_wait3A_23 = arith.constant 0 : i32
    %dma_wait3A_24 = arith.constant 0 : i32
    %dma_wait3A_25 = tpu.memref_slice %arg2[%dma_wait3A_23, %dma_wait3A_24] : memref<10112x1024xf32, #tpu.memory_space<hbm>> -> memref<10112x1024xf32, #tpu.memory_space<hbm>>
    tpu.wait_indirect_dma semaphore(%arg7 : memref<!tpu.dma_semaphore, #tpu.memory_space<semaphore_mem>>) src(%dma_wait3A_25 : memref<10112x1024xf32, #tpu.memory_space<hbm>>) dst(%dma_wait3A_20 : memref<16x1024xf32, #tpu.memory_space<vmem>>)
    %add3A_26 = arith.constant 13888 : i32
    %add3A_27 = arith.addi %mul3A_2, %add3A_26 : i32
    %add3A_28 = arith.constant 0 : i32
    %add3A_29 = arith.addi %add3A_27, %add3A_28 : i32
    %dma_start3A_30 = arith.constant 0 : i32
    %dma_start3A_31 = arith.constant 0 : i32
    %dma_start3A_32 = arith.constant 0 : i32
    %dma_start3A_33 = tpu.memref_slice %arg6[%dma_start3A_30, %dma_start3A_31, %dma_start3A_32] : memref<4x16x1024xf32, #tpu.memory_space<vmem>> -> memref<1x16x1024xf32, #tpu.memory_space<vmem>>
    %dma_start3A_34 = tpu.memref_squeeze %dma_start3A_33 : memref<1x16x1024xf32, #tpu.memory_space<vmem>> -> memref<16x1024xf32, #tpu.memory_space<vmem>>
    %dma_start3A_35 = arith.constant 0 : i32
    %dma_start3A_36 = tpu.memref_slice %arg4[%add3A_29, %dma_start3A_35] : memref<444928x1024xf32, #tpu.memory_space<hbm>> -> memref<16x1024xf32, #tpu.memory_space<hbm>>
    %dma_start3A_37 = arith.constant 0 : i32
    %dma_start3A_38 = tpu.memref_slice %arg4[%add3A_29, %dma_start3A_37] : memref<444928x1024xf32, #tpu.memory_space<hbm>> -> memref<16x1024xf32, #tpu.memory_space<hbm>>
    %dma_start3A_39 = arith.constant 0 : i32
    %dma_start3A_40 = arith.constant 0 : i32
    %dma_start3A_41 = tpu.memref_slice %arg6[%dma_start3A_30, %dma_start3A_39, %dma_start3A_40] : memref<4x16x1024xf32, #tpu.memory_space<vmem>> -> memref<1x16x1024xf32, #tpu.memory_space<vmem>>
    %dma_start3A_42 = tpu.memref_squeeze %dma_start3A_41 : memref<1x16x1024xf32, #tpu.memory_space<vmem>> -> memref<16x1024xf32, #tpu.memory_space<vmem>>
    tpu.enqueue_dma source(%dma_start3A_42 : memref<16x1024xf32, #tpu.memory_space<vmem>>) target(%dma_start3A_38 : memref<16x1024xf32, #tpu.memory_space<hbm>>) target_semaphore(%arg8 : memref<!tpu.dma_semaphore, #tpu.memory_space<semaphore_mem>>)
    %dma_wait3A_43 = arith.constant 0 : i32
    %dma_wait3A_44 = arith.constant 0 : i32
    %dma_wait3A_45 = arith.constant 0 : i32
    %dma_wait3A_46 = tpu.memref_slice %arg6[%dma_wait3A_43, %dma_wait3A_44, %dma_wait3A_45] : memref<4x16x1024xf32, #tpu.memory_space<vmem>> -> memref<1x16x1024xf32, #tpu.memory_space<vmem>>
    %dma_wait3A_47 = tpu.memref_squeeze %dma_wait3A_46 : memref<1x16x1024xf32, #tpu.memory_space<vmem>> -> memref<16x1024xf32, #tpu.memory_space<vmem>>
    %dma_wait3A_48 = arith.constant 0 : i32
    %dma_wait3A_49 = tpu.memref_slice %arg4[%add3A_29, %dma_wait3A_48] : memref<444928x1024xf32, #tpu.memory_space<hbm>> -> memref<16x1024xf32, #tpu.memory_space<hbm>>
    %dma_wait3A_50 = arith.constant 0 : i32
    %dma_wait3A_51 = tpu.memref_slice %arg4[%add3A_29, %dma_wait3A_50] : memref<444928x1024xf32, #tpu.memory_space<hbm>> -> memref<16x1024xf32, #tpu.memory_space<hbm>>
    %dma_wait3A_52 = arith.constant 0 : i32
    %dma_wait3A_53 = arith.constant 0 : i32
    %dma_wait3A_54 = tpu.memref_slice %arg6[%dma_wait3A_43, %dma_wait3A_52, %dma_wait3A_53] : memref<4x16x1024xf32, #tpu.memory_space<vmem>> -> memref<1x16x1024xf32, #tpu.memory_space<vmem>>
    %dma_wait3A_55 = tpu.memref_squeeze %dma_wait3A_54 : memref<1x16x1024xf32, #tpu.memory_space<vmem>> -> memref<16x1024xf32, #tpu.memory_space<vmem>>
    tpu.wait_dma2 semaphore(%arg8 : memref<!tpu.dma_semaphore, #tpu.memory_space<semaphore_mem>>) src(%dma_wait3A_55 : memref<16x1024xf32, #tpu.memory_space<vmem>>) dst(%dma_wait3A_51 : memref<16x1024xf32, #tpu.memory_space<hbm>>)
    return
  }
}

#map = affine_map<(d0, d1) -> (0, 0)>
#map1 = affine_map<(d0, d1) -> (0)>
module attributes {stable_mosaic.version = 14 : i64} {
  func.func @gath(%arg0: i32, %arg1: i32, %arg2: memref<10112x128xf32, #tpu.memory_space<hbm>>, %arg3: memref<444928xi32, #tpu.memory_space<hbm>>, %arg4: memref<444928x128xf32, #tpu.memory_space<hbm>>, %arg5: memref<13904xi32, #tpu.memory_space<vmem>>, %arg6: memref<4x176x128xf32, #tpu.memory_space<vmem>>, %arg7: memref<!tpu.dma_semaphore, #tpu.memory_space<semaphore_mem>>, %arg8: memref<!tpu.dma_semaphore, #tpu.memory_space<semaphore_mem>>) attributes {dimension_semantics = [#tpu.dimension_semantics<core_parallel>, #tpu.dimension_semantics<subcore_parallel>], iteration_bounds = array<i64: 2, 16>, scalar_prefetch = 0 : i64, scratch_operands = 4 : i64, tpu.core_type = #tpu.core_type<sc_vector_subcore>, window_params = [{transform_indices = #map}, {transform_indices = #map1}, {transform_indices = #map}]} {
    %mul3A = arith.constant 2 : i32
    %mul3A_0 = arith.muli %arg1, %mul3A : i32
    %add3A = arith.addi %mul3A_0, %arg0 : i32
    %mul3A_1 = arith.constant 13904 : i32
    %mul3A_2 = arith.muli %add3A, %mul3A_1 : i32
    "tpu.region"() ({
      %run_scoped3A = tpu.sem_alloc : memref<!tpu.dma_semaphore, #tpu.memory_space<semaphore_mem>>
      %dma_start3A_156 = tpu.memref_slice %arg3[%mul3A_2] : memref<444928xi32, #tpu.memory_space<hbm>> -> memref<13904xi32, #tpu.memory_space<hbm>>
      %dma_start3A_157 = tpu.memref_slice %arg3[%mul3A_2] : memref<444928xi32, #tpu.memory_space<hbm>> -> memref<13904xi32, #tpu.memory_space<hbm>>
      tpu.enqueue_dma source(%dma_start3A_157 : memref<13904xi32, #tpu.memory_space<hbm>>) target(%arg5 : memref<13904xi32, #tpu.memory_space<vmem>>) target_semaphore(%run_scoped3A : memref<!tpu.dma_semaphore, #tpu.memory_space<semaphore_mem>>)
      %dma_wait3A_158 = tpu.memref_slice %arg3[%mul3A_2] : memref<444928xi32, #tpu.memory_space<hbm>> -> memref<13904xi32, #tpu.memory_space<hbm>>
      %dma_wait3A_159 = tpu.memref_slice %arg3[%mul3A_2] : memref<444928xi32, #tpu.memory_space<hbm>> -> memref<13904xi32, #tpu.memory_space<hbm>>
      tpu.wait_dma2 semaphore(%run_scoped3A : memref<!tpu.dma_semaphore, #tpu.memory_space<semaphore_mem>>) src(%dma_wait3A_159 : memref<13904xi32, #tpu.memory_space<hbm>>) dst(%arg5 : memref<13904xi32, #tpu.memory_space<vmem>>)
      tpu.yield
    }) : () -> ()
    %scan3A = arith.constant 0 : i32
    %scan3A_3 = arith.constant 0 : i32
    %scan3A_4 = arith.constant 19 : i32
    %scan3A_5 = arith.addi %scan3A_3, %scan3A_4 : i32
    %scan3A_6 = arith.constant 1 : i32
    scf.for %scan3A_156 = %scan3A_3 to %scan3A_5 step %scan3A_6  : i32 {
      %mul3A_157 = arith.constant 704 : i32
      %mul3A_158 = arith.muli %scan3A_156, %mul3A_157 : i32
      %add3A_159 = arith.constant 0 : i32
      %add3A_160 = arith.addi %mul3A_158, %add3A_159 : i32
      %dma_start3A_161 = arith.constant 0 : i32
      %dma_start3A_162 = arith.constant 0 : i32
      %dma_start3A_163 = arith.constant 0 : i32
      %dma_start3A_164 = tpu.memref_slice %arg6[%dma_start3A_161, %dma_start3A_162, %dma_start3A_163] : memref<4x176x128xf32, #tpu.memory_space<vmem>> -> memref<1x176x128xf32, #tpu.memory_space<vmem>>
      %dma_start3A_165 = tpu.memref_squeeze %dma_start3A_164 : memref<1x176x128xf32, #tpu.memory_space<vmem>> -> memref<176x128xf32, #tpu.memory_space<vmem>>
      %dma_start3A_166 = tpu.memref_slice %arg5[%add3A_160] : memref<13904xi32, #tpu.memory_space<vmem>> -> memref<176xi32, #tpu.memory_space<vmem>>
      %dma_start3A_167 = arith.constant 0 : i32
      %dma_start3A_168 = arith.constant 0 : i32
      %dma_start3A_169 = tpu.memref_slice %arg2[%dma_start3A_167, %dma_start3A_168] : memref<10112x128xf32, #tpu.memory_space<hbm>> -> memref<10112x128xf32, #tpu.memory_space<hbm>>
      tpu.enqueue_indirect_dma source(%dma_start3A_169 : memref<10112x128xf32, #tpu.memory_space<hbm>>) target(%dma_start3A_165 : memref<176x128xf32, #tpu.memory_space<vmem>>) offsets(%dma_start3A_166 : memref<176xi32, #tpu.memory_space<vmem>>) semaphore(%arg7 : memref<!tpu.dma_semaphore, #tpu.memory_space<semaphore_mem>>)
      %add3A_170 = arith.constant 176 : i32
      %add3A_171 = arith.addi %mul3A_158, %add3A_170 : i32
      %dma_start3A_172 = arith.constant 1 : i32
      %dma_start3A_173 = arith.constant 0 : i32
      %dma_start3A_174 = arith.constant 0 : i32
      %dma_start3A_175 = tpu.memref_slice %arg6[%dma_start3A_172, %dma_start3A_173, %dma_start3A_174] : memref<4x176x128xf32, #tpu.memory_space<vmem>> -> memref<1x176x128xf32, #tpu.memory_space<vmem>>
      %dma_start3A_176 = tpu.memref_squeeze %dma_start3A_175 : memref<1x176x128xf32, #tpu.memory_space<vmem>> -> memref<176x128xf32, #tpu.memory_space<vmem>>
      %dma_start3A_177 = tpu.memref_slice %arg5[%add3A_171] : memref<13904xi32, #tpu.memory_space<vmem>> -> memref<176xi32, #tpu.memory_space<vmem>>
      %dma_start3A_178 = arith.constant 0 : i32
      %dma_start3A_179 = arith.constant 0 : i32
      %dma_start3A_180 = tpu.memref_slice %arg2[%dma_start3A_178, %dma_start3A_179] : memref<10112x128xf32, #tpu.memory_space<hbm>> -> memref<10112x128xf32, #tpu.memory_space<hbm>>
      tpu.enqueue_indirect_dma source(%dma_start3A_180 : memref<10112x128xf32, #tpu.memory_space<hbm>>) target(%dma_start3A_176 : memref<176x128xf32, #tpu.memory_space<vmem>>) offsets(%dma_start3A_177 : memref<176xi32, #tpu.memory_space<vmem>>) semaphore(%arg7 : memref<!tpu.dma_semaphore, #tpu.memory_space<semaphore_mem>>)
      %add3A_181 = arith.constant 352 : i32
      %add3A_182 = arith.addi %mul3A_158, %add3A_181 : i32
      %dma_start3A_183 = arith.constant 2 : i32
      %dma_start3A_184 = arith.constant 0 : i32
      %dma_start3A_185 = arith.constant 0 : i32
      %dma_start3A_186 = tpu.memref_slice %arg6[%dma_start3A_183, %dma_start3A_184, %dma_start3A_185] : memref<4x176x128xf32, #tpu.memory_space<vmem>> -> memref<1x176x128xf32, #tpu.memory_space<vmem>>
      %dma_start3A_187 = tpu.memref_squeeze %dma_start3A_186 : memref<1x176x128xf32, #tpu.memory_space<vmem>> -> memref<176x128xf32, #tpu.memory_space<vmem>>
      %dma_start3A_188 = tpu.memref_slice %arg5[%add3A_182] : memref<13904xi32, #tpu.memory_space<vmem>> -> memref<176xi32, #tpu.memory_space<vmem>>
      %dma_start3A_189 = arith.constant 0 : i32
      %dma_start3A_190 = arith.constant 0 : i32
      %dma_start3A_191 = tpu.memref_slice %arg2[%dma_start3A_189, %dma_start3A_190] : memref<10112x128xf32, #tpu.memory_space<hbm>> -> memref<10112x128xf32, #tpu.memory_space<hbm>>
      tpu.enqueue_indirect_dma source(%dma_start3A_191 : memref<10112x128xf32, #tpu.memory_space<hbm>>) target(%dma_start3A_187 : memref<176x128xf32, #tpu.memory_space<vmem>>) offsets(%dma_start3A_188 : memref<176xi32, #tpu.memory_space<vmem>>) semaphore(%arg7 : memref<!tpu.dma_semaphore, #tpu.memory_space<semaphore_mem>>)
      %add3A_192 = arith.constant 528 : i32
      %add3A_193 = arith.addi %mul3A_158, %add3A_192 : i32
      %dma_start3A_194 = arith.constant 3 : i32
      %dma_start3A_195 = arith.constant 0 : i32
      %dma_start3A_196 = arith.constant 0 : i32
      %dma_start3A_197 = tpu.memref_slice %arg6[%dma_start3A_194, %dma_start3A_195, %dma_start3A_196] : memref<4x176x128xf32, #tpu.memory_space<vmem>> -> memref<1x176x128xf32, #tpu.memory_space<vmem>>
      %dma_start3A_198 = tpu.memref_squeeze %dma_start3A_197 : memref<1x176x128xf32, #tpu.memory_space<vmem>> -> memref<176x128xf32, #tpu.memory_space<vmem>>
      %dma_start3A_199 = tpu.memref_slice %arg5[%add3A_193] : memref<13904xi32, #tpu.memory_space<vmem>> -> memref<176xi32, #tpu.memory_space<vmem>>
      %dma_start3A_200 = arith.constant 0 : i32
      %dma_start3A_201 = arith.constant 0 : i32
      %dma_start3A_202 = tpu.memref_slice %arg2[%dma_start3A_200, %dma_start3A_201] : memref<10112x128xf32, #tpu.memory_space<hbm>> -> memref<10112x128xf32, #tpu.memory_space<hbm>>
      tpu.enqueue_indirect_dma source(%dma_start3A_202 : memref<10112x128xf32, #tpu.memory_space<hbm>>) target(%dma_start3A_198 : memref<176x128xf32, #tpu.memory_space<vmem>>) offsets(%dma_start3A_199 : memref<176xi32, #tpu.memory_space<vmem>>) semaphore(%arg7 : memref<!tpu.dma_semaphore, #tpu.memory_space<semaphore_mem>>)
      %dma_wait3A_203 = arith.constant 0 : i32
      %dma_wait3A_204 = arith.constant 0 : i32
      %dma_wait3A_205 = arith.constant 0 : i32
      %dma_wait3A_206 = tpu.memref_slice %arg6[%dma_wait3A_203, %dma_wait3A_204, %dma_wait3A_205] : memref<4x176x128xf32, #tpu.memory_space<vmem>> -> memref<1x176x128xf32, #tpu.memory_space<vmem>>
      %dma_wait3A_207 = tpu.memref_squeeze %dma_wait3A_206 : memref<1x176x128xf32, #tpu.memory_space<vmem>> -> memref<176x128xf32, #tpu.memory_space<vmem>>
      %dma_wait3A_208 = tpu.memref_slice %arg5[%add3A_160] : memref<13904xi32, #tpu.memory_space<vmem>> -> memref<176xi32, #tpu.memory_space<vmem>>
      %dma_wait3A_209 = arith.constant 0 : i32
      %dma_wait3A_210 = arith.constant 0 : i32
      %dma_wait3A_211 = tpu.memref_slice %arg2[%dma_wait3A_209, %dma_wait3A_210] : memref<10112x128xf32, #tpu.memory_space<hbm>> -> memref<10112x128xf32, #tpu.memory_space<hbm>>
      tpu.wait_indirect_dma semaphore(%arg7 : memref<!tpu.dma_semaphore, #tpu.memory_space<semaphore_mem>>) src(%dma_wait3A_211 : memref<10112x128xf32, #tpu.memory_space<hbm>>) dst(%dma_wait3A_207 : memref<176x128xf32, #tpu.memory_space<vmem>>)
      %add3A_212 = arith.addi %mul3A_2, %mul3A_158 : i32
      %add3A_213 = arith.constant 0 : i32
      %add3A_214 = arith.addi %add3A_212, %add3A_213 : i32
      %dma_start3A_215 = arith.constant 0 : i32
      %dma_start3A_216 = arith.constant 0 : i32
      %dma_start3A_217 = arith.constant 0 : i32
      %dma_start3A_218 = tpu.memref_slice %arg6[%dma_start3A_215, %dma_start3A_216, %dma_start3A_217] : memref<4x176x128xf32, #tpu.memory_space<vmem>> -> memref<1x176x128xf32, #tpu.memory_space<vmem>>
      %dma_start3A_219 = tpu.memref_squeeze %dma_start3A_218 : memref<1x176x128xf32, #tpu.memory_space<vmem>> -> memref<176x128xf32, #tpu.memory_space<vmem>>
      %dma_start3A_220 = arith.constant 0 : i32
      %dma_start3A_221 = tpu.memref_slice %arg4[%add3A_214, %dma_start3A_220] : memref<444928x128xf32, #tpu.memory_space<hbm>> -> memref<176x128xf32, #tpu.memory_space<hbm>>
      %dma_start3A_222 = arith.constant 0 : i32
      %dma_start3A_223 = tpu.memref_slice %arg4[%add3A_214, %dma_start3A_222] : memref<444928x128xf32, #tpu.memory_space<hbm>> -> memref<176x128xf32, #tpu.memory_space<hbm>>
      %dma_start3A_224 = arith.constant 0 : i32
      %dma_start3A_225 = arith.constant 0 : i32
      %dma_start3A_226 = tpu.memref_slice %arg6[%dma_start3A_215, %dma_start3A_224, %dma_start3A_225] : memref<4x176x128xf32, #tpu.memory_space<vmem>> -> memref<1x176x128xf32, #tpu.memory_space<vmem>>
      %dma_start3A_227 = tpu.memref_squeeze %dma_start3A_226 : memref<1x176x128xf32, #tpu.memory_space<vmem>> -> memref<176x128xf32, #tpu.memory_space<vmem>>
      tpu.enqueue_dma source(%dma_start3A_227 : memref<176x128xf32, #tpu.memory_space<vmem>>) target(%dma_start3A_223 : memref<176x128xf32, #tpu.memory_space<hbm>>) target_semaphore(%arg8 : memref<!tpu.dma_semaphore, #tpu.memory_space<semaphore_mem>>)
      %dma_wait3A_228 = arith.constant 1 : i32
      %dma_wait3A_229 = arith.constant 0 : i32
      %dma_wait3A_230 = arith.constant 0 : i32
      %dma_wait3A_231 = tpu.memref_slice %arg6[%dma_wait3A_228, %dma_wait3A_229, %dma_wait3A_230] : memref<4x176x128xf32, #tpu.memory_space<vmem>> -> memref<1x176x128xf32, #tpu.memory_space<vmem>>
      %dma_wait3A_232 = tpu.memref_squeeze %dma_wait3A_231 : memref<1x176x128xf32, #tpu.memory_space<vmem>> -> memref<176x128xf32, #tpu.memory_space<vmem>>
      %dma_wait3A_233 = tpu.memref_slice %arg5[%add3A_171] : memref<13904xi32, #tpu.memory_space<vmem>> -> memref<176xi32, #tpu.memory_space<vmem>>
      %dma_wait3A_234 = arith.constant 0 : i32
      %dma_wait3A_235 = arith.constant 0 : i32
      %dma_wait3A_236 = tpu.memref_slice %arg2[%dma_wait3A_234, %dma_wait3A_235] : memref<10112x128xf32, #tpu.memory_space<hbm>> -> memref<10112x128xf32, #tpu.memory_space<hbm>>
      tpu.wait_indirect_dma semaphore(%arg7 : memref<!tpu.dma_semaphore, #tpu.memory_space<semaphore_mem>>) src(%dma_wait3A_236 : memref<10112x128xf32, #tpu.memory_space<hbm>>) dst(%dma_wait3A_232 : memref<176x128xf32, #tpu.memory_space<vmem>>)
      %add3A_237 = arith.addi %mul3A_2, %mul3A_158 : i32
      %add3A_238 = arith.constant 176 : i32
      %add3A_239 = arith.addi %add3A_237, %add3A_238 : i32
      %dma_start3A_240 = arith.constant 1 : i32
      %dma_start3A_241 = arith.constant 0 : i32
      %dma_start3A_242 = arith.constant 0 : i32
      %dma_start3A_243 = tpu.memref_slice %arg6[%dma_start3A_240, %dma_start3A_241, %dma_start3A_242] : memref<4x176x128xf32, #tpu.memory_space<vmem>> -> memref<1x176x128xf32, #tpu.memory_space<vmem>>
      %dma_start3A_244 = tpu.memref_squeeze %dma_start3A_243 : memref<1x176x128xf32, #tpu.memory_space<vmem>> -> memref<176x128xf32, #tpu.memory_space<vmem>>
      %dma_start3A_245 = arith.constant 0 : i32
      %dma_start3A_246 = tpu.memref_slice %arg4[%add3A_239, %dma_start3A_245] : memref<444928x128xf32, #tpu.memory_space<hbm>> -> memref<176x128xf32, #tpu.memory_space<hbm>>
      %dma_start3A_247 = arith.constant 0 : i32
      %dma_start3A_248 = tpu.memref_slice %arg4[%add3A_239, %dma_start3A_247] : memref<444928x128xf32, #tpu.memory_space<hbm>> -> memref<176x128xf32, #tpu.memory_space<hbm>>
      %dma_start3A_249 = arith.constant 0 : i32
      %dma_start3A_250 = arith.constant 0 : i32
      %dma_start3A_251 = tpu.memref_slice %arg6[%dma_start3A_240, %dma_start3A_249, %dma_start3A_250] : memref<4x176x128xf32, #tpu.memory_space<vmem>> -> memref<1x176x128xf32, #tpu.memory_space<vmem>>
      %dma_start3A_252 = tpu.memref_squeeze %dma_start3A_251 : memref<1x176x128xf32, #tpu.memory_space<vmem>> -> memref<176x128xf32, #tpu.memory_space<vmem>>
      tpu.enqueue_dma source(%dma_start3A_252 : memref<176x128xf32, #tpu.memory_space<vmem>>) target(%dma_start3A_248 : memref<176x128xf32, #tpu.memory_space<hbm>>) target_semaphore(%arg8 : memref<!tpu.dma_semaphore, #tpu.memory_space<semaphore_mem>>)
      %dma_wait3A_253 = arith.constant 2 : i32
      %dma_wait3A_254 = arith.constant 0 : i32
      %dma_wait3A_255 = arith.constant 0 : i32
      %dma_wait3A_256 = tpu.memref_slice %arg6[%dma_wait3A_253, %dma_wait3A_254, %dma_wait3A_255] : memref<4x176x128xf32, #tpu.memory_space<vmem>> -> memref<1x176x128xf32, #tpu.memory_space<vmem>>
      %dma_wait3A_257 = tpu.memref_squeeze %dma_wait3A_256 : memref<1x176x128xf32, #tpu.memory_space<vmem>> -> memref<176x128xf32, #tpu.memory_space<vmem>>
      %dma_wait3A_258 = tpu.memref_slice %arg5[%add3A_182] : memref<13904xi32, #tpu.memory_space<vmem>> -> memref<176xi32, #tpu.memory_space<vmem>>
      %dma_wait3A_259 = arith.constant 0 : i32
      %dma_wait3A_260 = arith.constant 0 : i32
      %dma_wait3A_261 = tpu.memref_slice %arg2[%dma_wait3A_259, %dma_wait3A_260] : memref<10112x128xf32, #tpu.memory_space<hbm>> -> memref<10112x128xf32, #tpu.memory_space<hbm>>
      tpu.wait_indirect_dma semaphore(%arg7 : memref<!tpu.dma_semaphore, #tpu.memory_space<semaphore_mem>>) src(%dma_wait3A_261 : memref<10112x128xf32, #tpu.memory_space<hbm>>) dst(%dma_wait3A_257 : memref<176x128xf32, #tpu.memory_space<vmem>>)
      %add3A_262 = arith.addi %mul3A_2, %mul3A_158 : i32
      %add3A_263 = arith.constant 352 : i32
      %add3A_264 = arith.addi %add3A_262, %add3A_263 : i32
      %dma_start3A_265 = arith.constant 2 : i32
      %dma_start3A_266 = arith.constant 0 : i32
      %dma_start3A_267 = arith.constant 0 : i32
      %dma_start3A_268 = tpu.memref_slice %arg6[%dma_start3A_265, %dma_start3A_266, %dma_start3A_267] : memref<4x176x128xf32, #tpu.memory_space<vmem>> -> memref<1x176x128xf32, #tpu.memory_space<vmem>>
      %dma_start3A_269 = tpu.memref_squeeze %dma_start3A_268 : memref<1x176x128xf32, #tpu.memory_space<vmem>> -> memref<176x128xf32, #tpu.memory_space<vmem>>
      %dma_start3A_270 = arith.constant 0 : i32
      %dma_start3A_271 = tpu.memref_slice %arg4[%add3A_264, %dma_start3A_270] : memref<444928x128xf32, #tpu.memory_space<hbm>> -> memref<176x128xf32, #tpu.memory_space<hbm>>
      %dma_start3A_272 = arith.constant 0 : i32
      %dma_start3A_273 = tpu.memref_slice %arg4[%add3A_264, %dma_start3A_272] : memref<444928x128xf32, #tpu.memory_space<hbm>> -> memref<176x128xf32, #tpu.memory_space<hbm>>
      %dma_start3A_274 = arith.constant 0 : i32
      %dma_start3A_275 = arith.constant 0 : i32
      %dma_start3A_276 = tpu.memref_slice %arg6[%dma_start3A_265, %dma_start3A_274, %dma_start3A_275] : memref<4x176x128xf32, #tpu.memory_space<vmem>> -> memref<1x176x128xf32, #tpu.memory_space<vmem>>
      %dma_start3A_277 = tpu.memref_squeeze %dma_start3A_276 : memref<1x176x128xf32, #tpu.memory_space<vmem>> -> memref<176x128xf32, #tpu.memory_space<vmem>>
      tpu.enqueue_dma source(%dma_start3A_277 : memref<176x128xf32, #tpu.memory_space<vmem>>) target(%dma_start3A_273 : memref<176x128xf32, #tpu.memory_space<hbm>>) target_semaphore(%arg8 : memref<!tpu.dma_semaphore, #tpu.memory_space<semaphore_mem>>)
      %dma_wait3A_278 = arith.constant 3 : i32
      %dma_wait3A_279 = arith.constant 0 : i32
      %dma_wait3A_280 = arith.constant 0 : i32
      %dma_wait3A_281 = tpu.memref_slice %arg6[%dma_wait3A_278, %dma_wait3A_279, %dma_wait3A_280] : memref<4x176x128xf32, #tpu.memory_space<vmem>> -> memref<1x176x128xf32, #tpu.memory_space<vmem>>
      %dma_wait3A_282 = tpu.memref_squeeze %dma_wait3A_281 : memref<1x176x128xf32, #tpu.memory_space<vmem>> -> memref<176x128xf32, #tpu.memory_space<vmem>>
      %dma_wait3A_283 = tpu.memref_slice %arg5[%add3A_193] : memref<13904xi32, #tpu.memory_space<vmem>> -> memref<176xi32, #tpu.memory_space<vmem>>
      %dma_wait3A_284 = arith.constant 0 : i32
      %dma_wait3A_285 = arith.constant 0 : i32
      %dma_wait3A_286 = tpu.memref_slice %arg2[%dma_wait3A_284, %dma_wait3A_285] : memref<10112x128xf32, #tpu.memory_space<hbm>> -> memref<10112x128xf32, #tpu.memory_space<hbm>>
      tpu.wait_indirect_dma semaphore(%arg7 : memref<!tpu.dma_semaphore, #tpu.memory_space<semaphore_mem>>) src(%dma_wait3A_286 : memref<10112x128xf32, #tpu.memory_space<hbm>>) dst(%dma_wait3A_282 : memref<176x128xf32, #tpu.memory_space<vmem>>)
      %add3A_287 = arith.addi %mul3A_2, %mul3A_158 : i32
      %add3A_288 = arith.constant 528 : i32
      %add3A_289 = arith.addi %add3A_287, %add3A_288 : i32
      %dma_start3A_290 = arith.constant 3 : i32
      %dma_start3A_291 = arith.constant 0 : i32
      %dma_start3A_292 = arith.constant 0 : i32
      %dma_start3A_293 = tpu.memref_slice %arg6[%dma_start3A_290, %dma_start3A_291, %dma_start3A_292] : memref<4x176x128xf32, #tpu.memory_space<vmem>> -> memref<1x176x128xf32, #tpu.memory_space<vmem>>
      %dma_start3A_294 = tpu.memref_squeeze %dma_start3A_293 : memref<1x176x128xf32, #tpu.memory_space<vmem>> -> memref<176x128xf32, #tpu.memory_space<vmem>>
      %dma_start3A_295 = arith.constant 0 : i32
      %dma_start3A_296 = tpu.memref_slice %arg4[%add3A_289, %dma_start3A_295] : memref<444928x128xf32, #tpu.memory_space<hbm>> -> memref<176x128xf32, #tpu.memory_space<hbm>>
      %dma_start3A_297 = arith.constant 0 : i32
      %dma_start3A_298 = tpu.memref_slice %arg4[%add3A_289, %dma_start3A_297] : memref<444928x128xf32, #tpu.memory_space<hbm>> -> memref<176x128xf32, #tpu.memory_space<hbm>>
      %dma_start3A_299 = arith.constant 0 : i32
      %dma_start3A_300 = arith.constant 0 : i32
      %dma_start3A_301 = tpu.memref_slice %arg6[%dma_start3A_290, %dma_start3A_299, %dma_start3A_300] : memref<4x176x128xf32, #tpu.memory_space<vmem>> -> memref<1x176x128xf32, #tpu.memory_space<vmem>>
      %dma_start3A_302 = tpu.memref_squeeze %dma_start3A_301 : memref<1x176x128xf32, #tpu.memory_space<vmem>> -> memref<176x128xf32, #tpu.memory_space<vmem>>
      tpu.enqueue_dma source(%dma_start3A_302 : memref<176x128xf32, #tpu.memory_space<vmem>>) target(%dma_start3A_298 : memref<176x128xf32, #tpu.memory_space<hbm>>) target_semaphore(%arg8 : memref<!tpu.dma_semaphore, #tpu.memory_space<semaphore_mem>>)
      %dma_wait3A_303 = arith.constant 0 : i32
      %dma_wait3A_304 = arith.constant 0 : i32
      %dma_wait3A_305 = arith.constant 0 : i32
      %dma_wait3A_306 = tpu.memref_slice %arg6[%dma_wait3A_303, %dma_wait3A_304, %dma_wait3A_305] : memref<4x176x128xf32, #tpu.memory_space<vmem>> -> memref<1x176x128xf32, #tpu.memory_space<vmem>>
      %dma_wait3A_307 = tpu.memref_squeeze %dma_wait3A_306 : memref<1x176x128xf32, #tpu.memory_space<vmem>> -> memref<176x128xf32, #tpu.memory_space<vmem>>
      %dma_wait3A_308 = arith.constant 0 : i32
      %dma_wait3A_309 = tpu.memref_slice %arg4[%add3A_214, %dma_wait3A_308] : memref<444928x128xf32, #tpu.memory_space<hbm>> -> memref<176x128xf32, #tpu.memory_space<hbm>>
      %dma_wait3A_310 = arith.constant 0 : i32
      %dma_wait3A_311 = tpu.memref_slice %arg4[%add3A_214, %dma_wait3A_310] : memref<444928x128xf32, #tpu.memory_space<hbm>> -> memref<176x128xf32, #tpu.memory_space<hbm>>
      %dma_wait3A_312 = arith.constant 0 : i32
      %dma_wait3A_313 = arith.constant 0 : i32
      %dma_wait3A_314 = tpu.memref_slice %arg6[%dma_wait3A_303, %dma_wait3A_312, %dma_wait3A_313] : memref<4x176x128xf32, #tpu.memory_space<vmem>> -> memref<1x176x128xf32, #tpu.memory_space<vmem>>
      %dma_wait3A_315 = tpu.memref_squeeze %dma_wait3A_314 : memref<1x176x128xf32, #tpu.memory_space<vmem>> -> memref<176x128xf32, #tpu.memory_space<vmem>>
      tpu.wait_dma2 semaphore(%arg8 : memref<!tpu.dma_semaphore, #tpu.memory_space<semaphore_mem>>) src(%dma_wait3A_315 : memref<176x128xf32, #tpu.memory_space<vmem>>) dst(%dma_wait3A_311 : memref<176x128xf32, #tpu.memory_space<hbm>>)
      %dma_wait3A_316 = arith.constant 1 : i32
      %dma_wait3A_317 = arith.constant 0 : i32
      %dma_wait3A_318 = arith.constant 0 : i32
      %dma_wait3A_319 = tpu.memref_slice %arg6[%dma_wait3A_316, %dma_wait3A_317, %dma_wait3A_318] : memref<4x176x128xf32, #tpu.memory_space<vmem>> -> memref<1x176x128xf32, #tpu.memory_space<vmem>>
      %dma_wait3A_320 = tpu.memref_squeeze %dma_wait3A_319 : memref<1x176x128xf32, #tpu.memory_space<vmem>> -> memref<176x128xf32, #tpu.memory_space<vmem>>
      %dma_wait3A_321 = arith.constant 0 : i32
      %dma_wait3A_322 = tpu.memref_slice %arg4[%add3A_239, %dma_wait3A_321] : memref<444928x128xf32, #tpu.memory_space<hbm>> -> memref<176x128xf32, #tpu.memory_space<hbm>>
      %dma_wait3A_323 = arith.constant 0 : i32
      %dma_wait3A_324 = tpu.memref_slice %arg4[%add3A_239, %dma_wait3A_323] : memref<444928x128xf32, #tpu.memory_space<hbm>> -> memref<176x128xf32, #tpu.memory_space<hbm>>
      %dma_wait3A_325 = arith.constant 0 : i32
      %dma_wait3A_326 = arith.constant 0 : i32
      %dma_wait3A_327 = tpu.memref_slice %arg6[%dma_wait3A_316, %dma_wait3A_325, %dma_wait3A_326] : memref<4x176x128xf32, #tpu.memory_space<vmem>> -> memref<1x176x128xf32, #tpu.memory_space<vmem>>
      %dma_wait3A_328 = tpu.memref_squeeze %dma_wait3A_327 : memref<1x176x128xf32, #tpu.memory_space<vmem>> -> memref<176x128xf32, #tpu.memory_space<vmem>>
      tpu.wait_dma2 semaphore(%arg8 : memref<!tpu.dma_semaphore, #tpu.memory_space<semaphore_mem>>) src(%dma_wait3A_328 : memref<176x128xf32, #tpu.memory_space<vmem>>) dst(%dma_wait3A_324 : memref<176x128xf32, #tpu.memory_space<hbm>>)
      %dma_wait3A_329 = arith.constant 2 : i32
      %dma_wait3A_330 = arith.constant 0 : i32
      %dma_wait3A_331 = arith.constant 0 : i32
      %dma_wait3A_332 = tpu.memref_slice %arg6[%dma_wait3A_329, %dma_wait3A_330, %dma_wait3A_331] : memref<4x176x128xf32, #tpu.memory_space<vmem>> -> memref<1x176x128xf32, #tpu.memory_space<vmem>>
      %dma_wait3A_333 = tpu.memref_squeeze %dma_wait3A_332 : memref<1x176x128xf32, #tpu.memory_space<vmem>> -> memref<176x128xf32, #tpu.memory_space<vmem>>
      %dma_wait3A_334 = arith.constant 0 : i32
      %dma_wait3A_335 = tpu.memref_slice %arg4[%add3A_264, %dma_wait3A_334] : memref<444928x128xf32, #tpu.memory_space<hbm>> -> memref<176x128xf32, #tpu.memory_space<hbm>>
      %dma_wait3A_336 = arith.constant 0 : i32
      %dma_wait3A_337 = tpu.memref_slice %arg4[%add3A_264, %dma_wait3A_336] : memref<444928x128xf32, #tpu.memory_space<hbm>> -> memref<176x128xf32, #tpu.memory_space<hbm>>
      %dma_wait3A_338 = arith.constant 0 : i32
      %dma_wait3A_339 = arith.constant 0 : i32
      %dma_wait3A_340 = tpu.memref_slice %arg6[%dma_wait3A_329, %dma_wait3A_338, %dma_wait3A_339] : memref<4x176x128xf32, #tpu.memory_space<vmem>> -> memref<1x176x128xf32, #tpu.memory_space<vmem>>
      %dma_wait3A_341 = tpu.memref_squeeze %dma_wait3A_340 : memref<1x176x128xf32, #tpu.memory_space<vmem>> -> memref<176x128xf32, #tpu.memory_space<vmem>>
      tpu.wait_dma2 semaphore(%arg8 : memref<!tpu.dma_semaphore, #tpu.memory_space<semaphore_mem>>) src(%dma_wait3A_341 : memref<176x128xf32, #tpu.memory_space<vmem>>) dst(%dma_wait3A_337 : memref<176x128xf32, #tpu.memory_space<hbm>>)
      %dma_wait3A_342 = arith.constant 3 : i32
      %dma_wait3A_343 = arith.constant 0 : i32
      %dma_wait3A_344 = arith.constant 0 : i32
      %dma_wait3A_345 = tpu.memref_slice %arg6[%dma_wait3A_342, %dma_wait3A_343, %dma_wait3A_344] : memref<4x176x128xf32, #tpu.memory_space<vmem>> -> memref<1x176x128xf32, #tpu.memory_space<vmem>>
      %dma_wait3A_346 = tpu.memref_squeeze %dma_wait3A_345 : memref<1x176x128xf32, #tpu.memory_space<vmem>> -> memref<176x128xf32, #tpu.memory_space<vmem>>
      %dma_wait3A_347 = arith.constant 0 : i32
      %dma_wait3A_348 = tpu.memref_slice %arg4[%add3A_289, %dma_wait3A_347] : memref<444928x128xf32, #tpu.memory_space<hbm>> -> memref<176x128xf32, #tpu.memory_space<hbm>>
      %dma_wait3A_349 = arith.constant 0 : i32
      %dma_wait3A_350 = tpu.memref_slice %arg4[%add3A_289, %dma_wait3A_349] : memref<444928x128xf32, #tpu.memory_space<hbm>> -> memref<176x128xf32, #tpu.memory_space<hbm>>
      %dma_wait3A_351 = arith.constant 0 : i32
      %dma_wait3A_352 = arith.constant 0 : i32
      %dma_wait3A_353 = tpu.memref_slice %arg6[%dma_wait3A_342, %dma_wait3A_351, %dma_wait3A_352] : memref<4x176x128xf32, #tpu.memory_space<vmem>> -> memref<1x176x128xf32, #tpu.memory_space<vmem>>
      %dma_wait3A_354 = tpu.memref_squeeze %dma_wait3A_353 : memref<1x176x128xf32, #tpu.memory_space<vmem>> -> memref<176x128xf32, #tpu.memory_space<vmem>>
      tpu.wait_dma2 semaphore(%arg8 : memref<!tpu.dma_semaphore, #tpu.memory_space<semaphore_mem>>) src(%dma_wait3A_354 : memref<176x128xf32, #tpu.memory_space<vmem>>) dst(%dma_wait3A_350 : memref<176x128xf32, #tpu.memory_space<hbm>>)
    }
    %scan3A_7 = arith.constant 19 : i32
    %dma_start3A = arith.constant 0 : i32
    %dma_start3A_8 = arith.constant 0 : i32
    %dma_start3A_9 = arith.constant 0 : i32
    %dma_start3A_10 = tpu.memref_slice %arg6[%dma_start3A, %dma_start3A_8, %dma_start3A_9] : memref<4x176x128xf32, #tpu.memory_space<vmem>> -> memref<1x176x128xf32, #tpu.memory_space<vmem>>
    %dma_start3A_11 = tpu.memref_squeeze %dma_start3A_10 : memref<1x176x128xf32, #tpu.memory_space<vmem>> -> memref<176x128xf32, #tpu.memory_space<vmem>>
    %dma_start3A_12 = arith.constant 13376 : i32
    %dma_start3A_13 = tpu.memref_slice %arg5[%dma_start3A_12] : memref<13904xi32, #tpu.memory_space<vmem>> -> memref<176xi32, #tpu.memory_space<vmem>>
    %dma_start3A_14 = arith.constant 0 : i32
    %dma_start3A_15 = arith.constant 0 : i32
    %dma_start3A_16 = tpu.memref_slice %arg2[%dma_start3A_14, %dma_start3A_15] : memref<10112x128xf32, #tpu.memory_space<hbm>> -> memref<10112x128xf32, #tpu.memory_space<hbm>>
    tpu.enqueue_indirect_dma source(%dma_start3A_16 : memref<10112x128xf32, #tpu.memory_space<hbm>>) target(%dma_start3A_11 : memref<176x128xf32, #tpu.memory_space<vmem>>) offsets(%dma_start3A_13 : memref<176xi32, #tpu.memory_space<vmem>>) semaphore(%arg7 : memref<!tpu.dma_semaphore, #tpu.memory_space<semaphore_mem>>)
    %dma_start3A_17 = arith.constant 1 : i32
    %dma_start3A_18 = arith.constant 0 : i32
    %dma_start3A_19 = arith.constant 0 : i32
    %dma_start3A_20 = tpu.memref_slice %arg6[%dma_start3A_17, %dma_start3A_18, %dma_start3A_19] : memref<4x176x128xf32, #tpu.memory_space<vmem>> -> memref<1x176x128xf32, #tpu.memory_space<vmem>>
    %dma_start3A_21 = tpu.memref_squeeze %dma_start3A_20 : memref<1x176x128xf32, #tpu.memory_space<vmem>> -> memref<176x128xf32, #tpu.memory_space<vmem>>
    %dma_start3A_22 = arith.constant 13552 : i32
    %dma_start3A_23 = tpu.memref_slice %arg5[%dma_start3A_22] : memref<13904xi32, #tpu.memory_space<vmem>> -> memref<176xi32, #tpu.memory_space<vmem>>
    %dma_start3A_24 = arith.constant 0 : i32
    %dma_start3A_25 = arith.constant 0 : i32
    %dma_start3A_26 = tpu.memref_slice %arg2[%dma_start3A_24, %dma_start3A_25] : memref<10112x128xf32, #tpu.memory_space<hbm>> -> memref<10112x128xf32, #tpu.memory_space<hbm>>
    tpu.enqueue_indirect_dma source(%dma_start3A_26 : memref<10112x128xf32, #tpu.memory_space<hbm>>) target(%dma_start3A_21 : memref<176x128xf32, #tpu.memory_space<vmem>>) offsets(%dma_start3A_23 : memref<176xi32, #tpu.memory_space<vmem>>) semaphore(%arg7 : memref<!tpu.dma_semaphore, #tpu.memory_space<semaphore_mem>>)
    %dma_start3A_27 = arith.constant 2 : i32
    %dma_start3A_28 = arith.constant 0 : i32
    %dma_start3A_29 = arith.constant 0 : i32
    %dma_start3A_30 = tpu.memref_slice %arg6[%dma_start3A_27, %dma_start3A_28, %dma_start3A_29] : memref<4x176x128xf32, #tpu.memory_space<vmem>> -> memref<1x176x128xf32, #tpu.memory_space<vmem>>
    %dma_start3A_31 = tpu.memref_squeeze %dma_start3A_30 : memref<1x176x128xf32, #tpu.memory_space<vmem>> -> memref<176x128xf32, #tpu.memory_space<vmem>>
    %dma_start3A_32 = arith.constant 13728 : i32
    %dma_start3A_33 = tpu.memref_slice %arg5[%dma_start3A_32] : memref<13904xi32, #tpu.memory_space<vmem>> -> memref<176xi32, #tpu.memory_space<vmem>>
    %dma_start3A_34 = arith.constant 0 : i32
    %dma_start3A_35 = arith.constant 0 : i32
    %dma_start3A_36 = tpu.memref_slice %arg2[%dma_start3A_34, %dma_start3A_35] : memref<10112x128xf32, #tpu.memory_space<hbm>> -> memref<10112x128xf32, #tpu.memory_space<hbm>>
    tpu.enqueue_indirect_dma source(%dma_start3A_36 : memref<10112x128xf32, #tpu.memory_space<hbm>>) target(%dma_start3A_31 : memref<176x128xf32, #tpu.memory_space<vmem>>) offsets(%dma_start3A_33 : memref<176xi32, #tpu.memory_space<vmem>>) semaphore(%arg7 : memref<!tpu.dma_semaphore, #tpu.memory_space<semaphore_mem>>)
    %dma_wait3A = arith.constant 0 : i32
    %dma_wait3A_37 = arith.constant 0 : i32
    %dma_wait3A_38 = arith.constant 0 : i32
    %dma_wait3A_39 = tpu.memref_slice %arg6[%dma_wait3A, %dma_wait3A_37, %dma_wait3A_38] : memref<4x176x128xf32, #tpu.memory_space<vmem>> -> memref<1x176x128xf32, #tpu.memory_space<vmem>>
    %dma_wait3A_40 = tpu.memref_squeeze %dma_wait3A_39 : memref<1x176x128xf32, #tpu.memory_space<vmem>> -> memref<176x128xf32, #tpu.memory_space<vmem>>
    %dma_wait3A_41 = arith.constant 13376 : i32
    %dma_wait3A_42 = tpu.memref_slice %arg5[%dma_wait3A_41] : memref<13904xi32, #tpu.memory_space<vmem>> -> memref<176xi32, #tpu.memory_space<vmem>>
    %dma_wait3A_43 = arith.constant 0 : i32
    %dma_wait3A_44 = arith.constant 0 : i32
    %dma_wait3A_45 = tpu.memref_slice %arg2[%dma_wait3A_43, %dma_wait3A_44] : memref<10112x128xf32, #tpu.memory_space<hbm>> -> memref<10112x128xf32, #tpu.memory_space<hbm>>
    tpu.wait_indirect_dma semaphore(%arg7 : memref<!tpu.dma_semaphore, #tpu.memory_space<semaphore_mem>>) src(%dma_wait3A_45 : memref<10112x128xf32, #tpu.memory_space<hbm>>) dst(%dma_wait3A_40 : memref<176x128xf32, #tpu.memory_space<vmem>>)
    %add3A_46 = arith.constant 13376 : i32
    %add3A_47 = arith.addi %mul3A_2, %add3A_46 : i32
    %add3A_48 = arith.constant 0 : i32
    %add3A_49 = arith.addi %add3A_47, %add3A_48 : i32
    %dma_start3A_50 = arith.constant 0 : i32
    %dma_start3A_51 = arith.constant 0 : i32
    %dma_start3A_52 = arith.constant 0 : i32
    %dma_start3A_53 = tpu.memref_slice %arg6[%dma_start3A_50, %dma_start3A_51, %dma_start3A_52] : memref<4x176x128xf32, #tpu.memory_space<vmem>> -> memref<1x176x128xf32, #tpu.memory_space<vmem>>
    %dma_start3A_54 = tpu.memref_squeeze %dma_start3A_53 : memref<1x176x128xf32, #tpu.memory_space<vmem>> -> memref<176x128xf32, #tpu.memory_space<vmem>>
    %dma_start3A_55 = arith.constant 0 : i32
    %dma_start3A_56 = tpu.memref_slice %arg4[%add3A_49, %dma_start3A_55] : memref<444928x128xf32, #tpu.memory_space<hbm>> -> memref<176x128xf32, #tpu.memory_space<hbm>>
    %dma_start3A_57 = arith.constant 0 : i32
    %dma_start3A_58 = tpu.memref_slice %arg4[%add3A_49, %dma_start3A_57] : memref<444928x128xf32, #tpu.memory_space<hbm>> -> memref<176x128xf32, #tpu.memory_space<hbm>>
    %dma_start3A_59 = arith.constant 0 : i32
    %dma_start3A_60 = arith.constant 0 : i32
    %dma_start3A_61 = tpu.memref_slice %arg6[%dma_start3A_50, %dma_start3A_59, %dma_start3A_60] : memref<4x176x128xf32, #tpu.memory_space<vmem>> -> memref<1x176x128xf32, #tpu.memory_space<vmem>>
    %dma_start3A_62 = tpu.memref_squeeze %dma_start3A_61 : memref<1x176x128xf32, #tpu.memory_space<vmem>> -> memref<176x128xf32, #tpu.memory_space<vmem>>
    tpu.enqueue_dma source(%dma_start3A_62 : memref<176x128xf32, #tpu.memory_space<vmem>>) target(%dma_start3A_58 : memref<176x128xf32, #tpu.memory_space<hbm>>) target_semaphore(%arg8 : memref<!tpu.dma_semaphore, #tpu.memory_space<semaphore_mem>>)
    %dma_wait3A_63 = arith.constant 1 : i32
    %dma_wait3A_64 = arith.constant 0 : i32
    %dma_wait3A_65 = arith.constant 0 : i32
    %dma_wait3A_66 = tpu.memref_slice %arg6[%dma_wait3A_63, %dma_wait3A_64, %dma_wait3A_65] : memref<4x176x128xf32, #tpu.memory_space<vmem>> -> memref<1x176x128xf32, #tpu.memory_space<vmem>>
    %dma_wait3A_67 = tpu.memref_squeeze %dma_wait3A_66 : memref<1x176x128xf32, #tpu.memory_space<vmem>> -> memref<176x128xf32, #tpu.memory_space<vmem>>
    %dma_wait3A_68 = arith.constant 13552 : i32
    %dma_wait3A_69 = tpu.memref_slice %arg5[%dma_wait3A_68] : memref<13904xi32, #tpu.memory_space<vmem>> -> memref<176xi32, #tpu.memory_space<vmem>>
    %dma_wait3A_70 = arith.constant 0 : i32
    %dma_wait3A_71 = arith.constant 0 : i32
    %dma_wait3A_72 = tpu.memref_slice %arg2[%dma_wait3A_70, %dma_wait3A_71] : memref<10112x128xf32, #tpu.memory_space<hbm>> -> memref<10112x128xf32, #tpu.memory_space<hbm>>
    tpu.wait_indirect_dma semaphore(%arg7 : memref<!tpu.dma_semaphore, #tpu.memory_space<semaphore_mem>>) src(%dma_wait3A_72 : memref<10112x128xf32, #tpu.memory_space<hbm>>) dst(%dma_wait3A_67 : memref<176x128xf32, #tpu.memory_space<vmem>>)
    %add3A_73 = arith.constant 13376 : i32
    %add3A_74 = arith.addi %mul3A_2, %add3A_73 : i32
    %add3A_75 = arith.constant 176 : i32
    %add3A_76 = arith.addi %add3A_74, %add3A_75 : i32
    %dma_start3A_77 = arith.constant 1 : i32
    %dma_start3A_78 = arith.constant 0 : i32
    %dma_start3A_79 = arith.constant 0 : i32
    %dma_start3A_80 = tpu.memref_slice %arg6[%dma_start3A_77, %dma_start3A_78, %dma_start3A_79] : memref<4x176x128xf32, #tpu.memory_space<vmem>> -> memref<1x176x128xf32, #tpu.memory_space<vmem>>
    %dma_start3A_81 = tpu.memref_squeeze %dma_start3A_80 : memref<1x176x128xf32, #tpu.memory_space<vmem>> -> memref<176x128xf32, #tpu.memory_space<vmem>>
    %dma_start3A_82 = arith.constant 0 : i32
    %dma_start3A_83 = tpu.memref_slice %arg4[%add3A_76, %dma_start3A_82] : memref<444928x128xf32, #tpu.memory_space<hbm>> -> memref<176x128xf32, #tpu.memory_space<hbm>>
    %dma_start3A_84 = arith.constant 0 : i32
    %dma_start3A_85 = tpu.memref_slice %arg4[%add3A_76, %dma_start3A_84] : memref<444928x128xf32, #tpu.memory_space<hbm>> -> memref<176x128xf32, #tpu.memory_space<hbm>>
    %dma_start3A_86 = arith.constant 0 : i32
    %dma_start3A_87 = arith.constant 0 : i32
    %dma_start3A_88 = tpu.memref_slice %arg6[%dma_start3A_77, %dma_start3A_86, %dma_start3A_87] : memref<4x176x128xf32, #tpu.memory_space<vmem>> -> memref<1x176x128xf32, #tpu.memory_space<vmem>>
    %dma_start3A_89 = tpu.memref_squeeze %dma_start3A_88 : memref<1x176x128xf32, #tpu.memory_space<vmem>> -> memref<176x128xf32, #tpu.memory_space<vmem>>
    tpu.enqueue_dma source(%dma_start3A_89 : memref<176x128xf32, #tpu.memory_space<vmem>>) target(%dma_start3A_85 : memref<176x128xf32, #tpu.memory_space<hbm>>) target_semaphore(%arg8 : memref<!tpu.dma_semaphore, #tpu.memory_space<semaphore_mem>>)
    %dma_wait3A_90 = arith.constant 2 : i32
    %dma_wait3A_91 = arith.constant 0 : i32
    %dma_wait3A_92 = arith.constant 0 : i32
    %dma_wait3A_93 = tpu.memref_slice %arg6[%dma_wait3A_90, %dma_wait3A_91, %dma_wait3A_92] : memref<4x176x128xf32, #tpu.memory_space<vmem>> -> memref<1x176x128xf32, #tpu.memory_space<vmem>>
    %dma_wait3A_94 = tpu.memref_squeeze %dma_wait3A_93 : memref<1x176x128xf32, #tpu.memory_space<vmem>> -> memref<176x128xf32, #tpu.memory_space<vmem>>
    %dma_wait3A_95 = arith.constant 13728 : i32
    %dma_wait3A_96 = tpu.memref_slice %arg5[%dma_wait3A_95] : memref<13904xi32, #tpu.memory_space<vmem>> -> memref<176xi32, #tpu.memory_space<vmem>>
    %dma_wait3A_97 = arith.constant 0 : i32
    %dma_wait3A_98 = arith.constant 0 : i32
    %dma_wait3A_99 = tpu.memref_slice %arg2[%dma_wait3A_97, %dma_wait3A_98] : memref<10112x128xf32, #tpu.memory_space<hbm>> -> memref<10112x128xf32, #tpu.memory_space<hbm>>
    tpu.wait_indirect_dma semaphore(%arg7 : memref<!tpu.dma_semaphore, #tpu.memory_space<semaphore_mem>>) src(%dma_wait3A_99 : memref<10112x128xf32, #tpu.memory_space<hbm>>) dst(%dma_wait3A_94 : memref<176x128xf32, #tpu.memory_space<vmem>>)
    %add3A_100 = arith.constant 13376 : i32
    %add3A_101 = arith.addi %mul3A_2, %add3A_100 : i32
    %add3A_102 = arith.constant 352 : i32
    %add3A_103 = arith.addi %add3A_101, %add3A_102 : i32
    %dma_start3A_104 = arith.constant 2 : i32
    %dma_start3A_105 = arith.constant 0 : i32
    %dma_start3A_106 = arith.constant 0 : i32
    %dma_start3A_107 = tpu.memref_slice %arg6[%dma_start3A_104, %dma_start3A_105, %dma_start3A_106] : memref<4x176x128xf32, #tpu.memory_space<vmem>> -> memref<1x176x128xf32, #tpu.memory_space<vmem>>
    %dma_start3A_108 = tpu.memref_squeeze %dma_start3A_107 : memref<1x176x128xf32, #tpu.memory_space<vmem>> -> memref<176x128xf32, #tpu.memory_space<vmem>>
    %dma_start3A_109 = arith.constant 0 : i32
    %dma_start3A_110 = tpu.memref_slice %arg4[%add3A_103, %dma_start3A_109] : memref<444928x128xf32, #tpu.memory_space<hbm>> -> memref<176x128xf32, #tpu.memory_space<hbm>>
    %dma_start3A_111 = arith.constant 0 : i32
    %dma_start3A_112 = tpu.memref_slice %arg4[%add3A_103, %dma_start3A_111] : memref<444928x128xf32, #tpu.memory_space<hbm>> -> memref<176x128xf32, #tpu.memory_space<hbm>>
    %dma_start3A_113 = arith.constant 0 : i32
    %dma_start3A_114 = arith.constant 0 : i32
    %dma_start3A_115 = tpu.memref_slice %arg6[%dma_start3A_104, %dma_start3A_113, %dma_start3A_114] : memref<4x176x128xf32, #tpu.memory_space<vmem>> -> memref<1x176x128xf32, #tpu.memory_space<vmem>>
    %dma_start3A_116 = tpu.memref_squeeze %dma_start3A_115 : memref<1x176x128xf32, #tpu.memory_space<vmem>> -> memref<176x128xf32, #tpu.memory_space<vmem>>
    tpu.enqueue_dma source(%dma_start3A_116 : memref<176x128xf32, #tpu.memory_space<vmem>>) target(%dma_start3A_112 : memref<176x128xf32, #tpu.memory_space<hbm>>) target_semaphore(%arg8 : memref<!tpu.dma_semaphore, #tpu.memory_space<semaphore_mem>>)
    %dma_wait3A_117 = arith.constant 0 : i32
    %dma_wait3A_118 = arith.constant 0 : i32
    %dma_wait3A_119 = arith.constant 0 : i32
    %dma_wait3A_120 = tpu.memref_slice %arg6[%dma_wait3A_117, %dma_wait3A_118, %dma_wait3A_119] : memref<4x176x128xf32, #tpu.memory_space<vmem>> -> memref<1x176x128xf32, #tpu.memory_space<vmem>>
    %dma_wait3A_121 = tpu.memref_squeeze %dma_wait3A_120 : memref<1x176x128xf32, #tpu.memory_space<vmem>> -> memref<176x128xf32, #tpu.memory_space<vmem>>
    %dma_wait3A_122 = arith.constant 0 : i32
    %dma_wait3A_123 = tpu.memref_slice %arg4[%add3A_49, %dma_wait3A_122] : memref<444928x128xf32, #tpu.memory_space<hbm>> -> memref<176x128xf32, #tpu.memory_space<hbm>>
    %dma_wait3A_124 = arith.constant 0 : i32
    %dma_wait3A_125 = tpu.memref_slice %arg4[%add3A_49, %dma_wait3A_124] : memref<444928x128xf32, #tpu.memory_space<hbm>> -> memref<176x128xf32, #tpu.memory_space<hbm>>
    %dma_wait3A_126 = arith.constant 0 : i32
    %dma_wait3A_127 = arith.constant 0 : i32
    %dma_wait3A_128 = tpu.memref_slice %arg6[%dma_wait3A_117, %dma_wait3A_126, %dma_wait3A_127] : memref<4x176x128xf32, #tpu.memory_space<vmem>> -> memref<1x176x128xf32, #tpu.memory_space<vmem>>
    %dma_wait3A_129 = tpu.memref_squeeze %dma_wait3A_128 : memref<1x176x128xf32, #tpu.memory_space<vmem>> -> memref<176x128xf32, #tpu.memory_space<vmem>>
    tpu.wait_dma2 semaphore(%arg8 : memref<!tpu.dma_semaphore, #tpu.memory_space<semaphore_mem>>) src(%dma_wait3A_129 : memref<176x128xf32, #tpu.memory_space<vmem>>) dst(%dma_wait3A_125 : memref<176x128xf32, #tpu.memory_space<hbm>>)
    %dma_wait3A_130 = arith.constant 1 : i32
    %dma_wait3A_131 = arith.constant 0 : i32
    %dma_wait3A_132 = arith.constant 0 : i32
    %dma_wait3A_133 = tpu.memref_slice %arg6[%dma_wait3A_130, %dma_wait3A_131, %dma_wait3A_132] : memref<4x176x128xf32, #tpu.memory_space<vmem>> -> memref<1x176x128xf32, #tpu.memory_space<vmem>>
    %dma_wait3A_134 = tpu.memref_squeeze %dma_wait3A_133 : memref<1x176x128xf32, #tpu.memory_space<vmem>> -> memref<176x128xf32, #tpu.memory_space<vmem>>
    %dma_wait3A_135 = arith.constant 0 : i32
    %dma_wait3A_136 = tpu.memref_slice %arg4[%add3A_76, %dma_wait3A_135] : memref<444928x128xf32, #tpu.memory_space<hbm>> -> memref<176x128xf32, #tpu.memory_space<hbm>>
    %dma_wait3A_137 = arith.constant 0 : i32
    %dma_wait3A_138 = tpu.memref_slice %arg4[%add3A_76, %dma_wait3A_137] : memref<444928x128xf32, #tpu.memory_space<hbm>> -> memref<176x128xf32, #tpu.memory_space<hbm>>
    %dma_wait3A_139 = arith.constant 0 : i32
    %dma_wait3A_140 = arith.constant 0 : i32
    %dma_wait3A_141 = tpu.memref_slice %arg6[%dma_wait3A_130, %dma_wait3A_139, %dma_wait3A_140] : memref<4x176x128xf32, #tpu.memory_space<vmem>> -> memref<1x176x128xf32, #tpu.memory_space<vmem>>
    %dma_wait3A_142 = tpu.memref_squeeze %dma_wait3A_141 : memref<1x176x128xf32, #tpu.memory_space<vmem>> -> memref<176x128xf32, #tpu.memory_space<vmem>>
    tpu.wait_dma2 semaphore(%arg8 : memref<!tpu.dma_semaphore, #tpu.memory_space<semaphore_mem>>) src(%dma_wait3A_142 : memref<176x128xf32, #tpu.memory_space<vmem>>) dst(%dma_wait3A_138 : memref<176x128xf32, #tpu.memory_space<hbm>>)
    %dma_wait3A_143 = arith.constant 2 : i32
    %dma_wait3A_144 = arith.constant 0 : i32
    %dma_wait3A_145 = arith.constant 0 : i32
    %dma_wait3A_146 = tpu.memref_slice %arg6[%dma_wait3A_143, %dma_wait3A_144, %dma_wait3A_145] : memref<4x176x128xf32, #tpu.memory_space<vmem>> -> memref<1x176x128xf32, #tpu.memory_space<vmem>>
    %dma_wait3A_147 = tpu.memref_squeeze %dma_wait3A_146 : memref<1x176x128xf32, #tpu.memory_space<vmem>> -> memref<176x128xf32, #tpu.memory_space<vmem>>
    %dma_wait3A_148 = arith.constant 0 : i32
    %dma_wait3A_149 = tpu.memref_slice %arg4[%add3A_103, %dma_wait3A_148] : memref<444928x128xf32, #tpu.memory_space<hbm>> -> memref<176x128xf32, #tpu.memory_space<hbm>>
    %dma_wait3A_150 = arith.constant 0 : i32
    %dma_wait3A_151 = tpu.memref_slice %arg4[%add3A_103, %dma_wait3A_150] : memref<444928x128xf32, #tpu.memory_space<hbm>> -> memref<176x128xf32, #tpu.memory_space<hbm>>
    %dma_wait3A_152 = arith.constant 0 : i32
    %dma_wait3A_153 = arith.constant 0 : i32
    %dma_wait3A_154 = tpu.memref_slice %arg6[%dma_wait3A_143, %dma_wait3A_152, %dma_wait3A_153] : memref<4x176x128xf32, #tpu.memory_space<vmem>> -> memref<1x176x128xf32, #tpu.memory_space<vmem>>
    %dma_wait3A_155 = tpu.memref_squeeze %dma_wait3A_154 : memref<1x176x128xf32, #tpu.memory_space<vmem>> -> memref<176x128xf32, #tpu.memory_space<vmem>>
    tpu.wait_dma2 semaphore(%arg8 : memref<!tpu.dma_semaphore, #tpu.memory_space<semaphore_mem>>) src(%dma_wait3A_155 : memref<176x128xf32, #tpu.memory_space<vmem>>) dst(%dma_wait3A_151 : memref<176x128xf32, #tpu.memory_space<hbm>>)
    return
  }
}

module attributes {stable_mosaic.version = 14 : i64} {
  func.func @body(%arg0: i32, %arg1: i32, %arg2: memref<128x128xf32, #tpu.memory_space<vmem>>, %arg3: memref<128x256xf32, #tpu.memory_space<vmem>>, %arg4: memref<128x256xf32, #tpu.memory_space<vmem>>) attributes {dimension_semantics = [#tpu.dimension_semantics<arbitrary>, #tpu.dimension_semantics<arbitrary>], iteration_bounds = array<i64: 79, 4>, scalar_prefetch = 0 : i64, scratch_operands = 0 : i64, tpu.core_type = #tpu.core_type<tc>, window_params = [{transform_indices = @transform_0, window_bounds = array<i64: 128, 128>}, {transform_indices = @transform_1, window_bounds = array<i64: 128, 256>}, {transform_indices = @transform_2, window_bounds = array<i64: 128, 256>}]} {
    %get3A = arith.constant 0 : index
    %get3A_0 = arith.constant 0 : index
    %get3A_1 = vector.load %arg2[%get3A, %get3A_0] : memref<128x128xf32, #tpu.memory_space<vmem>>, vector<128x128xf32>
    %get3A_2 = arith.constant 0 : index
    %get3A_3 = arith.constant 0 : index
    %get3A_4 = vector.load %arg3[%get3A_2, %get3A_3] : memref<128x256xf32, #tpu.memory_space<vmem>>, vector<128x256xf32>
    %dot_general3A = arith.constant dense<0.000000e+00> : vector<128x256xf32>
    %dot_general3A_5 = tpu.matmul %get3A_1, %get3A_4, %dot_general3A {dimension_numbers = #tpu.dot_dimension_numbers<[1], [0], [0], [1], [0, 0, 1, 1], [], []>, transpose_lhs_hint = false} : vector<128x128xf32>, vector<128x256xf32>, vector<128x256xf32> -> vector<128x256xf32>
    %swap3A = arith.constant 0 : index
    %swap3A_6 = arith.constant 0 : index
    %swap3A_7 = vector.load %arg4[%swap3A, %swap3A_6] : memref<128x256xf32, #tpu.memory_space<vmem>>, vector<128x256xf32>
    tpu.vector_store %arg4[%swap3A, %swap3A_6], %dot_general3A_5 {strides = array<i32>} : memref<128x256xf32, #tpu.memory_space<vmem>>, vector<128x256xf32>,
    return
  }
  func.func @transform_0(%arg0: i32, %arg1: i32) -> (i32, i32) {
    %c0_i32 = arith.constant 0 : i32
    %c0_i32_0 = arith.constant 0 : i32
    return %arg0, %c0_i32 : i32, i32
  }
  func.func @transform_1(%arg0: i32, %arg1: i32) -> (i32, i32) {
    %c0_i32 = arith.constant 0 : i32
    %c0_i32_0 = arith.constant 0 : i32
    return %c0_i32, %arg1 : i32, i32
  }
  func.func @transform_2(%arg0: i32, %arg1: i32) -> (i32, i32) {
    %c0_i32 = arith.constant 0 : i32
    return %arg0, %arg1 : i32, i32
  }
}

module attributes {stable_mosaic.version = 14 : i64} {
  func.func @body(%arg0: i32, %arg1: i32, %arg2: memref<128x128xf32, #tpu.memory_space<vmem>>, %arg3: memref<1x128x128xf32, #tpu.memory_space<vmem>>, %arg4: memref<1x128x128xf32, #tpu.memory_space<vmem>>) attributes {dimension_semantics = [#tpu.dimension_semantics<arbitrary>, #tpu.dimension_semantics<arbitrary>], iteration_bounds = array<i64: 8, 79>, scalar_prefetch = 0 : i64, scratch_operands = 0 : i64, tpu.core_type = #tpu.core_type<tc>, window_params = [{transform_indices = @transform_0, window_bounds = array<i64: 128, 128>}, {transform_indices = @transform_1, window_bounds = array<i64: 1, 128, 128>}, {transform_indices = @transform_2, window_bounds = array<i64: 1, 128, 128>}]} {
    %get3A = arith.constant 0 : index
    %get3A_0 = arith.constant 0 : index
    %get3A_1 = vector.load %arg2[%get3A, %get3A_0] : memref<128x128xf32, #tpu.memory_space<vmem>>, vector<128x128xf32>
    %get3A_2 = arith.constant 0 : index
    %get3A_3 = arith.constant 0 : index
    %get3A_4 = arith.constant 0 : index
    %get3A_5 = vector.load %arg3[%get3A_2, %get3A_3, %get3A_4] : memref<1x128x128xf32, #tpu.memory_space<vmem>>, vector<1x128x128xf32>
    %get3A_6 = vector.shape_cast %get3A_5 : vector<1x128x128xf32> to vector<128x128xf32>
    %dot_general3A = arith.constant dense<0.000000e+00> : vector<128x128xf32>
    %dot_general3A_7 = tpu.matmul %get3A_1, %get3A_6, %dot_general3A {dimension_numbers = #tpu.dot_dimension_numbers<[1], [0], [0], [1], [0, 0, 1, 1], [], []>, transpose_lhs_hint = false} : vector<128x128xf32>, vector<128x128xf32>, vector<128x128xf32> -> vector<128x128xf32>
    %swap3A = arith.constant 0 : index
    %swap3A_8 = arith.constant 0 : index
    %swap3A_9 = arith.constant 0 : index
    %swap3A_10 = vector.load %arg4[%swap3A, %swap3A_8, %swap3A_9] : memref<1x128x128xf32, #tpu.memory_space<vmem>>, vector<1x128x128xf32>
    %swap3A_11 = vector.shape_cast %swap3A_10 : vector<1x128x128xf32> to vector<128x128xf32>
    %swap3A_12 = vector.shape_cast %dot_general3A_7 : vector<128x128xf32> to vector<1x128x128xf32>
    tpu.vector_store %arg4[%swap3A, %swap3A_8, %swap3A_9], %swap3A_12 {strides = array<i32>} : memref<1x128x128xf32, #tpu.memory_space<vmem>>, vector<1x128x128xf32>,
    return
  }
  func.func @transform_0(%arg0: i32, %arg1: i32) -> (i32, i32) {
    %c0_i32 = arith.constant 0 : i32
    %c0_i32_0 = arith.constant 0 : i32
    return %arg1, %c0_i32 : i32, i32
  }
  func.func @transform_1(%arg0: i32, %arg1: i32) -> (i32, i32, i32) {
    %c0_i32 = arith.constant 0 : i32
    %c0_i32_0 = arith.constant 0 : i32
    %c0_i32_1 = arith.constant 0 : i32
    return %arg0, %c0_i32, %c0_i32_0 : i32, i32, i32
  }
  func.func @transform_2(%arg0: i32, %arg1: i32) -> (i32, i32, i32) {
    %c0_i32 = arith.constant 0 : i32
    %c0_i32_0 = arith.constant 0 : i32
    return %arg0, %arg1, %c0_i32 : i32, i32, i32
  }
}

module attributes {stable_mosaic.version = 14 : i64} {
  func.func @body(%arg0: i32, %arg1: i32, %arg2: memref<1x1x1xi32, #tpu.memory_space<smem>>, %arg3: memref<1x1x512xi32, #tpu.memory_space<vmem>>, %arg4: memref<512x8x128xf32, #tpu.memory_space<vmem>>, %arg5: memref<8x128x128xf32, #tpu.memory_space<vmem>>, %arg6: memref<8x1x128xf32, #tpu.memory_space<vmem>>, %arg7: memref<8x1x128xf32, #tpu.memory_space<vmem>>, %arg8: memref<8x128x128xf32, #tpu.memory_space<vmem>>, %arg9: memref<8x128x128xf32, #tpu.memory_space<vmem>>, %arg10: memref<8x128x1xf32, #tpu.memory_space<vmem>>) attributes {dimension_semantics = [#tpu.dimension_semantics<arbitrary>, #tpu.dimension_semantics<arbitrary>], iteration_bounds = array<i64: 79, 11>, scalar_prefetch = 0 : i64, scratch_operands = 2 : i64, tpu.core_type = #tpu.core_type<tc>, window_params = [{transform_indices = @transform_0, window_bounds = array<i64: 1, 1, 1>}, {transform_indices = @transform_1, window_bounds = array<i64: 1, 1, 512>}, {transform_indices = @transform_2, window_bounds = array<i64: 512, 8, 128>}, {transform_indices = @transform_3, window_bounds = array<i64: 8, 128, 128>}, {pipeline_mode = #tpu.pipeline_mode<synchronous>, transform_indices = @transform_4, window_bounds = array<i64: 8, 1, 128>}, {pipeline_mode = #tpu.pipeline_mode<synchronous>, transform_indices = @transform_5, window_bounds = array<i64: 8, 1, 128>}, {transform_indices = @transform_6, window_bounds = array<i64: 8, 128, 128>}]} {
    %eq3A = arith.constant 0 : i32
    %eq3A_0 = arith.cmpi eq, %arg1, %eq3A : i32
    %convert_element_type3A = arith.extui %eq3A_0 : i1 to i32
    %cond3A = arith.constant 0 : i32
    %cond3A_1 = arith.cmpi ne, %convert_element_type3A, %cond3A : i32
    scf.if %cond3A_1 {
      %broadcast_in_dim3A_483 = arith.constant 0.000000e+00 : f32
      %broadcast_in_dim3A_484 = vector.broadcast %broadcast_in_dim3A_483 : f32 to vector<8x128x128xf32>
      %swap3A_485 = arith.constant 0 : index
      %swap3A_486 = arith.constant 0 : index
      %swap3A_487 = arith.constant 0 : index
      %swap3A_488 = vector.load %arg9[%swap3A_485, %swap3A_486, %swap3A_487] : memref<8x128x128xf32, #tpu.memory_space<vmem>>, vector<8x128x128xf32>
      tpu.vector_store %arg9[%swap3A_485, %swap3A_486, %swap3A_487], %broadcast_in_dim3A_484 {strides = array<i32>} : memref<8x128x128xf32, #tpu.memory_space<vmem>>, vector<8x128x128xf32>,
      %broadcast_in_dim3A_489 = arith.constant 0.000000e+00 : f32
      %broadcast_in_dim3A_490 = vector.broadcast %broadcast_in_dim3A_489 : f32 to vector<8x128x1xf32>
      %swap3A_491 = arith.constant 0 : index
      %swap3A_492 = arith.constant 0 : index
      %swap3A_493 = arith.constant 0 : index
      %swap3A_494 = vector.load %arg10[%swap3A_491, %swap3A_492, %swap3A_493] : memref<8x128x1xf32, #tpu.memory_space<vmem>>, vector<8x128x1xf32>
      tpu.vector_store %arg10[%swap3A_491, %swap3A_492, %swap3A_493], %broadcast_in_dim3A_490 {strides = array<i32>} : memref<8x128x1xf32, #tpu.memory_space<vmem>>, vector<8x128x1xf32>,
    } else {
    }
    %get3A = arith.constant 0 : index
    %get3A_2 = arith.constant 0 : index
    %get3A_3 = arith.constant 0 : index
    %get3A_4 = memref.load %arg2[%get3A, %get3A_2, %get3A_3] : memref<1x1x1xi32, #tpu.memory_space<smem>>
    %get3A_5 = arith.constant 0 : index
    %get3A_6 = arith.constant 0 : index
    %get3A_7 = arith.constant 0 : index
    %get3A_8 = vector.load %arg3[%get3A_5, %get3A_6, %get3A_7] : memref<1x1x512xi32, #tpu.memory_space<vmem>>, vector<1x1x512xi32>
    %get3A_9 = vector.shape_cast %get3A_8 : vector<1x1x512xi32> to vector<1x512xi32>
    %iota3A = tpu.iota {dimensions = array<i32: 0>} : vector<128x512xi32>
    %iota3A_10 = tpu.iota {dimensions = array<i32: 1>} : vector<128x512xi32>
    %eq3A_11 = vector.broadcast %get3A_9 : vector<1x512xi32> to vector<128x512xi32>
    %eq3A_12 = arith.cmpi eq, %iota3A, %eq3A_11 : vector<128x512xi32>
    %mul3A = arith.constant 512 : i32
    %mul3A_13 = arith.muli %arg1, %mul3A : i32
    %add3A = vector.broadcast %mul3A_13 : i32 to vector<128x512xi32>
    %add3A_14 = arith.addi %iota3A_10, %add3A : vector<128x512xi32>
    %lt3A = vector.broadcast %get3A_4 : i32 to vector<128x512xi32>
    %lt3A_15 = arith.cmpi slt, %add3A_14, %lt3A : vector<128x512xi32>
    %and3A = arith.andi %eq3A_12, %lt3A_15 : vector<128x512xi1>
    %jit3A = arith.constant 1.000000e+00 : f32
    %jit3A_16 = arith.constant 0.000000e+00 : f32
    %broadcast_in_dim3A = vector.broadcast %jit3A : f32 to vector<128x512xf32>
    %broadcast_in_dim3A_17 = vector.broadcast %jit3A_16 : f32 to vector<128x512xf32>
    %select_n3A = arith.select %and3A, %broadcast_in_dim3A, %broadcast_in_dim3A_17 : vector<128x512xi1>, vector<128x512xf32>
    %get3A_18 = arith.constant 0 : index
    %get3A_19 = arith.constant 0 : index
    %get3A_20 = arith.constant 0 : index
    %get3A_21 = vector.load %arg4[%get3A_18, %get3A_19, %get3A_20] : memref<512x8x128xf32, #tpu.memory_space<vmem>>, vector<512x1x128xf32>
    %get3A_22 = vector.shape_cast %get3A_21 : vector<512x1x128xf32> to vector<512x128xf32>
    %get3A_23 = arith.constant 0 : index
    %get3A_24 = arith.constant 0 : index
    %get3A_25 = arith.constant 0 : index
    %get3A_26 = vector.load %arg5[%get3A_23, %get3A_24, %get3A_25] : memref<8x128x128xf32, #tpu.memory_space<vmem>>, vector<1x128x128xf32>
    %get3A_27 = vector.shape_cast %get3A_26 : vector<1x128x128xf32> to vector<128x128xf32>
    %dot_general3A = arith.constant dense<0.000000e+00> : vector<512x128xf32>
    %dot_general3A_28 = tpu.matmul %select_n3A, %get3A_27, %dot_general3A {dimension_numbers = #tpu.dot_dimension_numbers<[0], [0], [1], [1], [0, 1, 1, 1], [], []>, transpose_lhs_hint = false} : vector<128x512xf32>, vector<128x128xf32>, vector<512x128xf32> -> vector<512x128xf32>
    %add3A_29 = arith.addf %get3A_22, %dot_general3A_28 : vector<512x128xf32>
    %gt3A = arith.constant 0.000000e+00 : f32
    %gt3A_30 = vector.broadcast %gt3A : f32 to vector<512x128xf32>
    %gt3A_31 = arith.cmpf ogt, %add3A_29, %gt3A_30 : vector<512x128xf32>
    %mul3A_32 = arith.constant 2.000000e-01 : f32
    %mul3A_33 = vector.broadcast %mul3A_32 : f32 to vector<512x128xf32>
    %mul3A_34 = arith.mulf %mul3A_33, %add3A_29 : vector<512x128xf32>
    %select_n3A_35 = arith.select %gt3A_31, %add3A_29, %mul3A_34 : vector<512x128xi1>, vector<512x128xf32>
    %get3A_36 = arith.constant 0 : index
    %get3A_37 = arith.constant 0 : index
    %get3A_38 = arith.constant 0 : index
    %get3A_39 = vector.load %arg6[%get3A_36, %get3A_37, %get3A_38] : memref<8x1x128xf32, #tpu.memory_space<vmem>>, vector<1x1x128xf32>
    %get3A_40 = vector.shape_cast %get3A_39 : vector<1x1x128xf32> to vector<1x128xf32>
    %dot_general3A_41 = arith.constant dense<0.000000e+00> : vector<512x1xf32>
    %dot_general3A_42 = tpu.matmul %select_n3A_35, %get3A_40, %dot_general3A_41 {dimension_numbers = #tpu.dot_dimension_numbers<[1], [1], [0], [0], [0, 0, 1, 0], [], []>, transpose_lhs_hint = false} : vector<512x128xf32>, vector<1x128xf32>, vector<512x1xf32> -> vector<512x1xf32>
    %exp3A = math.exp %dot_general3A_42 : vector<512x1xf32>
    %get3A_43 = arith.constant 0 : index
    %get3A_44 = arith.constant 0 : index
    %get3A_45 = arith.constant 0 : index
    %get3A_46 = vector.load %arg9[%get3A_43, %get3A_44, %get3A_45] : memref<8x128x128xf32, #tpu.memory_space<vmem>>, vector<1x128x128xf32>
    %get3A_47 = vector.shape_cast %get3A_46 : vector<1x128x128xf32> to vector<128x128xf32>
    %mul3A_48 = vector.broadcast %exp3A : vector<512x1xf32> to vector<512x128xf32>
    %mul3A_49 = arith.mulf %get3A_22, %mul3A_48 : vector<512x128xf32>
    %dot_general3A_50 = arith.constant dense<0.000000e+00> : vector<128x128xf32>
    %dot_general3A_51 = tpu.matmul %select_n3A, %mul3A_49, %dot_general3A_50 {dimension_numbers = #tpu.dot_dimension_numbers<[1], [0], [0], [1], [0, 0, 1, 1], [], []>, transpose_lhs_hint = false} : vector<128x512xf32>, vector<512x128xf32>, vector<128x128xf32> -> vector<128x128xf32>
    %add3A_52 = arith.addf %get3A_47, %dot_general3A_51 : vector<128x128xf32>
    %swap3A = arith.constant 0 : index
    %swap3A_53 = arith.constant 0 : index
    %swap3A_54 = arith.constant 0 : index
    %swap3A_55 = vector.load %arg9[%swap3A, %swap3A_53, %swap3A_54] : memref<8x128x128xf32, #tpu.memory_space<vmem>>, vector<1x128x128xf32>
    %swap3A_56 = vector.shape_cast %swap3A_55 : vector<1x128x128xf32> to vector<128x128xf32>
    %swap3A_57 = vector.shape_cast %add3A_52 : vector<128x128xf32> to vector<1x128x128xf32>
    tpu.vector_store %arg9[%swap3A, %swap3A_53, %swap3A_54], %swap3A_57 {strides = array<i32>} : memref<8x128x128xf32, #tpu.memory_space<vmem>>, vector<1x128x128xf32>,
    %get3A_58 = arith.constant 0 : index
    %get3A_59 = arith.constant 0 : index
    %get3A_60 = arith.constant 0 : index
    %get3A_61 = vector.load %arg10[%get3A_58, %get3A_59, %get3A_60] : memref<8x128x1xf32, #tpu.memory_space<vmem>>, vector<1x128x1xf32>
    %get3A_62 = vector.shape_cast %get3A_61 : vector<1x128x1xf32> to vector<128x1xf32>
    %dot_general3A_63 = arith.constant dense<0.000000e+00> : vector<128x1xf32>
    %dot_general3A_64 = tpu.matmul %select_n3A, %exp3A, %dot_general3A_63 {dimension_numbers = #tpu.dot_dimension_numbers<[1], [0], [0], [1], [0, 0, 1, 1], [], []>, transpose_lhs_hint = false} : vector<128x512xf32>, vector<512x1xf32>, vector<128x1xf32> -> vector<128x1xf32>
    %add3A_65 = arith.addf %get3A_62, %dot_general3A_64 : vector<128x1xf32>
    %swap3A_66 = arith.constant 0 : index
    %swap3A_67 = arith.constant 0 : index
    %swap3A_68 = arith.constant 0 : index
    %swap3A_69 = vector.load %arg10[%swap3A_66, %swap3A_67, %swap3A_68] : memref<8x128x1xf32, #tpu.memory_space<vmem>>, vector<1x128x1xf32>
    %swap3A_70 = vector.shape_cast %swap3A_69 : vector<1x128x1xf32> to vector<128x1xf32>
    %swap3A_71 = vector.shape_cast %add3A_65 : vector<128x1xf32> to vector<1x128x1xf32>
    tpu.vector_store %arg10[%swap3A_66, %swap3A_67, %swap3A_68], %swap3A_71 {strides = array<i32>} : memref<8x128x1xf32, #tpu.memory_space<vmem>>, vector<1x128x1xf32>,
    %get3A_72 = arith.constant 0 : index
    %get3A_73 = arith.constant 1 : index
    %get3A_74 = arith.constant 0 : index
    %get3A_75 = vector.load %arg4[%get3A_72, %get3A_73, %get3A_74] : memref<512x8x128xf32, #tpu.memory_space<vmem>>, vector<512x1x128xf32>
    %get3A_76 = vector.shape_cast %get3A_75 : vector<512x1x128xf32> to vector<512x128xf32>
    %get3A_77 = arith.constant 1 : index
    %get3A_78 = arith.constant 0 : index
    %get3A_79 = arith.constant 0 : index
    %get3A_80 = vector.load %arg5[%get3A_77, %get3A_78, %get3A_79] : memref<8x128x128xf32, #tpu.memory_space<vmem>>, vector<1x128x128xf32>
    %get3A_81 = vector.shape_cast %get3A_80 : vector<1x128x128xf32> to vector<128x128xf32>
    %dot_general3A_82 = arith.constant dense<0.000000e+00> : vector<512x128xf32>
    %dot_general3A_83 = tpu.matmul %select_n3A, %get3A_81, %dot_general3A_82 {dimension_numbers = #tpu.dot_dimension_numbers<[0], [0], [1], [1], [0, 1, 1, 1], [], []>, transpose_lhs_hint = false} : vector<128x512xf32>, vector<128x128xf32>, vector<512x128xf32> -> vector<512x128xf32>
    %add3A_84 = arith.addf %get3A_76, %dot_general3A_83 : vector<512x128xf32>
    %gt3A_85 = arith.constant 0.000000e+00 : f32
    %gt3A_86 = vector.broadcast %gt3A_85 : f32 to vector<512x128xf32>
    %gt3A_87 = arith.cmpf ogt, %add3A_84, %gt3A_86 : vector<512x128xf32>
    %mul3A_88 = arith.constant 2.000000e-01 : f32
    %mul3A_89 = vector.broadcast %mul3A_88 : f32 to vector<512x128xf32>
    %mul3A_90 = arith.mulf %mul3A_89, %add3A_84 : vector<512x128xf32>
    %select_n3A_91 = arith.select %gt3A_87, %add3A_84, %mul3A_90 : vector<512x128xi1>, vector<512x128xf32>
    %get3A_92 = arith.constant 1 : index
    %get3A_93 = arith.constant 0 : index
    %get3A_94 = arith.constant 0 : index
    %get3A_95 = vector.load %arg6[%get3A_92, %get3A_93, %get3A_94] : memref<8x1x128xf32, #tpu.memory_space<vmem>>, vector<1x1x128xf32>
    %get3A_96 = vector.shape_cast %get3A_95 : vector<1x1x128xf32> to vector<1x128xf32>
    %dot_general3A_97 = arith.constant dense<0.000000e+00> : vector<512x1xf32>
    %dot_general3A_98 = tpu.matmul %select_n3A_91, %get3A_96, %dot_general3A_97 {dimension_numbers = #tpu.dot_dimension_numbers<[1], [1], [0], [0], [0, 0, 1, 0], [], []>, transpose_lhs_hint = false} : vector<512x128xf32>, vector<1x128xf32>, vector<512x1xf32> -> vector<512x1xf32>
    %exp3A_99 = math.exp %dot_general3A_98 : vector<512x1xf32>
    %get3A_100 = arith.constant 1 : index
    %get3A_101 = arith.constant 0 : index
    %get3A_102 = arith.constant 0 : index
    %get3A_103 = vector.load %arg9[%get3A_100, %get3A_101, %get3A_102] : memref<8x128x128xf32, #tpu.memory_space<vmem>>, vector<1x128x128xf32>
    %get3A_104 = vector.shape_cast %get3A_103 : vector<1x128x128xf32> to vector<128x128xf32>
    %mul3A_105 = vector.broadcast %exp3A_99 : vector<512x1xf32> to vector<512x128xf32>
    %mul3A_106 = arith.mulf %get3A_76, %mul3A_105 : vector<512x128xf32>
    %dot_general3A_107 = arith.constant dense<0.000000e+00> : vector<128x128xf32>
    %dot_general3A_108 = tpu.matmul %select_n3A, %mul3A_106, %dot_general3A_107 {dimension_numbers = #tpu.dot_dimension_numbers<[1], [0], [0], [1], [0, 0, 1, 1], [], []>, transpose_lhs_hint = false} : vector<128x512xf32>, vector<512x128xf32>, vector<128x128xf32> -> vector<128x128xf32>
    %add3A_109 = arith.addf %get3A_104, %dot_general3A_108 : vector<128x128xf32>
    %swap3A_110 = arith.constant 1 : index
    %swap3A_111 = arith.constant 0 : index
    %swap3A_112 = arith.constant 0 : index
    %swap3A_113 = vector.load %arg9[%swap3A_110, %swap3A_111, %swap3A_112] : memref<8x128x128xf32, #tpu.memory_space<vmem>>, vector<1x128x128xf32>
    %swap3A_114 = vector.shape_cast %swap3A_113 : vector<1x128x128xf32> to vector<128x128xf32>
    %swap3A_115 = vector.shape_cast %add3A_109 : vector<128x128xf32> to vector<1x128x128xf32>
    tpu.vector_store %arg9[%swap3A_110, %swap3A_111, %swap3A_112], %swap3A_115 {strides = array<i32>} : memref<8x128x128xf32, #tpu.memory_space<vmem>>, vector<1x128x128xf32>,
    %get3A_116 = arith.constant 1 : index
    %get3A_117 = arith.constant 0 : index
    %get3A_118 = arith.constant 0 : index
    %get3A_119 = vector.load %arg10[%get3A_116, %get3A_117, %get3A_118] : memref<8x128x1xf32, #tpu.memory_space<vmem>>, vector<1x128x1xf32>
    %get3A_120 = vector.shape_cast %get3A_119 : vector<1x128x1xf32> to vector<128x1xf32>
    %dot_general3A_121 = arith.constant dense<0.000000e+00> : vector<128x1xf32>
    %dot_general3A_122 = tpu.matmul %select_n3A, %exp3A_99, %dot_general3A_121 {dimension_numbers = #tpu.dot_dimension_numbers<[1], [0], [0], [1], [0, 0, 1, 1], [], []>, transpose_lhs_hint = false} : vector<128x512xf32>, vector<512x1xf32>, vector<128x1xf32> -> vector<128x1xf32>
    %add3A_123 = arith.addf %get3A_120, %dot_general3A_122 : vector<128x1xf32>
    %swap3A_124 = arith.constant 1 : index
    %swap3A_125 = arith.constant 0 : index
    %swap3A_126 = arith.constant 0 : index
    %swap3A_127 = vector.load %arg10[%swap3A_124, %swap3A_125, %swap3A_126] : memref<8x128x1xf32, #tpu.memory_space<vmem>>, vector<1x128x1xf32>
    %swap3A_128 = vector.shape_cast %swap3A_127 : vector<1x128x1xf32> to vector<128x1xf32>
    %swap3A_129 = vector.shape_cast %add3A_123 : vector<128x1xf32> to vector<1x128x1xf32>
    tpu.vector_store %arg10[%swap3A_124, %swap3A_125, %swap3A_126], %swap3A_129 {strides = array<i32>} : memref<8x128x1xf32, #tpu.memory_space<vmem>>, vector<1x128x1xf32>,
    %get3A_130 = arith.constant 0 : index
    %get3A_131 = arith.constant 2 : index
    %get3A_132 = arith.constant 0 : index
    %get3A_133 = vector.load %arg4[%get3A_130, %get3A_131, %get3A_132] : memref<512x8x128xf32, #tpu.memory_space<vmem>>, vector<512x1x128xf32>
    %get3A_134 = vector.shape_cast %get3A_133 : vector<512x1x128xf32> to vector<512x128xf32>
    %get3A_135 = arith.constant 2 : index
    %get3A_136 = arith.constant 0 : index
    %get3A_137 = arith.constant 0 : index
    %get3A_138 = vector.load %arg5[%get3A_135, %get3A_136, %get3A_137] : memref<8x128x128xf32, #tpu.memory_space<vmem>>, vector<1x128x128xf32>
    %get3A_139 = vector.shape_cast %get3A_138 : vector<1x128x128xf32> to vector<128x128xf32>
    %dot_general3A_140 = arith.constant dense<0.000000e+00> : vector<512x128xf32>
    %dot_general3A_141 = tpu.matmul %select_n3A, %get3A_139, %dot_general3A_140 {dimension_numbers = #tpu.dot_dimension_numbers<[0], [0], [1], [1], [0, 1, 1, 1], [], []>, transpose_lhs_hint = false} : vector<128x512xf32>, vector<128x128xf32>, vector<512x128xf32> -> vector<512x128xf32>
    %add3A_142 = arith.addf %get3A_134, %dot_general3A_141 : vector<512x128xf32>
    %gt3A_143 = arith.constant 0.000000e+00 : f32
    %gt3A_144 = vector.broadcast %gt3A_143 : f32 to vector<512x128xf32>
    %gt3A_145 = arith.cmpf ogt, %add3A_142, %gt3A_144 : vector<512x128xf32>
    %mul3A_146 = arith.constant 2.000000e-01 : f32
    %mul3A_147 = vector.broadcast %mul3A_146 : f32 to vector<512x128xf32>
    %mul3A_148 = arith.mulf %mul3A_147, %add3A_142 : vector<512x128xf32>
    %select_n3A_149 = arith.select %gt3A_145, %add3A_142, %mul3A_148 : vector<512x128xi1>, vector<512x128xf32>
    %get3A_150 = arith.constant 2 : index
    %get3A_151 = arith.constant 0 : index
    %get3A_152 = arith.constant 0 : index
    %get3A_153 = vector.load %arg6[%get3A_150, %get3A_151, %get3A_152] : memref<8x1x128xf32, #tpu.memory_space<vmem>>, vector<1x1x128xf32>
    %get3A_154 = vector.shape_cast %get3A_153 : vector<1x1x128xf32> to vector<1x128xf32>
    %dot_general3A_155 = arith.constant dense<0.000000e+00> : vector<512x1xf32>
    %dot_general3A_156 = tpu.matmul %select_n3A_149, %get3A_154, %dot_general3A_155 {dimension_numbers = #tpu.dot_dimension_numbers<[1], [1], [0], [0], [0, 0, 1, 0], [], []>, transpose_lhs_hint = false} : vector<512x128xf32>, vector<1x128xf32>, vector<512x1xf32> -> vector<512x1xf32>
    %exp3A_157 = math.exp %dot_general3A_156 : vector<512x1xf32>
    %get3A_158 = arith.constant 2 : index
    %get3A_159 = arith.constant 0 : index
    %get3A_160 = arith.constant 0 : index
    %get3A_161 = vector.load %arg9[%get3A_158, %get3A_159, %get3A_160] : memref<8x128x128xf32, #tpu.memory_space<vmem>>, vector<1x128x128xf32>
    %get3A_162 = vector.shape_cast %get3A_161 : vector<1x128x128xf32> to vector<128x128xf32>
    %mul3A_163 = vector.broadcast %exp3A_157 : vector<512x1xf32> to vector<512x128xf32>
    %mul3A_164 = arith.mulf %get3A_134, %mul3A_163 : vector<512x128xf32>
    %dot_general3A_165 = arith.constant dense<0.000000e+00> : vector<128x128xf32>
    %dot_general3A_166 = tpu.matmul %select_n3A, %mul3A_164, %dot_general3A_165 {dimension_numbers = #tpu.dot_dimension_numbers<[1], [0], [0], [1], [0, 0, 1, 1], [], []>, transpose_lhs_hint = false} : vector<128x512xf32>, vector<512x128xf32>, vector<128x128xf32> -> vector<128x128xf32>
    %add3A_167 = arith.addf %get3A_162, %dot_general3A_166 : vector<128x128xf32>
    %swap3A_168 = arith.constant 2 : index
    %swap3A_169 = arith.constant 0 : index
    %swap3A_170 = arith.constant 0 : index
    %swap3A_171 = vector.load %arg9[%swap3A_168, %swap3A_169, %swap3A_170] : memref<8x128x128xf32, #tpu.memory_space<vmem>>, vector<1x128x128xf32>
    %swap3A_172 = vector.shape_cast %swap3A_171 : vector<1x128x128xf32> to vector<128x128xf32>
    %swap3A_173 = vector.shape_cast %add3A_167 : vector<128x128xf32> to vector<1x128x128xf32>
    tpu.vector_store %arg9[%swap3A_168, %swap3A_169, %swap3A_170], %swap3A_173 {strides = array<i32>} : memref<8x128x128xf32, #tpu.memory_space<vmem>>, vector<1x128x128xf32>,
    %get3A_174 = arith.constant 2 : index
    %get3A_175 = arith.constant 0 : index
    %get3A_176 = arith.constant 0 : index
    %get3A_177 = vector.load %arg10[%get3A_174, %get3A_175, %get3A_176] : memref<8x128x1xf32, #tpu.memory_space<vmem>>, vector<1x128x1xf32>
    %get3A_178 = vector.shape_cast %get3A_177 : vector<1x128x1xf32> to vector<128x1xf32>
    %dot_general3A_179 = arith.constant dense<0.000000e+00> : vector<128x1xf32>
    %dot_general3A_180 = tpu.matmul %select_n3A, %exp3A_157, %dot_general3A_179 {dimension_numbers = #tpu.dot_dimension_numbers<[1], [0], [0], [1], [0, 0, 1, 1], [], []>, transpose_lhs_hint = false} : vector<128x512xf32>, vector<512x1xf32>, vector<128x1xf32> -> vector<128x1xf32>
    %add3A_181 = arith.addf %get3A_178, %dot_general3A_180 : vector<128x1xf32>
    %swap3A_182 = arith.constant 2 : index
    %swap3A_183 = arith.constant 0 : index
    %swap3A_184 = arith.constant 0 : index
    %swap3A_185 = vector.load %arg10[%swap3A_182, %swap3A_183, %swap3A_184] : memref<8x128x1xf32, #tpu.memory_space<vmem>>, vector<1x128x1xf32>
    %swap3A_186 = vector.shape_cast %swap3A_185 : vector<1x128x1xf32> to vector<128x1xf32>
    %swap3A_187 = vector.shape_cast %add3A_181 : vector<128x1xf32> to vector<1x128x1xf32>
    tpu.vector_store %arg10[%swap3A_182, %swap3A_183, %swap3A_184], %swap3A_187 {strides = array<i32>} : memref<8x128x1xf32, #tpu.memory_space<vmem>>, vector<1x128x1xf32>,
    %get3A_188 = arith.constant 0 : index
    %get3A_189 = arith.constant 3 : index
    %get3A_190 = arith.constant 0 : index
    %get3A_191 = vector.load %arg4[%get3A_188, %get3A_189, %get3A_190] : memref<512x8x128xf32, #tpu.memory_space<vmem>>, vector<512x1x128xf32>
    %get3A_192 = vector.shape_cast %get3A_191 : vector<512x1x128xf32> to vector<512x128xf32>
    %get3A_193 = arith.constant 3 : index
    %get3A_194 = arith.constant 0 : index
    %get3A_195 = arith.constant 0 : index
    %get3A_196 = vector.load %arg5[%get3A_193, %get3A_194, %get3A_195] : memref<8x128x128xf32, #tpu.memory_space<vmem>>, vector<1x128x128xf32>
    %get3A_197 = vector.shape_cast %get3A_196 : vector<1x128x128xf32> to vector<128x128xf32>
    %dot_general3A_198 = arith.constant dense<0.000000e+00> : vector<512x128xf32>
    %dot_general3A_199 = tpu.matmul %select_n3A, %get3A_197, %dot_general3A_198 {dimension_numbers = #tpu.dot_dimension_numbers<[0], [0], [1], [1], [0, 1, 1, 1], [], []>, transpose_lhs_hint = false} : vector<128x512xf32>, vector<128x128xf32>, vector<512x128xf32> -> vector<512x128xf32>
    %add3A_200 = arith.addf %get3A_192, %dot_general3A_199 : vector<512x128xf32>
    %gt3A_201 = arith.constant 0.000000e+00 : f32
    %gt3A_202 = vector.broadcast %gt3A_201 : f32 to vector<512x128xf32>
    %gt3A_203 = arith.cmpf ogt, %add3A_200, %gt3A_202 : vector<512x128xf32>
    %mul3A_204 = arith.constant 2.000000e-01 : f32
    %mul3A_205 = vector.broadcast %mul3A_204 : f32 to vector<512x128xf32>
    %mul3A_206 = arith.mulf %mul3A_205, %add3A_200 : vector<512x128xf32>
    %select_n3A_207 = arith.select %gt3A_203, %add3A_200, %mul3A_206 : vector<512x128xi1>, vector<512x128xf32>
    %get3A_208 = arith.constant 3 : index
    %get3A_209 = arith.constant 0 : index
    %get3A_210 = arith.constant 0 : index
    %get3A_211 = vector.load %arg6[%get3A_208, %get3A_209, %get3A_210] : memref<8x1x128xf32, #tpu.memory_space<vmem>>, vector<1x1x128xf32>
    %get3A_212 = vector.shape_cast %get3A_211 : vector<1x1x128xf32> to vector<1x128xf32>
    %dot_general3A_213 = arith.constant dense<0.000000e+00> : vector<512x1xf32>
    %dot_general3A_214 = tpu.matmul %select_n3A_207, %get3A_212, %dot_general3A_213 {dimension_numbers = #tpu.dot_dimension_numbers<[1], [1], [0], [0], [0, 0, 1, 0], [], []>, transpose_lhs_hint = false} : vector<512x128xf32>, vector<1x128xf32>, vector<512x1xf32> -> vector<512x1xf32>
    %exp3A_215 = math.exp %dot_general3A_214 : vector<512x1xf32>
    %get3A_216 = arith.constant 3 : index
    %get3A_217 = arith.constant 0 : index
    %get3A_218 = arith.constant 0 : index
    %get3A_219 = vector.load %arg9[%get3A_216, %get3A_217, %get3A_218] : memref<8x128x128xf32, #tpu.memory_space<vmem>>, vector<1x128x128xf32>
    %get3A_220 = vector.shape_cast %get3A_219 : vector<1x128x128xf32> to vector<128x128xf32>
    %mul3A_221 = vector.broadcast %exp3A_215 : vector<512x1xf32> to vector<512x128xf32>
    %mul3A_222 = arith.mulf %get3A_192, %mul3A_221 : vector<512x128xf32>
    %dot_general3A_223 = arith.constant dense<0.000000e+00> : vector<128x128xf32>
    %dot_general3A_224 = tpu.matmul %select_n3A, %mul3A_222, %dot_general3A_223 {dimension_numbers = #tpu.dot_dimension_numbers<[1], [0], [0], [1], [0, 0, 1, 1], [], []>, transpose_lhs_hint = false} : vector<128x512xf32>, vector<512x128xf32>, vector<128x128xf32> -> vector<128x128xf32>
    %add3A_225 = arith.addf %get3A_220, %dot_general3A_224 : vector<128x128xf32>
    %swap3A_226 = arith.constant 3 : index
    %swap3A_227 = arith.constant 0 : index
    %swap3A_228 = arith.constant 0 : index
    %swap3A_229 = vector.load %arg9[%swap3A_226, %swap3A_227, %swap3A_228] : memref<8x128x128xf32, #tpu.memory_space<vmem>>, vector<1x128x128xf32>
    %swap3A_230 = vector.shape_cast %swap3A_229 : vector<1x128x128xf32> to vector<128x128xf32>
    %swap3A_231 = vector.shape_cast %add3A_225 : vector<128x128xf32> to vector<1x128x128xf32>
    tpu.vector_store %arg9[%swap3A_226, %swap3A_227, %swap3A_228], %swap3A_231 {strides = array<i32>} : memref<8x128x128xf32, #tpu.memory_space<vmem>>, vector<1x128x128xf32>,
    %get3A_232 = arith.constant 3 : index
    %get3A_233 = arith.constant 0 : index
    %get3A_234 = arith.constant 0 : index
    %get3A_235 = vector.load %arg10[%get3A_232, %get3A_233, %get3A_234] : memref<8x128x1xf32, #tpu.memory_space<vmem>>, vector<1x128x1xf32>
    %get3A_236 = vector.shape_cast %get3A_235 : vector<1x128x1xf32> to vector<128x1xf32>
    %dot_general3A_237 = arith.constant dense<0.000000e+00> : vector<128x1xf32>
    %dot_general3A_238 = tpu.matmul %select_n3A, %exp3A_215, %dot_general3A_237 {dimension_numbers = #tpu.dot_dimension_numbers<[1], [0], [0], [1], [0, 0, 1, 1], [], []>, transpose_lhs_hint = false} : vector<128x512xf32>, vector<512x1xf32>, vector<128x1xf32> -> vector<128x1xf32>
    %add3A_239 = arith.addf %get3A_236, %dot_general3A_238 : vector<128x1xf32>
    %swap3A_240 = arith.constant 3 : index
    %swap3A_241 = arith.constant 0 : index
    %swap3A_242 = arith.constant 0 : index
    %swap3A_243 = vector.load %arg10[%swap3A_240, %swap3A_241, %swap3A_242] : memref<8x128x1xf32, #tpu.memory_space<vmem>>, vector<1x128x1xf32>
    %swap3A_244 = vector.shape_cast %swap3A_243 : vector<1x128x1xf32> to vector<128x1xf32>
    %swap3A_245 = vector.shape_cast %add3A_239 : vector<128x1xf32> to vector<1x128x1xf32>
    tpu.vector_store %arg10[%swap3A_240, %swap3A_241, %swap3A_242], %swap3A_245 {strides = array<i32>} : memref<8x128x1xf32, #tpu.memory_space<vmem>>, vector<1x128x1xf32>,
    %get3A_246 = arith.constant 0 : index
    %get3A_247 = arith.constant 4 : index
    %get3A_248 = arith.constant 0 : index
    %get3A_249 = vector.load %arg4[%get3A_246, %get3A_247, %get3A_248] : memref<512x8x128xf32, #tpu.memory_space<vmem>>, vector<512x1x128xf32>
    %get3A_250 = vector.shape_cast %get3A_249 : vector<512x1x128xf32> to vector<512x128xf32>
    %get3A_251 = arith.constant 4 : index
    %get3A_252 = arith.constant 0 : index
    %get3A_253 = arith.constant 0 : index
    %get3A_254 = vector.load %arg5[%get3A_251, %get3A_252, %get3A_253] : memref<8x128x128xf32, #tpu.memory_space<vmem>>, vector<1x128x128xf32>
    %get3A_255 = vector.shape_cast %get3A_254 : vector<1x128x128xf32> to vector<128x128xf32>
    %dot_general3A_256 = arith.constant dense<0.000000e+00> : vector<512x128xf32>
    %dot_general3A_257 = tpu.matmul %select_n3A, %get3A_255, %dot_general3A_256 {dimension_numbers = #tpu.dot_dimension_numbers<[0], [0], [1], [1], [0, 1, 1, 1], [], []>, transpose_lhs_hint = false} : vector<128x512xf32>, vector<128x128xf32>, vector<512x128xf32> -> vector<512x128xf32>
    %add3A_258 = arith.addf %get3A_250, %dot_general3A_257 : vector<512x128xf32>
    %gt3A_259 = arith.constant 0.000000e+00 : f32
    %gt3A_260 = vector.broadcast %gt3A_259 : f32 to vector<512x128xf32>
    %gt3A_261 = arith.cmpf ogt, %add3A_258, %gt3A_260 : vector<512x128xf32>
    %mul3A_262 = arith.constant 2.000000e-01 : f32
    %mul3A_263 = vector.broadcast %mul3A_262 : f32 to vector<512x128xf32>
    %mul3A_264 = arith.mulf %mul3A_263, %add3A_258 : vector<512x128xf32>
    %select_n3A_265 = arith.select %gt3A_261, %add3A_258, %mul3A_264 : vector<512x128xi1>, vector<512x128xf32>
    %get3A_266 = arith.constant 4 : index
    %get3A_267 = arith.constant 0 : index
    %get3A_268 = arith.constant 0 : index
    %get3A_269 = vector.load %arg6[%get3A_266, %get3A_267, %get3A_268] : memref<8x1x128xf32, #tpu.memory_space<vmem>>, vector<1x1x128xf32>
    %get3A_270 = vector.shape_cast %get3A_269 : vector<1x1x128xf32> to vector<1x128xf32>
    %dot_general3A_271 = arith.constant dense<0.000000e+00> : vector<512x1xf32>
    %dot_general3A_272 = tpu.matmul %select_n3A_265, %get3A_270, %dot_general3A_271 {dimension_numbers = #tpu.dot_dimension_numbers<[1], [1], [0], [0], [0, 0, 1, 0], [], []>, transpose_lhs_hint = false} : vector<512x128xf32>, vector<1x128xf32>, vector<512x1xf32> -> vector<512x1xf32>
    %exp3A_273 = math.exp %dot_general3A_272 : vector<512x1xf32>
    %get3A_274 = arith.constant 4 : index
    %get3A_275 = arith.constant 0 : index
    %get3A_276 = arith.constant 0 : index
    %get3A_277 = vector.load %arg9[%get3A_274, %get3A_275, %get3A_276] : memref<8x128x128xf32, #tpu.memory_space<vmem>>, vector<1x128x128xf32>
    %get3A_278 = vector.shape_cast %get3A_277 : vector<1x128x128xf32> to vector<128x128xf32>
    %mul3A_279 = vector.broadcast %exp3A_273 : vector<512x1xf32> to vector<512x128xf32>
    %mul3A_280 = arith.mulf %get3A_250, %mul3A_279 : vector<512x128xf32>
    %dot_general3A_281 = arith.constant dense<0.000000e+00> : vector<128x128xf32>
    %dot_general3A_282 = tpu.matmul %select_n3A, %mul3A_280, %dot_general3A_281 {dimension_numbers = #tpu.dot_dimension_numbers<[1], [0], [0], [1], [0, 0, 1, 1], [], []>, transpose_lhs_hint = false} : vector<128x512xf32>, vector<512x128xf32>, vector<128x128xf32> -> vector<128x128xf32>
    %add3A_283 = arith.addf %get3A_278, %dot_general3A_282 : vector<128x128xf32>
    %swap3A_284 = arith.constant 4 : index
    %swap3A_285 = arith.constant 0 : index
    %swap3A_286 = arith.constant 0 : index
    %swap3A_287 = vector.load %arg9[%swap3A_284, %swap3A_285, %swap3A_286] : memref<8x128x128xf32, #tpu.memory_space<vmem>>, vector<1x128x128xf32>
    %swap3A_288 = vector.shape_cast %swap3A_287 : vector<1x128x128xf32> to vector<128x128xf32>
    %swap3A_289 = vector.shape_cast %add3A_283 : vector<128x128xf32> to vector<1x128x128xf32>
    tpu.vector_store %arg9[%swap3A_284, %swap3A_285, %swap3A_286], %swap3A_289 {strides = array<i32>} : memref<8x128x128xf32, #tpu.memory_space<vmem>>, vector<1x128x128xf32>,
    %get3A_290 = arith.constant 4 : index
    %get3A_291 = arith.constant 0 : index
    %get3A_292 = arith.constant 0 : index
    %get3A_293 = vector.load %arg10[%get3A_290, %get3A_291, %get3A_292] : memref<8x128x1xf32, #tpu.memory_space<vmem>>, vector<1x128x1xf32>
    %get3A_294 = vector.shape_cast %get3A_293 : vector<1x128x1xf32> to vector<128x1xf32>
    %dot_general3A_295 = arith.constant dense<0.000000e+00> : vector<128x1xf32>
    %dot_general3A_296 = tpu.matmul %select_n3A, %exp3A_273, %dot_general3A_295 {dimension_numbers = #tpu.dot_dimension_numbers<[1], [0], [0], [1], [0, 0, 1, 1], [], []>, transpose_lhs_hint = false} : vector<128x512xf32>, vector<512x1xf32>, vector<128x1xf32> -> vector<128x1xf32>
    %add3A_297 = arith.addf %get3A_294, %dot_general3A_296 : vector<128x1xf32>
    %swap3A_298 = arith.constant 4 : index
    %swap3A_299 = arith.constant 0 : index
    %swap3A_300 = arith.constant 0 : index
    %swap3A_301 = vector.load %arg10[%swap3A_298, %swap3A_299, %swap3A_300] : memref<8x128x1xf32, #tpu.memory_space<vmem>>, vector<1x128x1xf32>
    %swap3A_302 = vector.shape_cast %swap3A_301 : vector<1x128x1xf32> to vector<128x1xf32>
    %swap3A_303 = vector.shape_cast %add3A_297 : vector<128x1xf32> to vector<1x128x1xf32>
    tpu.vector_store %arg10[%swap3A_298, %swap3A_299, %swap3A_300], %swap3A_303 {strides = array<i32>} : memref<8x128x1xf32, #tpu.memory_space<vmem>>, vector<1x128x1xf32>,
    %get3A_304 = arith.constant 0 : index
    %get3A_305 = arith.constant 5 : index
    %get3A_306 = arith.constant 0 : index
    %get3A_307 = vector.load %arg4[%get3A_304, %get3A_305, %get3A_306] : memref<512x8x128xf32, #tpu.memory_space<vmem>>, vector<512x1x128xf32>
    %get3A_308 = vector.shape_cast %get3A_307 : vector<512x1x128xf32> to vector<512x128xf32>
    %get3A_309 = arith.constant 5 : index
    %get3A_310 = arith.constant 0 : index
    %get3A_311 = arith.constant 0 : index
    %get3A_312 = vector.load %arg5[%get3A_309, %get3A_310, %get3A_311] : memref<8x128x128xf32, #tpu.memory_space<vmem>>, vector<1x128x128xf32>
    %get3A_313 = vector.shape_cast %get3A_312 : vector<1x128x128xf32> to vector<128x128xf32>
    %dot_general3A_314 = arith.constant dense<0.000000e+00> : vector<512x128xf32>
    %dot_general3A_315 = tpu.matmul %select_n3A, %get3A_313, %dot_general3A_314 {dimension_numbers = #tpu.dot_dimension_numbers<[0], [0], [1], [1], [0, 1, 1, 1], [], []>, transpose_lhs_hint = false} : vector<128x512xf32>, vector<128x128xf32>, vector<512x128xf32> -> vector<512x128xf32>
    %add3A_316 = arith.addf %get3A_308, %dot_general3A_315 : vector<512x128xf32>
    %gt3A_317 = arith.constant 0.000000e+00 : f32
    %gt3A_318 = vector.broadcast %gt3A_317 : f32 to vector<512x128xf32>
    %gt3A_319 = arith.cmpf ogt, %add3A_316, %gt3A_318 : vector<512x128xf32>
    %mul3A_320 = arith.constant 2.000000e-01 : f32
    %mul3A_321 = vector.broadcast %mul3A_320 : f32 to vector<512x128xf32>
    %mul3A_322 = arith.mulf %mul3A_321, %add3A_316 : vector<512x128xf32>
    %select_n3A_323 = arith.select %gt3A_319, %add3A_316, %mul3A_322 : vector<512x128xi1>, vector<512x128xf32>
    %get3A_324 = arith.constant 5 : index
    %get3A_325 = arith.constant 0 : index
    %get3A_326 = arith.constant 0 : index
    %get3A_327 = vector.load %arg6[%get3A_324, %get3A_325, %get3A_326] : memref<8x1x128xf32, #tpu.memory_space<vmem>>, vector<1x1x128xf32>
    %get3A_328 = vector.shape_cast %get3A_327 : vector<1x1x128xf32> to vector<1x128xf32>
    %dot_general3A_329 = arith.constant dense<0.000000e+00> : vector<512x1xf32>
    %dot_general3A_330 = tpu.matmul %select_n3A_323, %get3A_328, %dot_general3A_329 {dimension_numbers = #tpu.dot_dimension_numbers<[1], [1], [0], [0], [0, 0, 1, 0], [], []>, transpose_lhs_hint = false} : vector<512x128xf32>, vector<1x128xf32>, vector<512x1xf32> -> vector<512x1xf32>
    %exp3A_331 = math.exp %dot_general3A_330 : vector<512x1xf32>
    %get3A_332 = arith.constant 5 : index
    %get3A_333 = arith.constant 0 : index
    %get3A_334 = arith.constant 0 : index
    %get3A_335 = vector.load %arg9[%get3A_332, %get3A_333, %get3A_334] : memref<8x128x128xf32, #tpu.memory_space<vmem>>, vector<1x128x128xf32>
    %get3A_336 = vector.shape_cast %get3A_335 : vector<1x128x128xf32> to vector<128x128xf32>
    %mul3A_337 = vector.broadcast %exp3A_331 : vector<512x1xf32> to vector<512x128xf32>
    %mul3A_338 = arith.mulf %get3A_308, %mul3A_337 : vector<512x128xf32>
    %dot_general3A_339 = arith.constant dense<0.000000e+00> : vector<128x128xf32>
    %dot_general3A_340 = tpu.matmul %select_n3A, %mul3A_338, %dot_general3A_339 {dimension_numbers = #tpu.dot_dimension_numbers<[1], [0], [0], [1], [0, 0, 1, 1], [], []>, transpose_lhs_hint = false} : vector<128x512xf32>, vector<512x128xf32>, vector<128x128xf32> -> vector<128x128xf32>
    %add3A_341 = arith.addf %get3A_336, %dot_general3A_340 : vector<128x128xf32>
    %swap3A_342 = arith.constant 5 : index
    %swap3A_343 = arith.constant 0 : index
    %swap3A_344 = arith.constant 0 : index
    %swap3A_345 = vector.load %arg9[%swap3A_342, %swap3A_343, %swap3A_344] : memref<8x128x128xf32, #tpu.memory_space<vmem>>, vector<1x128x128xf32>
    %swap3A_346 = vector.shape_cast %swap3A_345 : vector<1x128x128xf32> to vector<128x128xf32>
    %swap3A_347 = vector.shape_cast %add3A_341 : vector<128x128xf32> to vector<1x128x128xf32>
    tpu.vector_store %arg9[%swap3A_342, %swap3A_343, %swap3A_344], %swap3A_347 {strides = array<i32>} : memref<8x128x128xf32, #tpu.memory_space<vmem>>, vector<1x128x128xf32>,
    %get3A_348 = arith.constant 5 : index
    %get3A_349 = arith.constant 0 : index
    %get3A_350 = arith.constant 0 : index
    %get3A_351 = vector.load %arg10[%get3A_348, %get3A_349, %get3A_350] : memref<8x128x1xf32, #tpu.memory_space<vmem>>, vector<1x128x1xf32>
    %get3A_352 = vector.shape_cast %get3A_351 : vector<1x128x1xf32> to vector<128x1xf32>
    %dot_general3A_353 = arith.constant dense<0.000000e+00> : vector<128x1xf32>
    %dot_general3A_354 = tpu.matmul %select_n3A, %exp3A_331, %dot_general3A_353 {dimension_numbers = #tpu.dot_dimension_numbers<[1], [0], [0], [1], [0, 0, 1, 1], [], []>, transpose_lhs_hint = false} : vector<128x512xf32>, vector<512x1xf32>, vector<128x1xf32> -> vector<128x1xf32>
    %add3A_355 = arith.addf %get3A_352, %dot_general3A_354 : vector<128x1xf32>
    %swap3A_356 = arith.constant 5 : index
    %swap3A_357 = arith.constant 0 : index
    %swap3A_358 = arith.constant 0 : index
    %swap3A_359 = vector.load %arg10[%swap3A_356, %swap3A_357, %swap3A_358] : memref<8x128x1xf32, #tpu.memory_space<vmem>>, vector<1x128x1xf32>
    %swap3A_360 = vector.shape_cast %swap3A_359 : vector<1x128x1xf32> to vector<128x1xf32>
    %swap3A_361 = vector.shape_cast %add3A_355 : vector<128x1xf32> to vector<1x128x1xf32>
    tpu.vector_store %arg10[%swap3A_356, %swap3A_357, %swap3A_358], %swap3A_361 {strides = array<i32>} : memref<8x128x1xf32, #tpu.memory_space<vmem>>, vector<1x128x1xf32>,
    %get3A_362 = arith.constant 0 : index
    %get3A_363 = arith.constant 6 : index
    %get3A_364 = arith.constant 0 : index
    %get3A_365 = vector.load %arg4[%get3A_362, %get3A_363, %get3A_364] : memref<512x8x128xf32, #tpu.memory_space<vmem>>, vector<512x1x128xf32>
    %get3A_366 = vector.shape_cast %get3A_365 : vector<512x1x128xf32> to vector<512x128xf32>
    %get3A_367 = arith.constant 6 : index
    %get3A_368 = arith.constant 0 : index
    %get3A_369 = arith.constant 0 : index
    %get3A_370 = vector.load %arg5[%get3A_367, %get3A_368, %get3A_369] : memref<8x128x128xf32, #tpu.memory_space<vmem>>, vector<1x128x128xf32>
    %get3A_371 = vector.shape_cast %get3A_370 : vector<1x128x128xf32> to vector<128x128xf32>
    %dot_general3A_372 = arith.constant dense<0.000000e+00> : vector<512x128xf32>
    %dot_general3A_373 = tpu.matmul %select_n3A, %get3A_371, %dot_general3A_372 {dimension_numbers = #tpu.dot_dimension_numbers<[0], [0], [1], [1], [0, 1, 1, 1], [], []>, transpose_lhs_hint = false} : vector<128x512xf32>, vector<128x128xf32>, vector<512x128xf32> -> vector<512x128xf32>
    %add3A_374 = arith.addf %get3A_366, %dot_general3A_373 : vector<512x128xf32>
    %gt3A_375 = arith.constant 0.000000e+00 : f32
    %gt3A_376 = vector.broadcast %gt3A_375 : f32 to vector<512x128xf32>
    %gt3A_377 = arith.cmpf ogt, %add3A_374, %gt3A_376 : vector<512x128xf32>
    %mul3A_378 = arith.constant 2.000000e-01 : f32
    %mul3A_379 = vector.broadcast %mul3A_378 : f32 to vector<512x128xf32>
    %mul3A_380 = arith.mulf %mul3A_379, %add3A_374 : vector<512x128xf32>
    %select_n3A_381 = arith.select %gt3A_377, %add3A_374, %mul3A_380 : vector<512x128xi1>, vector<512x128xf32>
    %get3A_382 = arith.constant 6 : index
    %get3A_383 = arith.constant 0 : index
    %get3A_384 = arith.constant 0 : index
    %get3A_385 = vector.load %arg6[%get3A_382, %get3A_383, %get3A_384] : memref<8x1x128xf32, #tpu.memory_space<vmem>>, vector<1x1x128xf32>
    %get3A_386 = vector.shape_cast %get3A_385 : vector<1x1x128xf32> to vector<1x128xf32>
    %dot_general3A_387 = arith.constant dense<0.000000e+00> : vector<512x1xf32>
    %dot_general3A_388 = tpu.matmul %select_n3A_381, %get3A_386, %dot_general3A_387 {dimension_numbers = #tpu.dot_dimension_numbers<[1], [1], [0], [0], [0, 0, 1, 0], [], []>, transpose_lhs_hint = false} : vector<512x128xf32>, vector<1x128xf32>, vector<512x1xf32> -> vector<512x1xf32>
    %exp3A_389 = math.exp %dot_general3A_388 : vector<512x1xf32>
    %get3A_390 = arith.constant 6 : index
    %get3A_391 = arith.constant 0 : index
    %get3A_392 = arith.constant 0 : index
    %get3A_393 = vector.load %arg9[%get3A_390, %get3A_391, %get3A_392] : memref<8x128x128xf32, #tpu.memory_space<vmem>>, vector<1x128x128xf32>
    %get3A_394 = vector.shape_cast %get3A_393 : vector<1x128x128xf32> to vector<128x128xf32>
    %mul3A_395 = vector.broadcast %exp3A_389 : vector<512x1xf32> to vector<512x128xf32>
    %mul3A_396 = arith.mulf %get3A_366, %mul3A_395 : vector<512x128xf32>
    %dot_general3A_397 = arith.constant dense<0.000000e+00> : vector<128x128xf32>
    %dot_general3A_398 = tpu.matmul %select_n3A, %mul3A_396, %dot_general3A_397 {dimension_numbers = #tpu.dot_dimension_numbers<[1], [0], [0], [1], [0, 0, 1, 1], [], []>, transpose_lhs_hint = false} : vector<128x512xf32>, vector<512x128xf32>, vector<128x128xf32> -> vector<128x128xf32>
    %add3A_399 = arith.addf %get3A_394, %dot_general3A_398 : vector<128x128xf32>
    %swap3A_400 = arith.constant 6 : index
    %swap3A_401 = arith.constant 0 : index
    %swap3A_402 = arith.constant 0 : index
    %swap3A_403 = vector.load %arg9[%swap3A_400, %swap3A_401, %swap3A_402] : memref<8x128x128xf32, #tpu.memory_space<vmem>>, vector<1x128x128xf32>
    %swap3A_404 = vector.shape_cast %swap3A_403 : vector<1x128x128xf32> to vector<128x128xf32>
    %swap3A_405 = vector.shape_cast %add3A_399 : vector<128x128xf32> to vector<1x128x128xf32>
    tpu.vector_store %arg9[%swap3A_400, %swap3A_401, %swap3A_402], %swap3A_405 {strides = array<i32>} : memref<8x128x128xf32, #tpu.memory_space<vmem>>, vector<1x128x128xf32>,
    %get3A_406 = arith.constant 6 : index
    %get3A_407 = arith.constant 0 : index
    %get3A_408 = arith.constant 0 : index
    %get3A_409 = vector.load %arg10[%get3A_406, %get3A_407, %get3A_408] : memref<8x128x1xf32, #tpu.memory_space<vmem>>, vector<1x128x1xf32>
    %get3A_410 = vector.shape_cast %get3A_409 : vector<1x128x1xf32> to vector<128x1xf32>
    %dot_general3A_411 = arith.constant dense<0.000000e+00> : vector<128x1xf32>
    %dot_general3A_412 = tpu.matmul %select_n3A, %exp3A_389, %dot_general3A_411 {dimension_numbers = #tpu.dot_dimension_numbers<[1], [0], [0], [1], [0, 0, 1, 1], [], []>, transpose_lhs_hint = false} : vector<128x512xf32>, vector<512x1xf32>, vector<128x1xf32> -> vector<128x1xf32>
    %add3A_413 = arith.addf %get3A_410, %dot_general3A_412 : vector<128x1xf32>
    %swap3A_414 = arith.constant 6 : index
    %swap3A_415 = arith.constant 0 : index
    %swap3A_416 = arith.constant 0 : index
    %swap3A_417 = vector.load %arg10[%swap3A_414, %swap3A_415, %swap3A_416] : memref<8x128x1xf32, #tpu.memory_space<vmem>>, vector<1x128x1xf32>
    %swap3A_418 = vector.shape_cast %swap3A_417 : vector<1x128x1xf32> to vector<128x1xf32>
    %swap3A_419 = vector.shape_cast %add3A_413 : vector<128x1xf32> to vector<1x128x1xf32>
    tpu.vector_store %arg10[%swap3A_414, %swap3A_415, %swap3A_416], %swap3A_419 {strides = array<i32>} : memref<8x128x1xf32, #tpu.memory_space<vmem>>, vector<1x128x1xf32>,
    %get3A_420 = arith.constant 0 : index
    %get3A_421 = arith.constant 7 : index
    %get3A_422 = arith.constant 0 : index
    %get3A_423 = vector.load %arg4[%get3A_420, %get3A_421, %get3A_422] : memref<512x8x128xf32, #tpu.memory_space<vmem>>, vector<512x1x128xf32>
    %get3A_424 = vector.shape_cast %get3A_423 : vector<512x1x128xf32> to vector<512x128xf32>
    %get3A_425 = arith.constant 7 : index
    %get3A_426 = arith.constant 0 : index
    %get3A_427 = arith.constant 0 : index
    %get3A_428 = vector.load %arg5[%get3A_425, %get3A_426, %get3A_427] : memref<8x128x128xf32, #tpu.memory_space<vmem>>, vector<1x128x128xf32>
    %get3A_429 = vector.shape_cast %get3A_428 : vector<1x128x128xf32> to vector<128x128xf32>
    %dot_general3A_430 = arith.constant dense<0.000000e+00> : vector<512x128xf32>
    %dot_general3A_431 = tpu.matmul %select_n3A, %get3A_429, %dot_general3A_430 {dimension_numbers = #tpu.dot_dimension_numbers<[0], [0], [1], [1], [0, 1, 1, 1], [], []>, transpose_lhs_hint = false} : vector<128x512xf32>, vector<128x128xf32>, vector<512x128xf32> -> vector<512x128xf32>
    %add3A_432 = arith.addf %get3A_424, %dot_general3A_431 : vector<512x128xf32>
    %gt3A_433 = arith.constant 0.000000e+00 : f32
    %gt3A_434 = vector.broadcast %gt3A_433 : f32 to vector<512x128xf32>
    %gt3A_435 = arith.cmpf ogt, %add3A_432, %gt3A_434 : vector<512x128xf32>
    %mul3A_436 = arith.constant 2.000000e-01 : f32
    %mul3A_437 = vector.broadcast %mul3A_436 : f32 to vector<512x128xf32>
    %mul3A_438 = arith.mulf %mul3A_437, %add3A_432 : vector<512x128xf32>
    %select_n3A_439 = arith.select %gt3A_435, %add3A_432, %mul3A_438 : vector<512x128xi1>, vector<512x128xf32>
    %get3A_440 = arith.constant 7 : index
    %get3A_441 = arith.constant 0 : index
    %get3A_442 = arith.constant 0 : index
    %get3A_443 = vector.load %arg6[%get3A_440, %get3A_441, %get3A_442] : memref<8x1x128xf32, #tpu.memory_space<vmem>>, vector<1x1x128xf32>
    %get3A_444 = vector.shape_cast %get3A_443 : vector<1x1x128xf32> to vector<1x128xf32>
    %dot_general3A_445 = arith.constant dense<0.000000e+00> : vector<512x1xf32>
    %dot_general3A_446 = tpu.matmul %select_n3A_439, %get3A_444, %dot_general3A_445 {dimension_numbers = #tpu.dot_dimension_numbers<[1], [1], [0], [0], [0, 0, 1, 0], [], []>, transpose_lhs_hint = false} : vector<512x128xf32>, vector<1x128xf32>, vector<512x1xf32> -> vector<512x1xf32>
    %exp3A_447 = math.exp %dot_general3A_446 : vector<512x1xf32>
    %get3A_448 = arith.constant 7 : index
    %get3A_449 = arith.constant 0 : index
    %get3A_450 = arith.constant 0 : index
    %get3A_451 = vector.load %arg9[%get3A_448, %get3A_449, %get3A_450] : memref<8x128x128xf32, #tpu.memory_space<vmem>>, vector<1x128x128xf32>
    %get3A_452 = vector.shape_cast %get3A_451 : vector<1x128x128xf32> to vector<128x128xf32>
    %mul3A_453 = vector.broadcast %exp3A_447 : vector<512x1xf32> to vector<512x128xf32>
    %mul3A_454 = arith.mulf %get3A_424, %mul3A_453 : vector<512x128xf32>
    %dot_general3A_455 = arith.constant dense<0.000000e+00> : vector<128x128xf32>
    %dot_general3A_456 = tpu.matmul %select_n3A, %mul3A_454, %dot_general3A_455 {dimension_numbers = #tpu.dot_dimension_numbers<[1], [0], [0], [1], [0, 0, 1, 1], [], []>, transpose_lhs_hint = false} : vector<128x512xf32>, vector<512x128xf32>, vector<128x128xf32> -> vector<128x128xf32>
    %add3A_457 = arith.addf %get3A_452, %dot_general3A_456 : vector<128x128xf32>
    %swap3A_458 = arith.constant 7 : index
    %swap3A_459 = arith.constant 0 : index
    %swap3A_460 = arith.constant 0 : index
    %swap3A_461 = vector.load %arg9[%swap3A_458, %swap3A_459, %swap3A_460] : memref<8x128x128xf32, #tpu.memory_space<vmem>>, vector<1x128x128xf32>
    %swap3A_462 = vector.shape_cast %swap3A_461 : vector<1x128x128xf32> to vector<128x128xf32>
    %swap3A_463 = vector.shape_cast %add3A_457 : vector<128x128xf32> to vector<1x128x128xf32>
    tpu.vector_store %arg9[%swap3A_458, %swap3A_459, %swap3A_460], %swap3A_463 {strides = array<i32>} : memref<8x128x128xf32, #tpu.memory_space<vmem>>, vector<1x128x128xf32>,
    %get3A_464 = arith.constant 7 : index
    %get3A_465 = arith.constant 0 : index
    %get3A_466 = arith.constant 0 : index
    %get3A_467 = vector.load %arg10[%get3A_464, %get3A_465, %get3A_466] : memref<8x128x1xf32, #tpu.memory_space<vmem>>, vector<1x128x1xf32>
    %get3A_468 = vector.shape_cast %get3A_467 : vector<1x128x1xf32> to vector<128x1xf32>
    %dot_general3A_469 = arith.constant dense<0.000000e+00> : vector<128x1xf32>
    %dot_general3A_470 = tpu.matmul %select_n3A, %exp3A_447, %dot_general3A_469 {dimension_numbers = #tpu.dot_dimension_numbers<[1], [0], [0], [1], [0, 0, 1, 1], [], []>, transpose_lhs_hint = false} : vector<128x512xf32>, vector<512x1xf32>, vector<128x1xf32> -> vector<128x1xf32>
    %add3A_471 = arith.addf %get3A_468, %dot_general3A_470 : vector<128x1xf32>
    %swap3A_472 = arith.constant 7 : index
    %swap3A_473 = arith.constant 0 : index
    %swap3A_474 = arith.constant 0 : index
    %swap3A_475 = vector.load %arg10[%swap3A_472, %swap3A_473, %swap3A_474] : memref<8x128x1xf32, #tpu.memory_space<vmem>>, vector<1x128x1xf32>
    %swap3A_476 = vector.shape_cast %swap3A_475 : vector<1x128x1xf32> to vector<128x1xf32>
    %swap3A_477 = vector.shape_cast %add3A_471 : vector<128x1xf32> to vector<1x128x1xf32>
    tpu.vector_store %arg10[%swap3A_472, %swap3A_473, %swap3A_474], %swap3A_477 {strides = array<i32>} : memref<8x128x1xf32, #tpu.memory_space<vmem>>, vector<1x128x1xf32>,
    %eq3A_478 = arith.constant 10 : i32
    %eq3A_479 = arith.cmpi eq, %arg1, %eq3A_478 : i32
    %convert_element_type3A_480 = arith.extui %eq3A_479 : i1 to i32
    %cond3A_481 = arith.constant 0 : i32
    %cond3A_482 = arith.cmpi ne, %convert_element_type3A_480, %cond3A_481 : i32
    scf.if %cond3A_482 {
      %get3A_483 = arith.constant 0 : index
      %get3A_484 = arith.constant 0 : index
      %get3A_485 = arith.constant 0 : index
      %get3A_486 = vector.load %arg9[%get3A_483, %get3A_484, %get3A_485] : memref<8x128x128xf32, #tpu.memory_space<vmem>>, vector<8x128x128xf32>
      %get3A_487 = arith.constant 0 : index
      %get3A_488 = arith.constant 0 : index
      %get3A_489 = arith.constant 0 : index
      %get3A_490 = vector.load %arg10[%get3A_487, %get3A_488, %get3A_489] : memref<8x128x1xf32, #tpu.memory_space<vmem>>, vector<8x128x1xf32>
      %add3A_491 = arith.constant 1.000000e-16 : f32
      %add3A_492 = vector.broadcast %add3A_491 : f32 to vector<8x128x1xf32>
      %add3A_493 = arith.addf %get3A_490, %add3A_492 : vector<8x128x1xf32>
      %div3A = vector.broadcast %add3A_493 : vector<8x128x1xf32> to vector<8x128x128xf32>
      %div3A_494 = arith.divf %get3A_486, %div3A : vector<8x128x128xf32>
      %get3A_495 = arith.constant 0 : index
      %get3A_496 = arith.constant 0 : index
      %get3A_497 = arith.constant 0 : index
      %get3A_498 = vector.load %arg7[%get3A_495, %get3A_496, %get3A_497] : memref<8x1x128xf32, #tpu.memory_space<vmem>>, vector<8x1x128xf32>
      %add3A_499 = vector.broadcast %get3A_498 : vector<8x1x128xf32> to vector<8x128x128xf32>
      %add3A_500 = arith.addf %div3A_494, %add3A_499 : vector<8x128x128xf32>
      %max3A = arith.constant 0.000000e+00 : f32
      %max3A_501 = vector.broadcast %max3A : f32 to vector<8x128x128xf32>
      %max3A_502 = arith.maximumf %add3A_500, %max3A_501 : vector<8x128x128xf32>
      %swap3A_503 = arith.constant 0 : index
      %swap3A_504 = arith.constant 0 : index
      %swap3A_505 = arith.constant 0 : index
      %swap3A_506 = vector.load %arg8[%swap3A_503, %swap3A_504, %swap3A_505] : memref<8x128x128xf32, #tpu.memory_space<vmem>>, vector<8x128x128xf32>
      tpu.vector_store %arg8[%swap3A_503, %swap3A_504, %swap3A_505], %max3A_502 {strides = array<i32>} : memref<8x128x128xf32, #tpu.memory_space<vmem>>, vector<8x128x128xf32>,
    } else {
    }
    return
  }
  func.func @transform_0(%arg0: i32, %arg1: i32) -> (i32, i32, i32) {
    %c0_i32 = arith.constant 0 : i32
    %c0_i32_0 = arith.constant 0 : i32
    %c0_i32_1 = arith.constant 0 : i32
    return %arg0, %c0_i32, %c0_i32_0 : i32, i32, i32
  }
  func.func @transform_1(%arg0: i32, %arg1: i32) -> (i32, i32, i32) {
    %c0_i32 = arith.constant 0 : i32
    %c0_i32_0 = arith.constant 0 : i32
    return %arg0, %c0_i32, %arg1 : i32, i32, i32
  }
  func.func @transform_2(%arg0: i32, %arg1: i32) -> (i32, i32, i32) {
    %mul3A = arith.constant 11 : i32
    %mul3A_0 = arith.muli %arg0, %mul3A : i32
    %add3A = arith.addi %mul3A_0, %arg1 : i32
    %c0_i32 = arith.constant 0 : i32
    %c0_i32_1 = arith.constant 0 : i32
    %c0_i32_2 = arith.constant 0 : i32
    return %add3A, %c0_i32, %c0_i32_1 : i32, i32, i32
  }
  func.func @transform_3(%arg0: i32, %arg1: i32) -> (i32, i32, i32) {
    %c0_i32 = arith.constant 0 : i32
    %c0_i32_0 = arith.constant 0 : i32
    %c0_i32_1 = arith.constant 0 : i32
    return %c0_i32, %arg0, %c0_i32_0 : i32, i32, i32
  }
  func.func @transform_4(%arg0: i32, %arg1: i32) -> (i32, i32, i32) {
    %c0_i32 = arith.constant 0 : i32
    %c0_i32_0 = arith.constant 0 : i32
    %c0_i32_1 = arith.constant 0 : i32
    %c0_i32_2 = arith.constant 0 : i32
    return %c0_i32, %c0_i32_0, %c0_i32_1 : i32, i32, i32
  }
  func.func @transform_5(%arg0: i32, %arg1: i32) -> (i32, i32, i32) {
    %c0_i32 = arith.constant 0 : i32
    %c0_i32_0 = arith.constant 0 : i32
    %c0_i32_1 = arith.constant 0 : i32
    %c0_i32_2 = arith.constant 0 : i32
    return %c0_i32, %c0_i32_0, %c0_i32_1 : i32, i32, i32
  }
  func.func @transform_6(%arg0: i32, %arg1: i32) -> (i32, i32, i32) {
    %c0_i32 = arith.constant 0 : i32
    %c0_i32_0 = arith.constant 0 : i32
    %c0_i32_1 = arith.constant 0 : i32
    return %c0_i32, %arg0, %c0_i32_0 : i32, i32, i32
  }
}

module attributes {stable_mosaic.version = 14 : i64} {
  func.func @body(%arg0: i32, %arg1: i32, %arg2: memref<1x128x128xf32, #tpu.memory_space<vmem>>, %arg3: memref<1x128x64xf32, #tpu.memory_space<vmem>>, %arg4: memref<128x64xf32, #tpu.memory_space<vmem>>) attributes {dimension_semantics = [#tpu.dimension_semantics<arbitrary>, #tpu.dimension_semantics<arbitrary>], iteration_bounds = array<i64: 79, 8>, scalar_prefetch = 0 : i64, scratch_operands = 0 : i64, tpu.core_type = #tpu.core_type<tc>, window_params = [{transform_indices = @transform_0, window_bounds = array<i64: 1, 128, 128>}, {transform_indices = @transform_1, window_bounds = array<i64: 1, 128, 64>}, {transform_indices = @transform_2, window_bounds = array<i64: 128, 64>}]} {
    %eq3A = arith.constant 0 : i32
    %eq3A_0 = arith.cmpi eq, %arg1, %eq3A : i32
    %convert_element_type3A = arith.extui %eq3A_0 : i1 to i32
    %cond3A = arith.constant 0 : i32
    %cond3A_1 = arith.cmpi ne, %convert_element_type3A, %cond3A : i32
    scf.if %cond3A_1 {
      %broadcast_in_dim3A = arith.constant 0.000000e+00 : f32
      %broadcast_in_dim3A_17 = vector.broadcast %broadcast_in_dim3A : f32 to vector<128x64xf32>
      %swap3A_18 = arith.constant 0 : index
      %swap3A_19 = arith.constant 0 : index
      %swap3A_20 = vector.load %arg4[%swap3A_18, %swap3A_19] : memref<128x64xf32, #tpu.memory_space<vmem>>, vector<128x64xf32>
      tpu.vector_store %arg4[%swap3A_18, %swap3A_19], %broadcast_in_dim3A_17 {strides = array<i32>} : memref<128x64xf32, #tpu.memory_space<vmem>>, vector<128x64xf32>,
    } else {
    }
    %get3A = arith.constant 0 : index
    %get3A_2 = arith.constant 0 : index
    %get3A_3 = vector.load %arg4[%get3A, %get3A_2] : memref<128x64xf32, #tpu.memory_space<vmem>>, vector<128x64xf32>
    %get3A_4 = arith.constant 0 : index
    %get3A_5 = arith.constant 0 : index
    %get3A_6 = arith.constant 0 : index
    %get3A_7 = vector.load %arg2[%get3A_4, %get3A_5, %get3A_6] : memref<1x128x128xf32, #tpu.memory_space<vmem>>, vector<1x128x128xf32>
    %get3A_8 = vector.shape_cast %get3A_7 : vector<1x128x128xf32> to vector<128x128xf32>
    %get3A_9 = arith.constant 0 : index
    %get3A_10 = arith.constant 0 : index
    %get3A_11 = arith.constant 0 : index
    %get3A_12 = vector.load %arg3[%get3A_9, %get3A_10, %get3A_11] : memref<1x128x64xf32, #tpu.memory_space<vmem>>, vector<1x128x64xf32>
    %get3A_13 = vector.shape_cast %get3A_12 : vector<1x128x64xf32> to vector<128x64xf32>
    %dot_general3A = arith.constant dense<0.000000e+00> : vector<128x64xf32>
    %dot_general3A_14 = tpu.matmul %get3A_8, %get3A_13, %dot_general3A {dimension_numbers = #tpu.dot_dimension_numbers<[1], [0], [0], [1], [0, 0, 1, 1], [], []>, transpose_lhs_hint = false} : vector<128x128xf32>, vector<128x64xf32>, vector<128x64xf32> -> vector<128x64xf32>
    %add3A = arith.addf %get3A_3, %dot_general3A_14 : vector<128x64xf32>
    %swap3A = arith.constant 0 : index
    %swap3A_15 = arith.constant 0 : index
    %swap3A_16 = vector.load %arg4[%swap3A, %swap3A_15] : memref<128x64xf32, #tpu.memory_space<vmem>>, vector<128x64xf32>
    tpu.vector_store %arg4[%swap3A, %swap3A_15], %add3A {strides = array<i32>} : memref<128x64xf32, #tpu.memory_space<vmem>>, vector<128x64xf32>,
    return
  }
  func.func @transform_0(%arg0: i32, %arg1: i32) -> (i32, i32, i32) {
    %c0_i32 = arith.constant 0 : i32
    %c0_i32_0 = arith.constant 0 : i32
    return %arg1, %arg0, %c0_i32 : i32, i32, i32
  }
  func.func @transform_1(%arg0: i32, %arg1: i32) -> (i32, i32, i32) {
    %c0_i32 = arith.constant 0 : i32
    %c0_i32_0 = arith.constant 0 : i32
    %c0_i32_1 = arith.constant 0 : i32
    return %arg1, %c0_i32, %c0_i32_0 : i32, i32, i32
  }
  func.func @transform_2(%arg0: i32, %arg1: i32) -> (i32, i32) {
    %c0_i32 = arith.constant 0 : i32
    %c0_i32_0 = arith.constant 0 : i32
    return %arg0, %c0_i32 : i32, i32
  }
}

module attributes {stable_mosaic.version = 14 : i64} {
  func.func @body(%arg0: i32, %arg1: i32, %arg2: memref<1x1x1xi32, #tpu.memory_space<smem>>, %arg3: memref<1x1x512xi32, #tpu.memory_space<vmem>>, %arg4: memref<512x1x128xf32, #tpu.memory_space<vmem>>, %arg5: memref<1x128x128xf32, #tpu.memory_space<vmem>>, %arg6: memref<1x1x128xf32, #tpu.memory_space<vmem>>, %arg7: memref<1x1x128xf32, #tpu.memory_space<vmem>>, %arg8: memref<1x128x128xf32, #tpu.memory_space<vmem>>, %arg9: memref<1x128x128xf32, #tpu.memory_space<vmem>>, %arg10: memref<1x128x1xf32, #tpu.memory_space<vmem>>) attributes {dimension_semantics = [#tpu.dimension_semantics<arbitrary>, #tpu.dimension_semantics<arbitrary>], iteration_bounds = array<i64: 79, 11>, scalar_prefetch = 0 : i64, scratch_operands = 2 : i64, tpu.core_type = #tpu.core_type<tc>, window_params = [{transform_indices = @transform_0, window_bounds = array<i64: 1, 1, 1>}, {transform_indices = @transform_1, window_bounds = array<i64: 1, 1, 512>}, {transform_indices = @transform_2, window_bounds = array<i64: 512, 1, 128>}, {transform_indices = @transform_3, window_bounds = array<i64: 1, 128, 128>}, {pipeline_mode = #tpu.pipeline_mode<synchronous>, transform_indices = @transform_4, window_bounds = array<i64: 1, 1, 128>}, {pipeline_mode = #tpu.pipeline_mode<synchronous>, transform_indices = @transform_5, window_bounds = array<i64: 1, 1, 128>}, {transform_indices = @transform_6, window_bounds = array<i64: 1, 128, 128>}]} {
    %eq3A = arith.constant 0 : i32
    %eq3A_0 = arith.cmpi eq, %arg1, %eq3A : i32
    %convert_element_type3A = arith.extui %eq3A_0 : i1 to i32
    %cond3A = arith.constant 0 : i32
    %cond3A_1 = arith.cmpi ne, %convert_element_type3A, %cond3A : i32
    scf.if %cond3A_1 {
      %broadcast_in_dim3A_77 = arith.constant 0.000000e+00 : f32
      %broadcast_in_dim3A_78 = vector.broadcast %broadcast_in_dim3A_77 : f32 to vector<1x128x128xf32>
      %swap3A_79 = arith.constant 0 : index
      %swap3A_80 = arith.constant 0 : index
      %swap3A_81 = arith.constant 0 : index
      %swap3A_82 = vector.load %arg9[%swap3A_79, %swap3A_80, %swap3A_81] : memref<1x128x128xf32, #tpu.memory_space<vmem>>, vector<1x128x128xf32>
      tpu.vector_store %arg9[%swap3A_79, %swap3A_80, %swap3A_81], %broadcast_in_dim3A_78 {strides = array<i32>} : memref<1x128x128xf32, #tpu.memory_space<vmem>>, vector<1x128x128xf32>,
      %broadcast_in_dim3A_83 = arith.constant 0.000000e+00 : f32
      %broadcast_in_dim3A_84 = vector.broadcast %broadcast_in_dim3A_83 : f32 to vector<1x128x1xf32>
      %swap3A_85 = arith.constant 0 : index
      %swap3A_86 = arith.constant 0 : index
      %swap3A_87 = arith.constant 0 : index
      %swap3A_88 = vector.load %arg10[%swap3A_85, %swap3A_86, %swap3A_87] : memref<1x128x1xf32, #tpu.memory_space<vmem>>, vector<1x128x1xf32>
      tpu.vector_store %arg10[%swap3A_85, %swap3A_86, %swap3A_87], %broadcast_in_dim3A_84 {strides = array<i32>} : memref<1x128x1xf32, #tpu.memory_space<vmem>>, vector<1x128x1xf32>,
    } else {
    }
    %get3A = arith.constant 0 : index
    %get3A_2 = arith.constant 0 : index
    %get3A_3 = arith.constant 0 : index
    %get3A_4 = memref.load %arg2[%get3A, %get3A_2, %get3A_3] : memref<1x1x1xi32, #tpu.memory_space<smem>>
    %get3A_5 = arith.constant 0 : index
    %get3A_6 = arith.constant 0 : index
    %get3A_7 = arith.constant 0 : index
    %get3A_8 = vector.load %arg3[%get3A_5, %get3A_6, %get3A_7] : memref<1x1x512xi32, #tpu.memory_space<vmem>>, vector<1x1x512xi32>
    %get3A_9 = vector.shape_cast %get3A_8 : vector<1x1x512xi32> to vector<1x512xi32>
    %iota3A = tpu.iota {dimensions = array<i32: 0>} : vector<128x512xi32>
    %iota3A_10 = tpu.iota {dimensions = array<i32: 1>} : vector<128x512xi32>
    %eq3A_11 = vector.broadcast %get3A_9 : vector<1x512xi32> to vector<128x512xi32>
    %eq3A_12 = arith.cmpi eq, %iota3A, %eq3A_11 : vector<128x512xi32>
    %mul3A = arith.constant 512 : i32
    %mul3A_13 = arith.muli %arg1, %mul3A : i32
    %add3A = vector.broadcast %mul3A_13 : i32 to vector<128x512xi32>
    %add3A_14 = arith.addi %iota3A_10, %add3A : vector<128x512xi32>
    %lt3A = vector.broadcast %get3A_4 : i32 to vector<128x512xi32>
    %lt3A_15 = arith.cmpi slt, %add3A_14, %lt3A : vector<128x512xi32>
    %and3A = arith.andi %eq3A_12, %lt3A_15 : vector<128x512xi1>
    %jit3A = arith.constant 1.000000e+00 : f32
    %jit3A_16 = arith.constant 0.000000e+00 : f32
    %broadcast_in_dim3A = vector.broadcast %jit3A : f32 to vector<128x512xf32>
    %broadcast_in_dim3A_17 = vector.broadcast %jit3A_16 : f32 to vector<128x512xf32>
    %select_n3A = arith.select %and3A, %broadcast_in_dim3A, %broadcast_in_dim3A_17 : vector<128x512xi1>, vector<128x512xf32>
    %get3A_18 = arith.constant 0 : index
    %get3A_19 = arith.constant 0 : index
    %get3A_20 = arith.constant 0 : index
    %get3A_21 = vector.load %arg4[%get3A_18, %get3A_19, %get3A_20] : memref<512x1x128xf32, #tpu.memory_space<vmem>>, vector<512x1x128xf32>
    %get3A_22 = vector.shape_cast %get3A_21 : vector<512x1x128xf32> to vector<512x128xf32>
    %get3A_23 = arith.constant 0 : index
    %get3A_24 = arith.constant 0 : index
    %get3A_25 = arith.constant 0 : index
    %get3A_26 = vector.load %arg5[%get3A_23, %get3A_24, %get3A_25] : memref<1x128x128xf32, #tpu.memory_space<vmem>>, vector<1x128x128xf32>
    %get3A_27 = vector.shape_cast %get3A_26 : vector<1x128x128xf32> to vector<128x128xf32>
    %dot_general3A = arith.constant dense<0.000000e+00> : vector<512x128xf32>
    %dot_general3A_28 = tpu.matmul %select_n3A, %get3A_27, %dot_general3A {dimension_numbers = #tpu.dot_dimension_numbers<[0], [0], [1], [1], [0, 1, 1, 1], [], []>, transpose_lhs_hint = false} : vector<128x512xf32>, vector<128x128xf32>, vector<512x128xf32> -> vector<512x128xf32>
    %add3A_29 = arith.addf %get3A_22, %dot_general3A_28 : vector<512x128xf32>
    %gt3A = arith.constant 0.000000e+00 : f32
    %gt3A_30 = vector.broadcast %gt3A : f32 to vector<512x128xf32>
    %gt3A_31 = arith.cmpf ogt, %add3A_29, %gt3A_30 : vector<512x128xf32>
    %mul3A_32 = arith.constant 2.000000e-01 : f32
    %mul3A_33 = vector.broadcast %mul3A_32 : f32 to vector<512x128xf32>
    %mul3A_34 = arith.mulf %mul3A_33, %add3A_29 : vector<512x128xf32>
    %select_n3A_35 = arith.select %gt3A_31, %add3A_29, %mul3A_34 : vector<512x128xi1>, vector<512x128xf32>
    %get3A_36 = arith.constant 0 : index
    %get3A_37 = arith.constant 0 : index
    %get3A_38 = arith.constant 0 : index
    %get3A_39 = vector.load %arg6[%get3A_36, %get3A_37, %get3A_38] : memref<1x1x128xf32, #tpu.memory_space<vmem>>, vector<1x1x128xf32>
    %get3A_40 = vector.shape_cast %get3A_39 : vector<1x1x128xf32> to vector<1x128xf32>
    %dot_general3A_41 = arith.constant dense<0.000000e+00> : vector<512x1xf32>
    %dot_general3A_42 = tpu.matmul %select_n3A_35, %get3A_40, %dot_general3A_41 {dimension_numbers = #tpu.dot_dimension_numbers<[1], [1], [0], [0], [0, 0, 1, 0], [], []>, transpose_lhs_hint = false} : vector<512x128xf32>, vector<1x128xf32>, vector<512x1xf32> -> vector<512x1xf32>
    %exp3A = math.exp %dot_general3A_42 : vector<512x1xf32>
    %get3A_43 = arith.constant 0 : index
    %get3A_44 = arith.constant 0 : index
    %get3A_45 = arith.constant 0 : index
    %get3A_46 = vector.load %arg9[%get3A_43, %get3A_44, %get3A_45] : memref<1x128x128xf32, #tpu.memory_space<vmem>>, vector<1x128x128xf32>
    %get3A_47 = vector.shape_cast %get3A_46 : vector<1x128x128xf32> to vector<128x128xf32>
    %mul3A_48 = vector.broadcast %exp3A : vector<512x1xf32> to vector<512x128xf32>
    %mul3A_49 = arith.mulf %get3A_22, %mul3A_48 : vector<512x128xf32>
    %dot_general3A_50 = arith.constant dense<0.000000e+00> : vector<128x128xf32>
    %dot_general3A_51 = tpu.matmul %select_n3A, %mul3A_49, %dot_general3A_50 {dimension_numbers = #tpu.dot_dimension_numbers<[1], [0], [0], [1], [0, 0, 1, 1], [], []>, transpose_lhs_hint = false} : vector<128x512xf32>, vector<512x128xf32>, vector<128x128xf32> -> vector<128x128xf32>
    %add3A_52 = arith.addf %get3A_47, %dot_general3A_51 : vector<128x128xf32>
    %swap3A = arith.constant 0 : index
    %swap3A_53 = arith.constant 0 : index
    %swap3A_54 = arith.constant 0 : index
    %swap3A_55 = vector.load %arg9[%swap3A, %swap3A_53, %swap3A_54] : memref<1x128x128xf32, #tpu.memory_space<vmem>>, vector<1x128x128xf32>
    %swap3A_56 = vector.shape_cast %swap3A_55 : vector<1x128x128xf32> to vector<128x128xf32>
    %swap3A_57 = vector.shape_cast %add3A_52 : vector<128x128xf32> to vector<1x128x128xf32>
    tpu.vector_store %arg9[%swap3A, %swap3A_53, %swap3A_54], %swap3A_57 {strides = array<i32>} : memref<1x128x128xf32, #tpu.memory_space<vmem>>, vector<1x128x128xf32>,
    %get3A_58 = arith.constant 0 : index
    %get3A_59 = arith.constant 0 : index
    %get3A_60 = arith.constant 0 : index
    %get3A_61 = vector.load %arg10[%get3A_58, %get3A_59, %get3A_60] : memref<1x128x1xf32, #tpu.memory_space<vmem>>, vector<1x128x1xf32>
    %get3A_62 = vector.shape_cast %get3A_61 : vector<1x128x1xf32> to vector<128x1xf32>
    %dot_general3A_63 = arith.constant dense<0.000000e+00> : vector<128x1xf32>
    %dot_general3A_64 = tpu.matmul %select_n3A, %exp3A, %dot_general3A_63 {dimension_numbers = #tpu.dot_dimension_numbers<[1], [0], [0], [1], [0, 0, 1, 1], [], []>, transpose_lhs_hint = false} : vector<128x512xf32>, vector<512x1xf32>, vector<128x1xf32> -> vector<128x1xf32>
    %add3A_65 = arith.addf %get3A_62, %dot_general3A_64 : vector<128x1xf32>
    %swap3A_66 = arith.constant 0 : index
    %swap3A_67 = arith.constant 0 : index
    %swap3A_68 = arith.constant 0 : index
    %swap3A_69 = vector.load %arg10[%swap3A_66, %swap3A_67, %swap3A_68] : memref<1x128x1xf32, #tpu.memory_space<vmem>>, vector<1x128x1xf32>
    %swap3A_70 = vector.shape_cast %swap3A_69 : vector<1x128x1xf32> to vector<128x1xf32>
    %swap3A_71 = vector.shape_cast %add3A_65 : vector<128x1xf32> to vector<1x128x1xf32>
    tpu.vector_store %arg10[%swap3A_66, %swap3A_67, %swap3A_68], %swap3A_71 {strides = array<i32>} : memref<1x128x1xf32, #tpu.memory_space<vmem>>, vector<1x128x1xf32>,
    %eq3A_72 = arith.constant 10 : i32
    %eq3A_73 = arith.cmpi eq, %arg1, %eq3A_72 : i32
    %convert_element_type3A_74 = arith.extui %eq3A_73 : i1 to i32
    %cond3A_75 = arith.constant 0 : i32
    %cond3A_76 = arith.cmpi ne, %convert_element_type3A_74, %cond3A_75 : i32
    scf.if %cond3A_76 {
      %get3A_77 = arith.constant 0 : index
      %get3A_78 = arith.constant 0 : index
      %get3A_79 = arith.constant 0 : index
      %get3A_80 = vector.load %arg9[%get3A_77, %get3A_78, %get3A_79] : memref<1x128x128xf32, #tpu.memory_space<vmem>>, vector<1x128x128xf32>
      %get3A_81 = arith.constant 0 : index
      %get3A_82 = arith.constant 0 : index
      %get3A_83 = arith.constant 0 : index
      %get3A_84 = vector.load %arg10[%get3A_81, %get3A_82, %get3A_83] : memref<1x128x1xf32, #tpu.memory_space<vmem>>, vector<1x128x1xf32>
      %add3A_85 = arith.constant 1.000000e-16 : f32
      %add3A_86 = vector.broadcast %add3A_85 : f32 to vector<1x128x1xf32>
      %add3A_87 = arith.addf %get3A_84, %add3A_86 : vector<1x128x1xf32>
      %div3A = vector.broadcast %add3A_87 : vector<1x128x1xf32> to vector<1x128x128xf32>
      %div3A_88 = arith.divf %get3A_80, %div3A : vector<1x128x128xf32>
      %get3A_89 = arith.constant 0 : index
      %get3A_90 = arith.constant 0 : index
      %get3A_91 = arith.constant 0 : index
      %get3A_92 = vector.load %arg7[%get3A_89, %get3A_90, %get3A_91] : memref<1x1x128xf32, #tpu.memory_space<vmem>>, vector<1x1x128xf32>
      %add3A_93 = vector.broadcast %get3A_92 : vector<1x1x128xf32> to vector<1x128x128xf32>
      %add3A_94 = arith.addf %div3A_88, %add3A_93 : vector<1x128x128xf32>
      %swap3A_95 = arith.constant 0 : index
      %swap3A_96 = arith.constant 0 : index
      %swap3A_97 = arith.constant 0 : index
      %swap3A_98 = vector.load %arg8[%swap3A_95, %swap3A_96, %swap3A_97] : memref<1x128x128xf32, #tpu.memory_space<vmem>>, vector<1x128x128xf32>
      tpu.vector_store %arg8[%swap3A_95, %swap3A_96, %swap3A_97], %add3A_94 {strides = array<i32>} : memref<1x128x128xf32, #tpu.memory_space<vmem>>, vector<1x128x128xf32>,
    } else {
    }
    return
  }
  func.func @transform_0(%arg0: i32, %arg1: i32) -> (i32, i32, i32) {
    %c0_i32 = arith.constant 0 : i32
    %c0_i32_0 = arith.constant 0 : i32
    %c0_i32_1 = arith.constant 0 : i32
    return %arg0, %c0_i32, %c0_i32_0 : i32, i32, i32
  }
  func.func @transform_1(%arg0: i32, %arg1: i32) -> (i32, i32, i32) {
    %c0_i32 = arith.constant 0 : i32
    %c0_i32_0 = arith.constant 0 : i32
    return %arg0, %c0_i32, %arg1 : i32, i32, i32
  }
  func.func @transform_2(%arg0: i32, %arg1: i32) -> (i32, i32, i32) {
    %mul3A = arith.constant 11 : i32
    %mul3A_0 = arith.muli %arg0, %mul3A : i32
    %add3A = arith.addi %mul3A_0, %arg1 : i32
    %c0_i32 = arith.constant 0 : i32
    %c0_i32_1 = arith.constant 0 : i32
    %c0_i32_2 = arith.constant 0 : i32
    return %add3A, %c0_i32, %c0_i32_1 : i32, i32, i32
  }
  func.func @transform_3(%arg0: i32, %arg1: i32) -> (i32, i32, i32) {
    %c0_i32 = arith.constant 0 : i32
    %c0_i32_0 = arith.constant 0 : i32
    %c0_i32_1 = arith.constant 0 : i32
    return %c0_i32, %arg0, %c0_i32_0 : i32, i32, i32
  }
  func.func @transform_4(%arg0: i32, %arg1: i32) -> (i32, i32, i32) {
    %c0_i32 = arith.constant 0 : i32
    %c0_i32_0 = arith.constant 0 : i32
    %c0_i32_1 = arith.constant 0 : i32
    %c0_i32_2 = arith.constant 0 : i32
    return %c0_i32, %c0_i32_0, %c0_i32_1 : i32, i32, i32
  }
  func.func @transform_5(%arg0: i32, %arg1: i32) -> (i32, i32, i32) {
    %c0_i32 = arith.constant 0 : i32
    %c0_i32_0 = arith.constant 0 : i32
    %c0_i32_1 = arith.constant 0 : i32
    %c0_i32_2 = arith.constant 0 : i32
    return %c0_i32, %c0_i32_0, %c0_i32_1 : i32, i32, i32
  }
  func.func @transform_6(%arg0: i32, %arg1: i32) -> (i32, i32, i32) {
    %c0_i32 = arith.constant 0 : i32
    %c0_i32_0 = arith.constant 0 : i32
    %c0_i32_1 = arith.constant 0 : i32
    return %c0_i32, %arg0, %c0_i32_0 : i32, i32, i32
  }
}

</mosaic_0001>

<sc_bundles>
// kernel: gather_offload_async_start.1
scs
__scs_entry_jumppad:
0x0: {  	(pc) =	sbr.rel $0x88, $3  }
0x1: {  	(tag) =	ssettag $0x0;
	lr =	simm.s32 $0x1  }
0x2: {  	[smem:$0x3F97] =	sst lr;
	_ =	strace $0xD0000000  }
0x3: {  	_ = 	snop  }
0x4: {  	_ = 	snop  }
0x5: {  	_ = 	snop  }
0x6: {  	_ = 	snop  }
0x7: {  	_ = 	snop  }
__scs_overlays_trampoline_lowered:
0x8: {  	[smem:$0x3FA6] =	sst s0  }
0x9: {  	[smem:$0x3FA7] =	sst s1  }
0xa: {  	[smem:$0x3FA8] =	sst s2  }
0xb: {  	[smem:$0x3FA9] =	sst s3  }
0xc: {  	[smem:$0x3FAA] =	sst s4  }
0xd: {  	[smem:$0x3FAB] =	sst s5  }
0xe: {  	[smem:$0x3FAC] =	sst s6  }
0xf: {  	[smem:$0x3FAD] =	sst s7  }
0x10: {  	[smem:$0x3FAE] =	sst s8  }
0x11: {  	[smem:$0x3FAF] =	sst s9;
	s0 =	simm.s32 @!p0 $0x0  }
0x12: {  	s1 =	sld [smem:$0x3F95];
	s0 =	simm.s32 @p0 $0x1  }
0x13: {  	[smem:$0x3FB0] =	sst s0;
	s0 =	simm.s32 @!p1 $0x0  }
0x14: {  	s2 =	sld [smem:$0x3F94];
	s0 =	simm.s32 @p1 $0x1  }
0x15: {  	[smem:$0x3FB1] =	sst s0;
	s0 =	simm.s32 @!p2 $0x0  }
0x16: {  	s3 =	sld [smem:$0x3FDB];
	s0 =	simm.s32 @p2 $0x1  }
0x17: {  	s4 =	simm.s32 $0x1BF5;
	[smem:$0x3FB3] =	sst s0  }
0x18: {  	s0 =	sld [smem:$0x3F96];
	_ =	swait.ge [sflag:s4], $0x0  }
0x19: {  	s7 =	sld [smem:$0x3F97]  }
0x1a: {  	s8 =	sadd.s32 $0xFFFFE003, lr  }
0x1b: {  	s9 =	sadd.s32 $0xFFFFFEF7, lr;
	s5 =	simm.s32 $0xFFFFFFFF;
	p2 =	slt.u32 s8, $0xFFFFF086  }
0x1c: {  	p1 =	slt.u32 s9, $0xF7A;
	s5 =	simm.s32 @!p2 $0x0  }
0x1d: {  	s5 =	simm.s32 @p1 $0x1;
	p0 =	seq.s32 s7, s2  }
0x1e: {  	s7 =	smul.u32 @!p0 $0xF7A, s2;
	p2 =	seq.s32 @!p0 s5, $0x0  }
0x1f: {  	s9 =	smul.u32 $0xF7A, s1;
	s8 =	simm.s32 @!p0 $0x1BF5;
	p2 =	por !p2, p0  }
0x20: {  	[sflag:s8] =	ssyncset.s32 @!p0 $0xFFFFF086;
	s6 =	sadd.s32 @!p0 s3, s7;
	s7 =	simm.s32 @!p0 $0x108  }
0x21: {  	s3 =	sadd.s32 s3, s9;
	s6 =	sadd.s32 @!p0 $0x88, s6;
	s7 =	simm.s32 @p2 $0x1082  }
0x22: {  	[simem:s7], [sflag:s8] =	dma.local @!p0 [hbm:s6], $0xF7A  }
0x23: {  	s9 =	sor.u32 $0xD0000000, s2;
	s6 =	simm.s32 $0x108;
	_ =	swait.ge @!p0 [sflag:s8], $0x0  }
0x24: {  	s3 =	sadd.s32 $0x88, s3;
	s6 =	simm.s32 @!p1 $0x1082;
	[sflag:s4] =	ssyncset.s32 $0xFFFFF086  }
0x25: {  	[simem:s6], [sflag:s4] =	dma.local [hbm:s3], $0xF7A  }
0x26: {  	[smem:$0x3F97] =	sst s1;
	(tag) =	ssettag s2;
	_ =	strace s9  }
0x27: {  	s1 =	sld [smem:$0x3FA7]  }
0x28: {  	s2 =	sld [smem:$0x3FA8]  }
0x29: {  	s4 =	sld [smem:$0x3FAA]  }
0x2a: {  	p0 =	seq.s32 s5, $0x0;
	s5 =	sld [smem:$0x3FAB]  }
0x2b: {  	s6 =	sld [smem:$0x3FAC]  }
0x2c: {  	s7 =	sld [smem:$0x3FAD]  }
0x2d: {  	s3 =	simm.s32 $0x108;
	s8 =	sld [smem:$0x3FAE]  }
0x2e: {  	s3 =	simm.s32 @!p0 $0x1082;
	s9 =	sld [smem:$0x3FAF]  }
0x2f: {  	lr =	sadd.s32 s0, s3;
	s0 =	sld [smem:$0x3FA6]  }
0x30: {  	s3 =	sld [smem:$0x3FA9]  }
0x31: {  	[smem:$0x3FB2] =	sst s10  }
0x32: {  	s10 =	sld [smem:$0x3FB0];
	_ =	sdelay $0x3  }
0x33: {  	p0 =	seq.s32 s10, $0x1;
	s10 =	sld [smem:$0x3FB2];
	_ =	sdelay $0x3  }
0x34: {  	[smem:$0x3FB2] =	sst s10  }
0x35: {  	s10 =	sld [smem:$0x3FB1];
	_ =	sdelay $0x3  }
0x36: {  	p1 =	seq.s32 s10, $0x1;
	s10 =	sld [smem:$0x3FB2];
	_ =	sdelay $0x3  }
0x37: {  	[smem:$0x3FB2] =	sst s10  }
0x38: {  	s10 =	sld [smem:$0x3FB3]  }
0x39: {  	_ = 	snop;
	(pc) =	sbr.ind lr, $3  }
0x3a: {  	_ = 	snop  }
0x3b: {  	_ = 	snop  }
0x3c: {  	p2 =	seq.s32 s10, $0x1;
	s10 =	sld [smem:$0x3FB2]  }
0x3d: {  	_ =	shalt  }
0x3e: {  	_ =	shalt  }
0x3f: {  	_ =	shalt  }
0x40: {  	_ =	shalt  }
0x41: {  	_ =	shalt  }
0x42: {  	_ =	shalt  }
0x43: {  	_ =	shalt  }
0x44: {  	_ =	shalt  }
0x45: {  	_ =	shalt  }
0x46: {  	_ =	shalt  }
0x47: {  	_ =	shalt  }
0x48: {  	_ =	shalt  }
0x49: {  	_ =	shalt  }
0x4a: {  	_ =	shalt  }
0x4b: {  	_ =	shalt  }
0x4c: {  	_ =	shalt  }
0x4d: {  	_ =	shalt  }
0x4e: {  	_ =	shalt  }
0x4f: {  	_ =	shalt  }
0x50: {  	_ =	shalt  }
0x51: {  	_ =	shalt  }
0x52: {  	_ =	shalt  }
0x53: {  	_ =	shalt  }
0x54: {  	_ =	shalt  }
0x55: {  	_ =	shalt  }
0x56: {  	_ =	shalt  }
0x57: {  	_ =	shalt  }
0x58: {  	_ =	shalt  }
0x59: {  	_ =	shalt  }
0x5a: {  	_ =	shalt  }
0x5b: {  	_ =	shalt  }
0x5c: {  	_ =	shalt  }
0x5d: {  	_ =	shalt  }
0x5e: {  	_ =	shalt  }
0x5f: {  	_ =	shalt  }
0x60: {  	_ =	shalt  }
0x61: {  	_ =	shalt  }
0x62: {  	_ =	shalt  }
0x63: {  	_ =	shalt  }
0x64: {  	_ =	shalt  }
0x65: {  	_ =	shalt  }
0x66: {  	_ =	shalt  }
0x67: {  	_ =	shalt  }
0x68: {  	_ =	shalt  }
0x69: {  	_ =	shalt  }
0x6a: {  	_ =	shalt  }
0x6b: {  	_ =	shalt  }
0x6c: {  	_ =	shalt  }
0x6d: {  	_ =	shalt  }
0x6e: {  	_ =	shalt  }
0x6f: {  	_ =	shalt  }
0x70: {  	_ =	shalt  }
0x71: {  	_ =	shalt  }
0x72: {  	_ =	shalt  }
0x73: {  	_ =	shalt  }
0x74: {  	_ =	shalt  }
0x75: {  	_ =	shalt  }
0x76: {  	_ =	shalt  }
0x77: {  	_ =	shalt  }
0x78: {  	_ =	shalt  }
0x79: {  	_ =	shalt  }
0x7a: {  	_ =	shalt  }
0x7b: {  	_ =	shalt  }
0x7c: {  	_ =	shalt  }
0x7d: {  	_ =	shalt  }
0x7e: {  	_ =	shalt  }
0x7f: {  	_ =	shalt  }
0x80: {  	_ =	shalt  }
0x81: {  	_ =	shalt  }
0x82: {  	_ =	shalt  }
0x83: {  	_ =	shalt  }
0x84: {  	_ =	shalt  }
0x85: {  	_ =	shalt  }
0x86: {  	_ =	shalt  }
0x87: {  	_ =	shalt  }
.Lfunc_end0:
.L_simem_size_0:
called_computation.2_lowered:
.L_overlay_start_0:
0x88: {  	s2 =	sld [smem:$0x3FD9]  }
0x89: {  	s3 =	sld [smem:$0x3FFE];
	_ =	sdelay $0x1  }
0x8a: {  	s1 =	srdreg.scid  }
0x8b: {  	s0 =	sand.u32 $0x1, s1  }
0x8c: {  	s16 =	sshll.u32 s0, $0xA;
	s2 =	sadd.s32 s3, s2  }
0x8d: {  	s2 =	sadd.s32 s2, s16  }
0x8e: {  	[smem:$0x3FBE] =	sst s2  }
0x8f: {  	_ = 	snop  }
0x90: {  	(tm) =	ssettm $0x1  }
0x91: {  	s17 =	sld [smem:$0x3FFB];
	_ =	sdelay $0x3  }
0x92: {  	_ =	strace s17  }
0x93: {  	s2 =	sld [smem:$0x3FFC];
	_ =	sdelay $0x3  }
0x94: {  	_ =	strace s2  }
0x95: {  	s2 =	sld [smem:$0x3FFD];
	_ =	sdelay $0x3  }
0x96: {  	_ =	strace s2  }
0x97: {  	_ =	strace $0x8FFFFFFF  }
0x98: {  	s18 =	sld [smem:$0x3FDB];
	_ =	sdelay $0x1  }
0x99: {  	s19 =	simm.s32 $_scs_section_size  }
0x9a: {  	s4 =	simm.s32 $_size__tile_overlayer_lowered;
	s5 =	simm.s32 $_tile_overlayer_lowered  }
0x9b: {  	s22 =	simm.s32 $0x1BFF;
	s21 =	sshll.u32 s5, $0x1;
	s2 =	sadd.s32 s19, s18  }
0x9c: {  	s6 =	simm.s32 $0x0;
	s20 =	sshll.u32 s4, $0x1;
	s4 =	sadd.s32 s21, s2  }
0x9d: {  	[timem:s6], [sflag:s22] =	dma.local [hbm:s4], s20  }
0x9e: {  	_ =	swait.ge [sflag:s22], s20  }
0x9f: {  	s3 =	ssub.s32 $0x0, s20;
	[sflag:s22] =	ssyncset.done $0x0  }
0xa0: {  	[sflag:s22] =	ssyncadd.s32 s3;
	_ =	sdelay $0x1  }
0xa1: {  	s23 =	simm.s32 $0x1B8B  }
0xa2: {  	_ =	swait.ge [sflag:s23], $0x1  }
0xa3: {  	[sflag:s23] =	ssyncset.done $0x0  }
0xa4: {  	s25 =	simm.s32 $0x1B8E;
	s24 =	sld [smem:$0x3FFE];
	[sflag:s23] =	ssyncadd.s32 $0xFFFFFFFF  }
0xa5: {  	s26 =	simm.s32 $execute0_lowered;
	[smem:$0x3FD2] =	sst s25  }
0xa6: {  	s4 =	sshll.u32 s26, $0x1;
	_ =	strace $0x80000046;
	[dreg:$0x1] =	wrdreg $0xFFFFFFFF  }
0xa7: {  	s28 =	simm.s32 $_size_execute0_lowered;
	s2 =	sadd.s32 s2, s4;
	[dreg:$0x0] =	wrdreg $0x0  }
0xa8: {  	s4 =	sshll.u32 s28, $0x1;
	[dreg:$0x2] =	wrdreg s2  }
0xa9: {  	[dreg:$0x3] =	wrdreg s4  }
0xaa: {  	[dreg:$0x4] =	wrdreg $0xC0  }
0xab: {  	_ =	task [dreg:s6], $0x5FFFF  }
0xac: {  	[dreg:$0x1] =	wrdreg $0xFFFFFFFF  }
0xad: {  	[dreg:$0x0] =	wrdreg $0x60  }
0xae: {  	[dreg:$0x2] =	wrdreg s24  }
0xaf: {  	[dreg:$0x3] =	wrdreg $0x9  }
0xb0: {  	_ =	task.clear_ibuf [dreg:s6], $0x4FFFF;
	_ =	strace $0x90000046  }
0xb1: {  	s29 =	simm.s32 $0x9;
	_ =	strace $0x80000048  }
0xb2: {  	_ =	swait.ge [sflag:s29], $0x1  }
0xb3: {  	[sflag:s29] =	ssyncadd.s32 $0xFFFFFFFF  }
0xb4: {  	_ =	strace $0x90000048  }
0xb5: {  	_ =	sfence  }
0xb6: {  	s30 =	sld [smem:$0x0];
	_ =	sdelay $0x2  }
0xb7: {  	s31 =	sshll.u32 s1, $0xD;
	s1 =	sshrl.u32 s1, $0x2  }
0xb8: {  	s3 =	sand.u32 $0x4000, s31;
	s1 =	sadd.s32 s1, s30  }
0xb9: {  	s0 =	sor.u32 s3, s0;
	s1 =	sshll.u32 s1, $0x11  }
0xba: {  	s0 =	sor.u32 s1, s0  }
0xbb: {  	s0 =	sadd.s32 $0x8F2B, s0  }
0xbc: {  	[sflag:s0] =	ssyncadd.remote.s32 $0x1  }
0xbd: {  	_ =	sfence.sel $0xFFFF  }
0xbe: {  	[dreg:$0x0] =	wrdreg $0xFFFFFFFF;
	(pc) =	sbr.abs _section_cstart, $3  }
0xbf: {  	[dreg:$0x1] =	wrdreg $0xFFFFFFFF  }
0xc0: {  	_ =	task.clear_ibuf [dreg:s6], $0x2FFFF;
	_ =	strace $0x9FFFFFFF  }
0xc1: {  	(tm) =	ssettm $0x7FFFFFFF  }
tec
execute0_lowered:
.L_overlay_start_1:
0x0: {  	(tag) =	ssettag $0x1  }
0x1: {  	s8 =	rddreg [dreg:$0x0]  }
0x2: {  	s0 =	rddreg [dreg:$0x1];
	_ =	strace $0x80000047;
	s1 =	stileid.u32  }
0x3: {  	s3 =	srdreg.scid;
	s4 =	simm.s32 $0x1;
	s7 =	simm.s32 $0x1  }
0x4: {  	s9 =	simm.s32 $0x1;
	s10 =	simm.s32 $0x3;
	s13 =	simm.s32 $0x0  }
0x5: {  	s12 =	simm.s32 $0x0;
	s5 =	sand.u32 $0x1, s3;
	s6 =	sshll.u32 s1, $0x1  }
0x6: {  	s2 =	sadd.s32 $0x2800, s8;
	s3 =	sadd.s32 $0xC600, s8;
	s5 =	sor.u32 s6, s5  }
.Ltmp0:
0x7: {  	[sflag:s4] =	ssyncpa.u1 $0x0;
	p0 =	slt.u32 s5, $0x9;
	(pc) =	sbr.rel .LBB2_1-.Ltmp0, $4  }
0x8: {  	s6 =	simm.s32 $0x2;
	s7 =	simm.s32 @!p0 $0x0;
	p0 =	sne.s32 s5, $0x8  }
0x9: {  	[sflag:s6] =	ssyncpa.u1 $0x0;
	s5 =	smul.u32 $0x1F40, s5;
	s9 =	simm.s32 @!p0 $0x0  }
0xa: {  	s8 =	sadd.s32 $0x3DE00, s8;
	[sflag:s10] =	ssyncpa.u1 $0x0;
	s7 =	sadd.s32 s9, s7  }
0xb: {  	vm0 =	vmmov $0xffff;
	s10 =	simm.s32 $0x0;
	s11 =	smov.u32 s5;
	s9 =	sadd.s32 $0x1, s7  }
.LBB2_4:
0xc: {  	v2 =	vnsel vm1, $0x0, v2  }
0xd: {  	vm1 =	vgt.s32 v0, $0x0;
	v2 =	vmin.u32 v2, $0x4E1FF  }
0xe: {  	v0 =	vnsel vm1, $0x0, v0  }
0xf: {  	v0 =	vmin.u32 v0, $0x4E1FF  }
0x10: {  	[tilespmem:s18], [sflag:$0x1] =	stream.indirect_vreg.gather [hbm4b:s2+s10], $0x1, v1, vm0, $0x4038;
	[tilespmem:$0x7D00] =	vst v63  }
0x11: {  	(ifvalue) =	ssetifvalue $0x7FFFFFFF  }
0x12: {  	[tilespmem:s15], [sflag:$0x1] =	stream.indirect_vreg.gather [hbm4b:s2+s10], $0x1, v2, vm0, $0x4038;
	[tilespmem:$0x7D00] =	vst v63  }
0x13: {  	s29 =	sadd.s32 $0x10, s15;
	(ifvalue) =	ssetifvalue $0x7FFFFFFF  }
0x14: {  	[tilespmem:s29], [sflag:$0x1] =	stream.indirect_vreg.gather [hbm4b:s2+s10], $0x1, v0, vm0, $0x4038;
	[tilespmem:$0x7D00] =	vst v63  }
0x15: {  	_ =	swait.ge [sflag:s4], $0x1F40  }
0x16: {  	s30 =	sshrl.u32 s13, $0x3;
	[sflag:s4] =	ssyncset.done $0x0  }
0x17: {  	s31 =	sand.u32 $0x7, s13;
	s15 =	sadd.s32 s8, s30;
	[sflag:s4] =	ssyncadd.s32 $0xFFFFE0C0  }
0x18: {  	[hbm4b:s15+s31] =	stream.linear.scatter [tilespmem:s14], [sflag:$0x3], $0x1F40, $0x38;
	[tilespmem:$0x7D00] =	vst v63  }
.LBB2_5:
0x19: {  	s15 =	sadd.s32 $0x3E800, s11  }
0x1a: {  	p1 =	sgt.s32 s15, $0x4E1FF  }
0x1b: {  	s15 =	smov.u32 @p1 s5;
	p1 =	sne.s32 s12, s9  }
.Ltmp1:
0x1c: {  	p0 =	slt.u32 s12, $0x2;
	(pc) =	sbr.rel @!p1 .LBB2_6-.Ltmp1, $4  }
0x1d: {  	s14 =	simm.s32 @!p0 $0x3  }
0x1e: {  	_ =	swait.ge @!p0 [sflag:s14], $0x1F40  }
0x1f: {  	s16 =	sadd.s32 $0x1, s12;
	s13 =	smov.u32 s11;
	[sflag:s14] =	ssyncset.done @!p0 $0x0  }
0x20: {  	s12 =	smov.u32 s16;
	s11 =	smov.u32 s15;
	[sflag:s14] =	ssyncadd.s32 @!p0 $0xFFFFE0C0  }
.LBB2_1:
0x21: {  	p0 =	sge.u32 s12, s7  }
0x22: {  	s14 =	sxor.u32 @!p0 $0x1, s12  }
0x23: {  	s14 =	smul.u32 @!p0 $0x7D00, s14  }
0x24: {  	s31 =	sadd.s32 $0xFFFFFFFF, s12;
	s15 =	sshrl.u32 @!p0 s11, $0x3  }
0x25: {  	s16 =	sand.u32 @!p0 $0x7, s11;
	s15 =	sadd.s32 @!p0 s3, s15;
	s14 =	sshra.s32 @!p0 s14, $0x2  }
0x26: {  	[tilespmem:s14], [sflag:$0x2] =	stream.linear.gather @!p0 [hbm4b:s15+s16], $0x1F40, $0x38;
	[tilespmem:$0x7D00] =	vst v63  }
0x27: {  	p0 =	sge.u32 s31, s7  }
.Ltmp2:
0x28: {  	_ = 	snop;
	(pc) =	sbr.rel @p0 .LBB2_5-.Ltmp2, $1  }
0x29: {  	_ =	sdelay $0x3  }
0x2a: {  	s14 =	sand.u32 $0x1, s12  }
0x2b: {  	_ =	swait.ge [sflag:s6], $0x1F40;
	p0 =	seq.s32 s14, $0x1;
	s14 =	simm.s32 $0x1F40  }
0x2c: {  	[sflag:s6] =	ssyncset.done $0x0;
	s14 =	simm.s32 @!p0 $0x0  }
0x2d: {  	[sflag:s6] =	ssyncadd.s32 $0xFFFFE0C0;
	(ifvalue) =	ssetifvalue $0x7FFFFFFF;
	v0 =	vld.msk [tilespmem:s14+$0x0 ss:$0x1], $0xffff;
	_ =	sdelay $0x4  }
0x2e: {  	s15 =	sadd.s32 $0x10, s14;
	vm1 =	vgt.s32 v0, $0x0  }
0x2f: {  	v2 =	vld.msk [tilespmem:s15+$0x0 ss:$0x1], $0xffff;
	v1 =	vnsel vm1, $0x0, v0  }
0x30: {  	v1 =	vmin.u32 v1, $0x4E1FF;
	_ =	sdelay $0x2  }
0x31: {  	s17 =	simm.s32 $0x20;
	s14 =	sadd.s32 $0x3E80, s14;
	s16 =	sadd.s32 $0x10, s15  }
0x32: {  	s15 =	sadd.s32 $0x10, s14;
	s18 =	smov.u32 s14;
	v0 =	vld.msk [tilespmem:s16+$0x0 ss:$0x1], $0xffff;
	vm1 =	vgt.s32 v2, $0x0;
	(ifvalue) =	ssetifvalue $0x7FFFFFFF  }
.LBB2_3:
0x33: {  	[tilespmem:s18], [sflag:$0x1] =	stream.indirect_vreg.gather [hbm4b:s2+s10], $0x1, v1, vm0, $0x4038;
	[tilespmem:$0x7D00] =	vst v63  }
0x34: {  	s17 =	sadd.s32 $0x10, s17  }
0x35: {  	v2 =	vnsel vm1, $0x0, v2;
	p0 =	slt.u32 s17, $0x1F30  }
.Ltmp3:
0x36: {  	s18 =	smov.u32 s15;
	v1 =	vmin.u32 v2, $0x4E1FF;
	(pc) =	sbr.rel @p0 .LBB2_3-.Ltmp3, $3  }
0x37: {  	_ =	sdelay $0x1  }
0x38: {  	s16 =	sadd.s32 $0x10, s16  }
0x39: {  	vm1 =	vgt.s32 v0, $0x0;
	s15 =	sadd.s32 $0x10, s15;
	v2 =	vmov v0;
	(ifvalue) =	ssetifvalue $0x7FFFFFFF;
	v0 =	vld.msk [tilespmem:s16+$0x0 ss:$0x1], $0xffff  }
.Ltmp4:
0x3a: {  	_ = 	snop;
	(pc) =	sbr.rel .LBB2_4-.Ltmp4, $1  }
0x3b: {  	_ =	sdelay $0x3  }
.LBB2_6:
0x3c: {  	_ =	sfence.sel $0x180000  }
0x3d: {  	s2 =	simm.s32 $0x2;
	[bflag:$0x0] =	sbarrier.arrive $0xFFFF  }
0x3e: {  	s30 =	simm.s32 $0x3;
	[sflag:s2] =	ssyncpa.u1 $0x1  }
0x3f: {  	s31 =	simm.s32 $0x1;
	[sflag:s30] =	ssyncpa.u1 $0x1  }
0x40: {  	[sflag:s31] =	ssyncpa.u1 $0x1  }
0x41: {  	p0 =	sne.s32 s1, $0x0;
	_ =	strace $0x90000047  }
0x42: {  	s0 =	sadd.s32 @!p0 $0x100000, s0;
	[bflag:$0x2] =	sbarrier.arrive $0xFFFF  }
0x43: {  	[sflag:s0] =	ssyncadd.tile.s32 @!p0 $0x1;
	_ =	shalt  }
.Lfunc_end2:
_tile_overlayer_lowered:
.L_overlay_start_2:
0x44: {  	(tag) =	ssettag $0x2  }
0x45: {  	s0 =	rddreg [dreg:$0x0];
	s2 =	stileid.u32  }
0x46: {  	s1 =	rddreg [dreg:$0x1];
	p0 =	sne.s32 s2, $0x0  }
0x47: {  	s3 =	rddreg [dreg:$0x2];
	[bflag:$0x3] =	sbarrier.arrive $0xFFFF;
	s2 =	simm.s32 @!p0 $0x1C01  }
0x48: {  	[timem:s3], [sflag:s2] =	dma.local @!p0 [hbm:s0], s1  }
0x49: {  	s0 =	simm.s32 @!p0 $0x1  }
0x4a: {  	_ =	swait.ge @!p0 [sflag:s0], s1  }
0x4b: {  	s1 =	ssub.s32 @!p0 $0x0, s1;
	[sflag:s0] =	ssyncset.done @!p0 $0x0  }
0x4c: {  	[sflag:s0] =	ssyncadd.s32 @!p0 s1  }
0x4d: {  	[bflag:$0x3] =	sbarrier.arrive $0xFFFF  }
0x4e: {  	_ =	shalt  }

// kernel: gather_offload_async_start
scs
__scs_entry_jumppad:
0x0: {  	(pc) =	sbr.rel $0x88, $3  }
0x1: {  	(tag) =	ssettag $0x0;
	lr =	simm.s32 $0x1  }
0x2: {  	[smem:$0x3F97] =	sst lr;
	_ =	strace $0xD0000000  }
0x3: {  	_ = 	snop  }
0x4: {  	_ = 	snop  }
0x5: {  	_ = 	snop  }
0x6: {  	_ = 	snop  }
0x7: {  	_ = 	snop  }
__scs_overlays_trampoline_lowered:
0x8: {  	[smem:$0x3FA6] =	sst s0  }
0x9: {  	[smem:$0x3FA7] =	sst s1  }
0xa: {  	[smem:$0x3FA8] =	sst s2  }
0xb: {  	[smem:$0x3FA9] =	sst s3  }
0xc: {  	[smem:$0x3FAA] =	sst s4  }
0xd: {  	[smem:$0x3FAB] =	sst s5  }
0xe: {  	[smem:$0x3FAC] =	sst s6  }
0xf: {  	[smem:$0x3FAD] =	sst s7  }
0x10: {  	[smem:$0x3FAE] =	sst s8  }
0x11: {  	[smem:$0x3FAF] =	sst s9;
	s0 =	simm.s32 @!p0 $0x0  }
0x12: {  	s1 =	sld [smem:$0x3F95];
	s0 =	simm.s32 @p0 $0x1  }
0x13: {  	[smem:$0x3FB0] =	sst s0;
	s0 =	simm.s32 @!p1 $0x0  }
0x14: {  	s2 =	sld [smem:$0x3F94];
	s0 =	simm.s32 @p1 $0x1  }
0x15: {  	[smem:$0x3FB1] =	sst s0;
	s0 =	simm.s32 @!p2 $0x0  }
0x16: {  	s3 =	sld [smem:$0x3FDB];
	s0 =	simm.s32 @p2 $0x1  }
0x17: {  	s4 =	simm.s32 $0x1BF5;
	[smem:$0x3FB3] =	sst s0  }
0x18: {  	s0 =	sld [smem:$0x3F96];
	_ =	swait.ge [sflag:s4], $0x0  }
0x19: {  	s7 =	sld [smem:$0x3F97]  }
0x1a: {  	s8 =	sadd.s32 $0xFFFFE003, lr  }
0x1b: {  	s9 =	sadd.s32 $0xFFFFFEF7, lr;
	s5 =	simm.s32 $0xFFFFFFFF;
	p2 =	slt.u32 s8, $0xFFFFF086  }
0x1c: {  	p1 =	slt.u32 s9, $0xF7A;
	s5 =	simm.s32 @!p2 $0x0  }
0x1d: {  	s5 =	simm.s32 @p1 $0x1;
	p0 =	seq.s32 s7, s2  }
0x1e: {  	s7 =	smul.u32 @!p0 $0xF7A, s2;
	p2 =	seq.s32 @!p0 s5, $0x0  }
0x1f: {  	s9 =	smul.u32 $0xF7A, s1;
	s8 =	simm.s32 @!p0 $0x1BF5;
	p2 =	por !p2, p0  }
0x20: {  	[sflag:s8] =	ssyncset.s32 @!p0 $0xFFFFF086;
	s6 =	sadd.s32 @!p0 s3, s7;
	s7 =	simm.s32 @!p0 $0x108  }
0x21: {  	s3 =	sadd.s32 s3, s9;
	s6 =	sadd.s32 @!p0 $0x88, s6;
	s7 =	simm.s32 @p2 $0x1082  }
0x22: {  	[simem:s7], [sflag:s8] =	dma.local @!p0 [hbm:s6], $0xF7A  }
0x23: {  	s9 =	sor.u32 $0xD0000000, s2;
	s6 =	simm.s32 $0x108;
	_ =	swait.ge @!p0 [sflag:s8], $0x0  }
0x24: {  	s3 =	sadd.s32 $0x88, s3;
	s6 =	simm.s32 @!p1 $0x1082;
	[sflag:s4] =	ssyncset.s32 $0xFFFFF086  }
0x25: {  	[simem:s6], [sflag:s4] =	dma.local [hbm:s3], $0xF7A  }
0x26: {  	[smem:$0x3F97] =	sst s1;
	(tag) =	ssettag s2;
	_ =	strace s9  }
0x27: {  	s1 =	sld [smem:$0x3FA7]  }
0x28: {  	s2 =	sld [smem:$0x3FA8]  }
0x29: {  	s4 =	sld [smem:$0x3FAA]  }
0x2a: {  	p0 =	seq.s32 s5, $0x0;
	s5 =	sld [smem:$0x3FAB]  }
0x2b: {  	s6 =	sld [smem:$0x3FAC]  }
0x2c: {  	s7 =	sld [smem:$0x3FAD]  }
0x2d: {  	s3 =	simm.s32 $0x108;
	s8 =	sld [smem:$0x3FAE]  }
0x2e: {  	s3 =	simm.s32 @!p0 $0x1082;
	s9 =	sld [smem:$0x3FAF]  }
0x2f: {  	lr =	sadd.s32 s0, s3;
	s0 =	sld [smem:$0x3FA6]  }
0x30: {  	s3 =	sld [smem:$0x3FA9]  }
0x31: {  	[smem:$0x3FB2] =	sst s10  }
0x32: {  	s10 =	sld [smem:$0x3FB0];
	_ =	sdelay $0x3  }
0x33: {  	p0 =	seq.s32 s10, $0x1;
	s10 =	sld [smem:$0x3FB2];
	_ =	sdelay $0x3  }
0x34: {  	[smem:$0x3FB2] =	sst s10  }
0x35: {  	s10 =	sld [smem:$0x3FB1];
	_ =	sdelay $0x3  }
0x36: {  	p1 =	seq.s32 s10, $0x1;
	s10 =	sld [smem:$0x3FB2];
	_ =	sdelay $0x3  }
0x37: {  	[smem:$0x3FB2] =	sst s10  }
0x38: {  	s10 =	sld [smem:$0x3FB3]  }
0x39: {  	_ = 	snop;
	(pc) =	sbr.ind lr, $3  }
0x3a: {  	_ = 	snop  }
0x3b: {  	_ = 	snop  }
0x3c: {  	p2 =	seq.s32 s10, $0x1;
	s10 =	sld [smem:$0x3FB2]  }
0x3d: {  	_ =	shalt  }
0x3e: {  	_ =	shalt  }
0x3f: {  	_ =	shalt  }
0x40: {  	_ =	shalt  }
0x41: {  	_ =	shalt  }
0x42: {  	_ =	shalt  }
0x43: {  	_ =	shalt  }
0x44: {  	_ =	shalt  }
0x45: {  	_ =	shalt  }
0x46: {  	_ =	shalt  }
0x47: {  	_ =	shalt  }
0x48: {  	_ =	shalt  }
0x49: {  	_ =	shalt  }
0x4a: {  	_ =	shalt  }
0x4b: {  	_ =	shalt  }
0x4c: {  	_ =	shalt  }
0x4d: {  	_ =	shalt  }
0x4e: {  	_ =	shalt  }
0x4f: {  	_ =	shalt  }
0x50: {  	_ =	shalt  }
0x51: {  	_ =	shalt  }
0x52: {  	_ =	shalt  }
0x53: {  	_ =	shalt  }
0x54: {  	_ =	shalt  }
0x55: {  	_ =	shalt  }
0x56: {  	_ =	shalt  }
0x57: {  	_ =	shalt  }
0x58: {  	_ =	shalt  }
0x59: {  	_ =	shalt  }
0x5a: {  	_ =	shalt  }
0x5b: {  	_ =	shalt  }
0x5c: {  	_ =	shalt  }
0x5d: {  	_ =	shalt  }
0x5e: {  	_ =	shalt  }
0x5f: {  	_ =	shalt  }
0x60: {  	_ =	shalt  }
0x61: {  	_ =	shalt  }
0x62: {  	_ =	shalt  }
0x63: {  	_ =	shalt  }
0x64: {  	_ =	shalt  }
0x65: {  	_ =	shalt  }
0x66: {  	_ =	shalt  }
0x67: {  	_ =	shalt  }
0x68: {  	_ =	shalt  }
0x69: {  	_ =	shalt  }
0x6a: {  	_ =	shalt  }
0x6b: {  	_ =	shalt  }
0x6c: {  	_ =	shalt  }
0x6d: {  	_ =	shalt  }
0x6e: {  	_ =	shalt  }
0x6f: {  	_ =	shalt  }
0x70: {  	_ =	shalt  }
0x71: {  	_ =	shalt  }
0x72: {  	_ =	shalt  }
0x73: {  	_ =	shalt  }
0x74: {  	_ =	shalt  }
0x75: {  	_ =	shalt  }
0x76: {  	_ =	shalt  }
0x77: {  	_ =	shalt  }
0x78: {  	_ =	shalt  }
0x79: {  	_ =	shalt  }
0x7a: {  	_ =	shalt  }
0x7b: {  	_ =	shalt  }
0x7c: {  	_ =	shalt  }
0x7d: {  	_ =	shalt  }
0x7e: {  	_ =	shalt  }
0x7f: {  	_ =	shalt  }
0x80: {  	_ =	shalt  }
0x81: {  	_ =	shalt  }
0x82: {  	_ =	shalt  }
0x83: {  	_ =	shalt  }
0x84: {  	_ =	shalt  }
0x85: {  	_ =	shalt  }
0x86: {  	_ =	shalt  }
0x87: {  	_ =	shalt  }
.Lfunc_end0:
.L_simem_size_0:
called_computation.1_lowered:
.L_overlay_start_0:
0x88: {  	s2 =	sld [smem:$0x3FD9]  }
0x89: {  	s3 =	sld [smem:$0x3FFE];
	_ =	sdelay $0x1  }
0x8a: {  	s1 =	srdreg.scid  }
0x8b: {  	s0 =	sand.u32 $0x1, s1  }
0x8c: {  	s17 =	sshll.u32 s0, $0xA;
	s2 =	sadd.s32 s3, s2  }
0x8d: {  	s2 =	sadd.s32 s2, s17  }
0x8e: {  	[smem:$0x3FBE] =	sst s2  }
0x8f: {  	_ = 	snop  }
0x90: {  	s2 =	sld [smem:$0x3FD0];
	(tm) =	ssettm $0x1  }
0x91: {  	s18 =	sld [smem:$0x3FFB];
	_ =	sdelay $0x3  }
0x92: {  	_ =	strace s18  }
0x93: {  	s3 =	sld [smem:$0x3FFC];
	_ =	sdelay $0x3  }
0x94: {  	_ =	strace s3  }
0x95: {  	s3 =	sld [smem:$0x3FFD];
	_ =	sdelay $0x3  }
0x96: {  	_ =	strace s3  }
0x97: {  	_ =	strace $0x8FFFFFFF  }
0x98: {  	s19 =	sld [smem:$0x3FDB];
	_ =	sdelay $0x1  }
0x99: {  	s4 =	simm.s32 $_scs_section_size  }
0x9a: {  	s5 =	simm.s32 $_size__tile_overlayer_lowered;
	s6 =	simm.s32 $_tile_overlayer_lowered  }
0x9b: {  	s22 =	simm.s32 $0x1BFF;
	s21 =	sshll.u32 s6, $0x1;
	s3 =	sadd.s32 s4, s19  }
0x9c: {  	s7 =	simm.s32 $0x0;
	s20 =	sshll.u32 s5, $0x1;
	s5 =	sadd.s32 s21, s3  }
0x9d: {  	[timem:s7], [sflag:s22] =	dma.local [hbm:s5], s20  }
0x9e: {  	_ =	swait.ge [sflag:s22], s20  }
0x9f: {  	s4 =	ssub.s32 $0x0, s20;
	[sflag:s22] =	ssyncset.done $0x0  }
0xa0: {  	[sflag:s22] =	ssyncadd.s32 s4;
	_ =	sdelay $0x1  }
0xa1: {  	s23 =	simm.s32 $0x1B8B  }
0xa2: {  	_ =	swait.ge [sflag:s23], $0x1  }
0xa3: {  	[sflag:s23] =	ssyncset.done $0x0  }
0xa4: {  	s25 =	simm.s32 $0x1B8E;
	s24 =	sld [smem:$0x3FFE];
	[sflag:s23] =	ssyncadd.s32 $0xFFFFFFFF  }
0xa5: {  	s26 =	simm.s32 $execute0_lowered;
	[smem:$0x3FD2] =	sst s25  }
0xa6: {  	s5 =	sshll.u32 s26, $0x1;
	_ =	strace $0x80000049;
	[dreg:$0x1] =	wrdreg $0xFFFFFFFF  }
0xa7: {  	s28 =	simm.s32 $_size_execute0_lowered;
	s3 =	sadd.s32 s3, s5;
	[dreg:$0x0] =	wrdreg $0x0  }
0xa8: {  	s5 =	sshll.u32 s28, $0x1;
	[dreg:$0x2] =	wrdreg s3  }
0xa9: {  	[dreg:$0x3] =	wrdreg s5  }
0xaa: {  	[dreg:$0x4] =	wrdreg $0xC0  }
0xab: {  	_ =	task [dreg:s7], $0x5FFFF  }
0xac: {  	[dreg:$0x1] =	wrdreg $0xFFFFFFFF  }
0xad: {  	[dreg:$0x0] =	wrdreg $0x60  }
0xae: {  	[dreg:$0x2] =	wrdreg s2  }
0xaf: {  	[dreg:$0x3] =	wrdreg s24  }
0xb0: {  	[dreg:$0x4] =	wrdreg $0x9  }
0xb1: {  	_ =	task.clear_ibuf [dreg:s7], $0x5FFFF;
	_ =	strace $0x90000049  }
0xb2: {  	s29 =	simm.s32 $0x9;
	_ =	strace $0x8000004B  }
0xb3: {  	_ =	swait.ge [sflag:s29], $0x1  }
0xb4: {  	[sflag:s29] =	ssyncadd.s32 $0xFFFFFFFF  }
0xb5: {  	_ =	strace $0x9000004B  }
0xb6: {  	_ =	sfence  }
0xb7: {  	s30 =	sld [smem:$0x0];
	_ =	sdelay $0x2  }
0xb8: {  	s31 =	sshll.u32 s1, $0xD;
	s1 =	sshrl.u32 s1, $0x2  }
0xb9: {  	s3 =	sand.u32 $0x4000, s31;
	s1 =	sadd.s32 s1, s30  }
0xba: {  	s0 =	sor.u32 s3, s0;
	s1 =	sshll.u32 s1, $0x11  }
0xbb: {  	s0 =	sor.u32 s1, s0  }
0xbc: {  	s0 =	sadd.s32 $0x8F2B, s0  }
0xbd: {  	[sflag:s0] =	ssyncadd.remote.s32 $0x1  }
0xbe: {  	_ =	sfence.sel $0xFFFF  }
0xbf: {  	[dreg:$0x0] =	wrdreg $0xFFFFFFFF;
	(pc) =	sbr.abs _section_cstart, $3  }
0xc0: {  	[dreg:$0x1] =	wrdreg $0xFFFFFFFF  }
0xc1: {  	_ =	task.clear_ibuf [dreg:s7], $0x2FFFF;
	_ =	strace $0x9FFFFFFF  }
0xc2: {  	(tm) =	ssettm $0x7FFFFFFF  }
0xc3: {  	_ =	shalt  }
tec
execute0_lowered:
.L_overlay_start_1:
0x0: {  	(tag) =	ssettag $0x1  }
0x1: {  	s2 =	rddreg [dreg:$0x0]  }
0x2: {  	s8 =	rddreg [dreg:$0x1]  }
0x3: {  	s0 =	rddreg [dreg:$0x2];
	s1 =	stileid.u32  }
0x4: {  	s3 =	srdreg.scid;
	_ =	strace $0x8000004A;
	s4 =	simm.s32 $0x1  }
0x5: {  	s7 =	simm.s32 $0x1;
	s9 =	simm.s32 $0x1;
	s10 =	simm.s32 $0x3  }
0x6: {  	s13 =	simm.s32 $0x0;
	s5 =	sand.u32 $0x1, s3;
	s6 =	sshll.u32 s1, $0x1  }
0x7: {  	s12 =	simm.s32 $0x0;
	s3 =	sadd.s32 $0xC600, s8;
	s5 =	sor.u32 s6, s5  }
.Ltmp0:
0x8: {  	[sflag:s4] =	ssyncpa.u1 $0x0;
	p0 =	slt.u32 s5, $0x9;
	(pc) =	sbr.rel .LBB2_1-.Ltmp0, $4  }
0x9: {  	s6 =	simm.s32 $0x2;
	s7 =	simm.s32 @!p0 $0x0;
	p0 =	sne.s32 s5, $0x8  }
0xa: {  	[sflag:s6] =	ssyncpa.u1 $0x0;
	s5 =	smul.u32 $0x1F40, s5;
	s9 =	simm.s32 @!p0 $0x0  }
0xb: {  	s8 =	sadd.s32 $0x19A000, s8;
	[sflag:s10] =	ssyncpa.u1 $0x0;
	s7 =	sadd.s32 s9, s7  }
0xc: {  	vm0 =	vmmov $0xffff;
	s10 =	simm.s32 $0x0;
	s11 =	smov.u32 s5;
	s9 =	sadd.s32 $0x1, s7  }
.LBB2_4:
0xd: {  	v2 =	vnsel vm1, $0x0, v2  }
0xe: {  	vm1 =	vgt.s32 v0, $0x0;
	v2 =	vmin.u32 v2, $0x4E1FF  }
0xf: {  	v0 =	vnsel vm1, $0x0, v0  }
0x10: {  	v0 =	vmin.u32 v0, $0x4E1FF  }
0x11: {  	[tilespmem:s18], [sflag:$0x1] =	stream.indirect_vreg.gather [hbm4b:s2+s10], $0x1, v1, vm0, $0x4038;
	[tilespmem:$0x7D00] =	vst v63  }
0x12: {  	(ifvalue) =	ssetifvalue $0x7FFFFFFF  }
0x13: {  	[tilespmem:s15], [sflag:$0x1] =	stream.indirect_vreg.gather [hbm4b:s2+s10], $0x1, v2, vm0, $0x4038;
	[tilespmem:$0x7D00] =	vst v63  }
0x14: {  	s29 =	sadd.s32 $0x10, s15;
	(ifvalue) =	ssetifvalue $0x7FFFFFFF  }
0x15: {  	[tilespmem:s29], [sflag:$0x1] =	stream.indirect_vreg.gather [hbm4b:s2+s10], $0x1, v0, vm0, $0x4038;
	[tilespmem:$0x7D00] =	vst v63  }
0x16: {  	_ =	swait.ge [sflag:s4], $0x1F40  }
0x17: {  	s30 =	sshrl.u32 s13, $0x3;
	[sflag:s4] =	ssyncset.done $0x0  }
0x18: {  	s31 =	sand.u32 $0x7, s13;
	s15 =	sadd.s32 s8, s30;
	[sflag:s4] =	ssyncadd.s32 $0xFFFFE0C0  }
0x19: {  	[hbm4b:s15+s31] =	stream.linear.scatter [tilespmem:s14], [sflag:$0x3], $0x1F40, $0x38;
	[tilespmem:$0x7D00] =	vst v63  }
.LBB2_5:
0x1a: {  	s15 =	sadd.s32 $0x3E800, s11  }
0x1b: {  	p1 =	sgt.s32 s15, $0x4E1FF  }
0x1c: {  	s15 =	smov.u32 @p1 s5;
	p1 =	sne.s32 s12, s9  }
.Ltmp1:
0x1d: {  	p0 =	slt.u32 s12, $0x2;
	(pc) =	sbr.rel @!p1 .LBB2_6-.Ltmp1, $4  }
0x1e: {  	s14 =	simm.s32 @!p0 $0x3  }
0x1f: {  	_ =	swait.ge @!p0 [sflag:s14], $0x1F40  }
0x20: {  	s16 =	sadd.s32 $0x1, s12;
	s13 =	smov.u32 s11;
	[sflag:s14] =	ssyncset.done @!p0 $0x0  }
0x21: {  	s12 =	smov.u32 s16;
	s11 =	smov.u32 s15;
	[sflag:s14] =	ssyncadd.s32 @!p0 $0xFFFFE0C0  }
.LBB2_1:
0x22: {  	p0 =	sge.u32 s12, s7  }
0x23: {  	s14 =	sxor.u32 @!p0 $0x1, s12  }
0x24: {  	s14 =	smul.u32 @!p0 $0x7D00, s14  }
0x25: {  	s31 =	sadd.s32 $0xFFFFFFFF, s12;
	s15 =	sshrl.u32 @!p0 s11, $0x3  }
0x26: {  	s16 =	sand.u32 @!p0 $0x7, s11;
	s15 =	sadd.s32 @!p0 s3, s15;
	s14 =	sshra.s32 @!p0 s14, $0x2  }
0x27: {  	[tilespmem:s14], [sflag:$0x2] =	stream.linear.gather @!p0 [hbm4b:s15+s16], $0x1F40, $0x38;
	[tilespmem:$0x7D00] =	vst v63  }
0x28: {  	p0 =	sge.u32 s31, s7  }
.Ltmp2:
0x29: {  	_ = 	snop;
	(pc) =	sbr.rel @p0 .LBB2_5-.Ltmp2, $1  }
0x2a: {  	_ =	sdelay $0x3  }
0x2b: {  	s14 =	sand.u32 $0x1, s12  }
0x2c: {  	_ =	swait.ge [sflag:s6], $0x1F40;
	p0 =	seq.s32 s14, $0x1;
	s14 =	simm.s32 $0x1F40  }
0x2d: {  	[sflag:s6] =	ssyncset.done $0x0;
	s14 =	simm.s32 @!p0 $0x0  }
0x2e: {  	[sflag:s6] =	ssyncadd.s32 $0xFFFFE0C0;
	(ifvalue) =	ssetifvalue $0x7FFFFFFF;
	v0 =	vld.msk [tilespmem:s14+$0x0 ss:$0x1], $0xffff;
	_ =	sdelay $0x4  }
0x2f: {  	s15 =	sadd.s32 $0x10, s14;
	vm1 =	vgt.s32 v0, $0x0  }
0x30: {  	v2 =	vld.msk [tilespmem:s15+$0x0 ss:$0x1], $0xffff;
	v1 =	vnsel vm1, $0x0, v0  }
0x31: {  	v1 =	vmin.u32 v1, $0x4E1FF;
	_ =	sdelay $0x2  }
0x32: {  	s17 =	simm.s32 $0x20;
	s14 =	sadd.s32 $0x3E80, s14;
	s16 =	sadd.s32 $0x10, s15  }
0x33: {  	s15 =	sadd.s32 $0x10, s14;
	s18 =	smov.u32 s14;
	v0 =	vld.msk [tilespmem:s16+$0x0 ss:$0x1], $0xffff;
	vm1 =	vgt.s32 v2, $0x0;
	(ifvalue) =	ssetifvalue $0x7FFFFFFF  }
.LBB2_3:
0x34: {  	[tilespmem:s18], [sflag:$0x1] =	stream.indirect_vreg.gather [hbm4b:s2+s10], $0x1, v1, vm0, $0x4038;
	[tilespmem:$0x7D00] =	vst v63  }
0x35: {  	s17 =	sadd.s32 $0x10, s17  }
0x36: {  	v2 =	vnsel vm1, $0x0, v2;
	p0 =	slt.u32 s17, $0x1F30  }
.Ltmp3:
0x37: {  	s18 =	smov.u32 s15;
	v1 =	vmin.u32 v2, $0x4E1FF;
	(pc) =	sbr.rel @p0 .LBB2_3-.Ltmp3, $3  }
0x38: {  	_ =	sdelay $0x1  }
0x39: {  	s16 =	sadd.s32 $0x10, s16  }
0x3a: {  	vm1 =	vgt.s32 v0, $0x0;
	s15 =	sadd.s32 $0x10, s15;
	v2 =	vmov v0;
	(ifvalue) =	ssetifvalue $0x7FFFFFFF;
	v0 =	vld.msk [tilespmem:s16+$0x0 ss:$0x1], $0xffff  }
.Ltmp4:
0x3b: {  	_ = 	snop;
	(pc) =	sbr.rel .LBB2_4-.Ltmp4, $1  }
0x3c: {  	_ =	sdelay $0x3  }
.LBB2_6:
0x3d: {  	_ =	sfence.sel $0x180000  }
0x3e: {  	s2 =	simm.s32 $0x2;
	[bflag:$0x0] =	sbarrier.arrive $0xFFFF  }
0x3f: {  	s30 =	simm.s32 $0x3;
	[sflag:s2] =	ssyncpa.u1 $0x1  }
0x40: {  	s31 =	simm.s32 $0x1;
	[sflag:s30] =	ssyncpa.u1 $0x1  }
0x41: {  	[sflag:s31] =	ssyncpa.u1 $0x1  }
0x42: {  	p0 =	sne.s32 s1, $0x0;
	_ =	strace $0x9000004A  }
0x43: {  	s0 =	sadd.s32 @!p0 $0x100000, s0;
	[bflag:$0x2] =	sbarrier.arrive $0xFFFF  }
0x44: {  	[sflag:s0] =	ssyncadd.tile.s32 @!p0 $0x1;
	_ =	shalt  }
.Lfunc_end2:
_tile_overlayer_lowered:
.L_overlay_start_2:
0x45: {  	(tag) =	ssettag $0x2  }
0x46: {  	s0 =	rddreg [dreg:$0x0];
	s2 =	stileid.u32  }
0x47: {  	s1 =	rddreg [dreg:$0x1];
	p0 =	sne.s32 s2, $0x0  }
0x48: {  	s3 =	rddreg [dreg:$0x2];
	[bflag:$0x3] =	sbarrier.arrive $0xFFFF;
	s2 =	simm.s32 @!p0 $0x1C01  }
0x49: {  	[timem:s3], [sflag:s2] =	dma.local @!p0 [hbm:s0], s1  }
0x4a: {  	s0 =	simm.s32 @!p0 $0x1  }
0x4b: {  	_ =	swait.ge @!p0 [sflag:s0], s1  }
0x4c: {  	s1 =	ssub.s32 @!p0 $0x0, s1;
	[sflag:s0] =	ssyncset.done @!p0 $0x0  }
0x4d: {  	[sflag:s0] =	ssyncadd.s32 @!p0 s1  }
0x4e: {  	[bflag:$0x3] =	sbarrier.arrive $0xFFFF  }
0x4f: {  	_ =	shalt  }

// kernel: kernel.10.cloned.1.call-start
scs
__scs_entry_jumppad:
0x0: {  	(pc) =	sbr.rel $0x88, $3  }
0x1: {  	(tag) =	ssettag $0x0;
	lr =	simm.s32 $0x1  }
0x2: {  	[smem:$0x3F97] =	sst lr;
	_ =	strace $0xD0000000  }
0x3: {  	_ = 	snop  }
0x4: {  	_ = 	snop  }
0x5: {  	_ = 	snop  }
0x6: {  	_ = 	snop  }
0x7: {  	_ = 	snop  }
__scs_overlays_trampoline_lowered:
0x8: {  	[smem:$0x3FA6] =	sst s0  }
0x9: {  	[smem:$0x3FA7] =	sst s1  }
0xa: {  	[smem:$0x3FA8] =	sst s2  }
0xb: {  	[smem:$0x3FA9] =	sst s3  }
0xc: {  	[smem:$0x3FAA] =	sst s4  }
0xd: {  	[smem:$0x3FAB] =	sst s5  }
0xe: {  	[smem:$0x3FAC] =	sst s6  }
0xf: {  	[smem:$0x3FAD] =	sst s7  }
0x10: {  	[smem:$0x3FAE] =	sst s8  }
0x11: {  	[smem:$0x3FAF] =	sst s9;
	s0 =	simm.s32 @!p0 $0x0  }
0x12: {  	s1 =	sld [smem:$0x3F95];
	s0 =	simm.s32 @p0 $0x1  }
0x13: {  	[smem:$0x3FB0] =	sst s0;
	s0 =	simm.s32 @!p1 $0x0  }
0x14: {  	s2 =	sld [smem:$0x3F94];
	s0 =	simm.s32 @p1 $0x1  }
0x15: {  	[smem:$0x3FB1] =	sst s0;
	s0 =	simm.s32 @!p2 $0x0  }
0x16: {  	s3 =	sld [smem:$0x3FDB];
	s0 =	simm.s32 @p2 $0x1  }
0x17: {  	s4 =	simm.s32 $0x1BF5;
	[smem:$0x3FB3] =	sst s0  }
0x18: {  	s0 =	sld [smem:$0x3F96];
	_ =	swait.ge [sflag:s4], $0x0  }
0x19: {  	s7 =	sld [smem:$0x3F97]  }
0x1a: {  	s8 =	sadd.s32 $0xFFFFE003, lr  }
0x1b: {  	s9 =	sadd.s32 $0xFFFFFEF7, lr;
	s5 =	simm.s32 $0xFFFFFFFF;
	p2 =	slt.u32 s8, $0xFFFFF086  }
0x1c: {  	p1 =	slt.u32 s9, $0xF7A;
	s5 =	simm.s32 @!p2 $0x0  }
0x1d: {  	s5 =	simm.s32 @p1 $0x1;
	p0 =	seq.s32 s7, s2  }
0x1e: {  	s7 =	smul.u32 @!p0 $0xF7A, s2;
	p2 =	seq.s32 @!p0 s5, $0x0  }
0x1f: {  	s9 =	smul.u32 $0xF7A, s1;
	s8 =	simm.s32 @!p0 $0x1BF5;
	p2 =	por !p2, p0  }
0x20: {  	[sflag:s8] =	ssyncset.s32 @!p0 $0xFFFFF086;
	s6 =	sadd.s32 @!p0 s3, s7;
	s7 =	simm.s32 @!p0 $0x108  }
0x21: {  	s3 =	sadd.s32 s3, s9;
	s6 =	sadd.s32 @!p0 $0x88, s6;
	s7 =	simm.s32 @p2 $0x1082  }
0x22: {  	[simem:s7], [sflag:s8] =	dma.local @!p0 [hbm:s6], $0xF7A  }
0x23: {  	s9 =	sor.u32 $0xD0000000, s2;
	s6 =	simm.s32 $0x108;
	_ =	swait.ge @!p0 [sflag:s8], $0x0  }
0x24: {  	s3 =	sadd.s32 $0x88, s3;
	s6 =	simm.s32 @!p1 $0x1082;
	[sflag:s4] =	ssyncset.s32 $0xFFFFF086  }
0x25: {  	[simem:s6], [sflag:s4] =	dma.local [hbm:s3], $0xF7A  }
0x26: {  	[smem:$0x3F97] =	sst s1;
	(tag) =	ssettag s2;
	_ =	strace s9  }
0x27: {  	s1 =	sld [smem:$0x3FA7]  }
0x28: {  	s2 =	sld [smem:$0x3FA8]  }
0x29: {  	s4 =	sld [smem:$0x3FAA]  }
0x2a: {  	p0 =	seq.s32 s5, $0x0;
	s5 =	sld [smem:$0x3FAB]  }
0x2b: {  	s6 =	sld [smem:$0x3FAC]  }
0x2c: {  	s7 =	sld [smem:$0x3FAD]  }
0x2d: {  	s3 =	simm.s32 $0x108;
	s8 =	sld [smem:$0x3FAE]  }
0x2e: {  	s3 =	simm.s32 @!p0 $0x1082;
	s9 =	sld [smem:$0x3FAF]  }
0x2f: {  	lr =	sadd.s32 s0, s3;
	s0 =	sld [smem:$0x3FA6]  }
0x30: {  	s3 =	sld [smem:$0x3FA9]  }
0x31: {  	[smem:$0x3FB2] =	sst s10  }
0x32: {  	s10 =	sld [smem:$0x3FB0];
	_ =	sdelay $0x3  }
0x33: {  	p0 =	seq.s32 s10, $0x1;
	s10 =	sld [smem:$0x3FB2];
	_ =	sdelay $0x3  }
0x34: {  	[smem:$0x3FB2] =	sst s10  }
0x35: {  	s10 =	sld [smem:$0x3FB1];
	_ =	sdelay $0x3  }
0x36: {  	p1 =	seq.s32 s10, $0x1;
	s10 =	sld [smem:$0x3FB2];
	_ =	sdelay $0x3  }
0x37: {  	[smem:$0x3FB2] =	sst s10  }
0x38: {  	s10 =	sld [smem:$0x3FB3]  }
0x39: {  	_ = 	snop;
	(pc) =	sbr.ind lr, $3  }
0x3a: {  	_ = 	snop  }
0x3b: {  	_ = 	snop  }
0x3c: {  	p2 =	seq.s32 s10, $0x1;
	s10 =	sld [smem:$0x3FB2]  }
0x3d: {  	_ =	shalt  }
0x3e: {  	_ =	shalt  }
0x3f: {  	_ =	shalt  }
0x40: {  	_ =	shalt  }
0x41: {  	_ =	shalt  }
0x42: {  	_ =	shalt  }
0x43: {  	_ =	shalt  }
0x44: {  	_ =	shalt  }
0x45: {  	_ =	shalt  }
0x46: {  	_ =	shalt  }
0x47: {  	_ =	shalt  }
0x48: {  	_ =	shalt  }
0x49: {  	_ =	shalt  }
0x4a: {  	_ =	shalt  }
0x4b: {  	_ =	shalt  }
0x4c: {  	_ =	shalt  }
0x4d: {  	_ =	shalt  }
0x4e: {  	_ =	shalt  }
0x4f: {  	_ =	shalt  }
0x50: {  	_ =	shalt  }
0x51: {  	_ =	shalt  }
0x52: {  	_ =	shalt  }
0x53: {  	_ =	shalt  }
0x54: {  	_ =	shalt  }
0x55: {  	_ =	shalt  }
0x56: {  	_ =	shalt  }
0x57: {  	_ =	shalt  }
0x58: {  	_ =	shalt  }
0x59: {  	_ =	shalt  }
0x5a: {  	_ =	shalt  }
0x5b: {  	_ =	shalt  }
0x5c: {  	_ =	shalt  }
0x5d: {  	_ =	shalt  }
0x5e: {  	_ =	shalt  }
0x5f: {  	_ =	shalt  }
0x60: {  	_ =	shalt  }
0x61: {  	_ =	shalt  }
0x62: {  	_ =	shalt  }
0x63: {  	_ =	shalt  }
0x64: {  	_ =	shalt  }
0x65: {  	_ =	shalt  }
0x66: {  	_ =	shalt  }
0x67: {  	_ =	shalt  }
0x68: {  	_ =	shalt  }
0x69: {  	_ =	shalt  }
0x6a: {  	_ =	shalt  }
0x6b: {  	_ =	shalt  }
0x6c: {  	_ =	shalt  }
0x6d: {  	_ =	shalt  }
0x6e: {  	_ =	shalt  }
0x6f: {  	_ =	shalt  }
0x70: {  	_ =	shalt  }
0x71: {  	_ =	shalt  }
0x72: {  	_ =	shalt  }
0x73: {  	_ =	shalt  }
0x74: {  	_ =	shalt  }
0x75: {  	_ =	shalt  }
0x76: {  	_ =	shalt  }
0x77: {  	_ =	shalt  }
0x78: {  	_ =	shalt  }
0x79: {  	_ =	shalt  }
0x7a: {  	_ =	shalt  }
0x7b: {  	_ =	shalt  }
0x7c: {  	_ =	shalt  }
0x7d: {  	_ =	shalt  }
0x7e: {  	_ =	shalt  }
0x7f: {  	_ =	shalt  }
0x80: {  	_ =	shalt  }
0x81: {  	_ =	shalt  }
0x82: {  	_ =	shalt  }
0x83: {  	_ =	shalt  }
0x84: {  	_ =	shalt  }
0x85: {  	_ =	shalt  }
0x86: {  	_ =	shalt  }
0x87: {  	_ =	shalt  }
.Lfunc_end0:
.L_simem_size_0:
called_computation.3_lowered:
.L_overlay_start_0:
0x88: {  	s2 =	sld [smem:$0x3FD9]  }
0x89: {  	s3 =	sld [smem:$0x3FFE];
	_ =	sdelay $0x1  }
0x8a: {  	s1 =	srdreg.scid  }
0x8b: {  	s0 =	sand.u32 $0x1, s1  }
0x8c: {  	s17 =	sshll.u32 s0, $0xA;
	s2 =	sadd.s32 s3, s2  }
0x8d: {  	s2 =	sadd.s32 s2, s17  }
0x8e: {  	[smem:$0x3FBE] =	sst s2  }
0x8f: {  	_ = 	snop  }
0x90: {  	s2 =	sld [smem:$0x3FD0];
	(tm) =	ssettm $0x1  }
0x91: {  	s18 =	sld [smem:$0x3FFB];
	_ =	sdelay $0x3  }
0x92: {  	_ =	strace s18  }
0x93: {  	s3 =	sld [smem:$0x3FFC];
	_ =	sdelay $0x3  }
0x94: {  	_ =	strace s3  }
0x95: {  	s3 =	sld [smem:$0x3FFD];
	_ =	sdelay $0x3  }
0x96: {  	_ =	strace s3  }
0x97: {  	_ =	strace $0x8FFFFFFF  }
0x98: {  	s19 =	sld [smem:$0x3FDB];
	_ =	sdelay $0x1  }
0x99: {  	s4 =	simm.s32 $_scs_section_size  }
0x9a: {  	s5 =	simm.s32 $_size__tile_overlayer_lowered;
	s6 =	simm.s32 $_tile_overlayer_lowered  }
0x9b: {  	s22 =	simm.s32 $0x1BFF;
	s21 =	sshll.u32 s6, $0x1;
	s3 =	sadd.s32 s4, s19  }
0x9c: {  	s7 =	simm.s32 $0x0;
	s20 =	sshll.u32 s5, $0x1;
	s5 =	sadd.s32 s21, s3  }
0x9d: {  	[timem:s7], [sflag:s22] =	dma.local [hbm:s5], s20  }
0x9e: {  	_ =	swait.ge [sflag:s22], s20  }
0x9f: {  	s4 =	ssub.s32 $0x0, s20;
	[sflag:s22] =	ssyncset.done $0x0  }
0xa0: {  	[sflag:s22] =	ssyncadd.s32 s4;
	_ =	sdelay $0x1  }
0xa1: {  	s23 =	simm.s32 $0x1B8B  }
0xa2: {  	_ =	swait.ge [sflag:s23], $0x1  }
0xa3: {  	[sflag:s23] =	ssyncset.done $0x0  }
0xa4: {  	s25 =	simm.s32 $0x1B8E;
	s24 =	sld [smem:$0x3FFE];
	[sflag:s23] =	ssyncadd.s32 $0xFFFFFFFF  }
0xa5: {  	s26 =	simm.s32 $execute0_lowered;
	[smem:$0x3FD2] =	sst s25  }
0xa6: {  	s5 =	sshll.u32 s26, $0x1;
	_ =	strace $0x8000004C;
	[dreg:$0x1] =	wrdreg $0xFFFFFFFF  }
0xa7: {  	s28 =	simm.s32 $_size_execute0_lowered;
	s3 =	sadd.s32 s3, s5;
	[dreg:$0x0] =	wrdreg $0x0  }
0xa8: {  	s5 =	sshll.u32 s28, $0x1;
	[dreg:$0x2] =	wrdreg s3  }
0xa9: {  	[dreg:$0x3] =	wrdreg s5  }
0xaa: {  	[dreg:$0x4] =	wrdreg $0xC0  }
0xab: {  	_ =	task [dreg:s7], $0x5FFFF  }
0xac: {  	[dreg:$0x1] =	wrdreg $0xFFFFFFFF  }
0xad: {  	[dreg:$0x0] =	wrdreg $0x60  }
0xae: {  	[dreg:$0x2] =	wrdreg s24  }
0xaf: {  	[dreg:$0x3] =	wrdreg s2  }
0xb0: {  	[dreg:$0x4] =	wrdreg $0x9  }
0xb1: {  	_ =	task.clear_ibuf [dreg:s7], $0x5FFFF;
	_ =	strace $0x9000004C  }
0xb2: {  	s29 =	simm.s32 $0x9;
	_ =	strace $0x8000004E  }
0xb3: {  	_ =	swait.ge [sflag:s29], $0x1  }
0xb4: {  	[sflag:s29] =	ssyncadd.s32 $0xFFFFFFFF  }
0xb5: {  	_ =	strace $0x9000004E  }
0xb6: {  	_ =	sfence  }
0xb7: {  	s30 =	sld [smem:$0x0];
	_ =	sdelay $0x2  }
0xb8: {  	s31 =	sshll.u32 s1, $0xD;
	s1 =	sshrl.u32 s1, $0x2  }
0xb9: {  	s3 =	sand.u32 $0x4000, s31;
	s1 =	sadd.s32 s1, s30  }
0xba: {  	s0 =	sor.u32 s3, s0;
	s1 =	sshll.u32 s1, $0x11  }
0xbb: {  	s0 =	sor.u32 s1, s0  }
0xbc: {  	s0 =	sadd.s32 $0x8F2B, s0  }
0xbd: {  	[sflag:s0] =	ssyncadd.remote.s32 $0x1  }
0xbe: {  	_ =	sfence.sel $0xFFFF  }
0xbf: {  	[dreg:$0x0] =	wrdreg $0xFFFFFFFF;
	(pc) =	sbr.abs _section_cstart, $3  }
0xc0: {  	[dreg:$0x1] =	wrdreg $0xFFFFFFFF  }
0xc1: {  	_ =	task.clear_ibuf [dreg:s7], $0x2FFFF;
	_ =	strace $0x9FFFFFFF  }
0xc2: {  	(tm) =	ssettm $0x7FFFFFFF  }
0xc3: {  	_ =	shalt  }
tec
execute0_lowered:
.L_overlay_start_1:
0x0: {  	(tag) =	ssettag $0x1  }
0x1: {  	s0 =	rddreg [dreg:$0x0]  }
0x2: {  	s1 =	rddreg [dreg:$0x1];
	s2 =	simm.s32 $0x0  }
0x3: {  	s3 =	srdreg.scid;
	s10 =	stileid.u32;
	s13 =	simm.s32 $0x8680  }
0x4: {  	s14 =	simm.s32 $0x8E80;
	s15 =	simm.s32 $0x9680;
	s16 =	simm.s32 $0x9E80  }
0x5: {  	s17 =	simm.s32 $0xA680;
	s18 =	simm.s32 $0xAE80;
	s19 =	simm.s32 $0xBE80  }
0x6: {  	s20 =	simm.s32 $0xC680;
	s21 =	simm.s32 $0xCE80;
	[smem:$0x7FF] =	sst s2  }
0x7: {  	s22 =	simm.s32 $0xD680;
	_ =	strace $0x8000004D;
	[dreg:$0x5] =	wrdreg s13  }
0x8: {  	s23 =	simm.s32 $0xDE80;
	s28 =	simm.s32 $0x12E80;
	[dreg:$0x6] =	wrdreg s14  }
0x9: {  	s29 =	simm.s32 $0x1;
	s30 =	simm.s32 $0x2;
	[dreg:$0x7] =	wrdreg s15  }
0xa: {  	s31 =	simm.s32 $0x0;
	s4 =	sand.u32 $0x1, s3;
	[dreg:$0x8] =	wrdreg s16  }
0xb: {  	s24 =	sshll.u32 s10, $0x1;
	s3 =	sadd.s32 $0x47C00, s0;
	[dreg:$0x9] =	wrdreg s17  }
0xc: {  	s8 =	sadd.s32 $0x18DA00, s0;
	s10 =	smul.u32 $0x365000, s10;
	[dreg:$0xa] =	wrdreg s18  }
0xd: {  	s7 =	sor.u32 s4, s24;
	s5 =	ssub.s32 $0x2, s4;
	[dreg:$0xb] =	wrdreg s19  }
0xe: {  	s11 =	smul.u32 $0x1B2800, s4;
	s13 =	simm.s32 $0x4680;
	[dreg:$0xc] =	wrdreg s20  }
0xf: {  	s14 =	simm.s32 $0x4E80;
	s15 =	simm.s32 $0x5680;
	[dreg:$0xd] =	wrdreg s21  }
0x10: {  	s16 =	simm.s32 $0x5E80;
	[dreg:$0xe] =	wrdreg s22;
	s17 =	simm.s32 $0x6680  }
0x11: {  	[dreg:$0xf] =	wrdreg s23;
	s24 =	simm.s32 $0xE680;
	s18 =	simm.s32 $0x6E80  }
0x12: {  	s19 =	simm.s32 $0x7680;
	s20 =	simm.s32 $0xB680;
	s21 =	simm.s32 $0xF680  }
0x13: {  	s22 =	simm.s32 $0x10680;
	s23 =	simm.s32 $0x10E80;
	s6 =	smul.u32 $0x3650, s7  }
0x14: {  	s9 =	sshrl.u32 s5, $0x1;
	s26 =	sadd.s32 s10, s8;
	s4 =	smul.u32 $0xD94000, s7  }
0x15: {  	s7 =	sadd.s32 $0x47F00, s0;
	s10 =	simm.s32 $0x3;
	[dreg:$0x10] =	wrdreg s24  }
0x16: {  	s24 =	simm.s32 $0x11680;
	s9 =	ssub.s32 s5, s9;
	s25 =	sshrl.u32 s6, $0x3  }
0x17: {  	s5 =	sadd.s32 $0x47D00, s0;
	s6 =	sadd.s32 $0x47E00, s0;
	s1 =	sadd.s32 s1, s25  }
0x18: {  	s12 =	sshrl.u32 s4, $0x3;
	s25 =	simm.s32 $0xEE80;
	[dreg:$0x13] =	wrdreg s1  }
0x19: {  	s9 =	smax.u32 s9, $0x1;
	s1 =	sadd.s32 s11, s26;
	[dreg:$0x11] =	wrdreg s25  }
0x1a: {  	s11 =	simm.s32 $0x7E80;
	s26 =	simm.s32 $0xFE80;
	[dreg:$0x3] =	wrdreg s1  }
0x1b: {  	v2 =	vlaneseq.u32;
	s25 =	simm.s32 $0x11E80;
	[dreg:$0x4] =	wrdreg s11;
	s1 =	sadd.s32 s8, s12  }
0x1c: {  	vm0 =	vmmov $0xffff;
	v1 =	vshrl.u32 v2, $0x3;
	s11 =	simm.s32 $0x3680;
	[dreg:$0x12] =	wrdreg s26;
	s1 =	sadd.s32 $0x1B2000, s1  }
0x1d: {  	v0 =	vand.u32 $0x7, v2;
	v2 =	vor.u32 $0x8, v2;
	v1 =	vmul.u32 $0x8, v1;
	s12 =	simm.s32 $0x3E80;
	s26 =	simm.s32 $0x12680;
	[dreg:$0x14] =	wrdreg s1  }
.LBB2_1:
0x1e: {  	s0 =	rddreg [dreg:$0x13]  }
0x1f: {  	[tilespmem:s2], [sflag:$0x3] =	stream.linear.gather [hbm4b:s0+s2], $0x3650, $0x38;
	[tilespmem:$0x13680] =	vst v63  }
0x20: {  	_ =	swait.ge [sflag:s10], $0x3650  }
0x21: {  	[sflag:s10] =	ssyncset.done $0x0  }
0x22: {  	s1 =	simm.s32 $0x0;
	s0 =	simm.s32 $0x20;
	[sflag:s10] =	ssyncadd.s32 $0xFFFFC9B0  }
.LBB2_2:
0x23: {  	v3 =	vld [tilespmem:s0+$0xFFFFFFE0];
	_ =	sdelay $0x4  }
0x24: {  	v4 =	vshll.u32 v3, $0x3  }
0x25: {  	v3 =	vand.u32 $0x7, v3;
	v4 =	vand.u32 $0xFFFFFFC0, v4  }
0x26: {  	v3 =	vor.u32 v3, v4  }
0x27: {  	v4 =	vperm.xlane v3, v0;
	_ =	sdelay $0x1  }
0x28: {  	v4 =	vadd.s32 v1, v4;
	_ =	sdelay $0x4  }
0x29: {  	[tilespmem:s11], [sflag:$0x1] =	stream.indirect_vreg.gather [hbm4b:s3+s2], $0x80, v4, vm0, $0xb8;
	[tilespmem:$0x13680] =	vst v63  }
0x2a: {  	v3 =	vperm.xlane v3, v2  }
0x2b: {  	[tilespmem:s12], [sflag:$0x1] =	stream.indirect_vreg.gather [hbm4b:s5+s2], $0x80, v4, vm0, $0xb8;
	[tilespmem:$0x13680] =	vst v63  }
0x2c: {  	v3 =	vadd.s32 v1, v3  }
0x2d: {  	[tilespmem:s13], [sflag:$0x1] =	stream.indirect_vreg.gather [hbm4b:s6+s2], $0x80, v4, vm0, $0xb8;
	[tilespmem:$0x13680] =	vst v63  }
0x2e: {  	_ = 	snop  }
0x2f: {  	[tilespmem:s14], [sflag:$0x1] =	stream.indirect_vreg.gather [hbm4b:s7+s2], $0x80, v4, vm0, $0xb8;
	[tilespmem:$0x13680] =	vst v63  }
0x30: {  	_ = 	snop  }
0x31: {  	[tilespmem:s15], [sflag:$0x1] =	stream.indirect_vreg.gather [hbm4b:s3+s2], $0x80, v3, vm0, $0xb8;
	[tilespmem:$0x13680] =	vst v63  }
0x32: {  	_ = 	snop  }
0x33: {  	[tilespmem:s16], [sflag:$0x1] =	stream.indirect_vreg.gather [hbm4b:s5+s2], $0x80, v3, vm0, $0xb8;
	[tilespmem:$0x13680] =	vst v63  }
0x34: {  	_ = 	snop  }
0x35: {  	[tilespmem:s17], [sflag:$0x1] =	stream.indirect_vreg.gather [hbm4b:s6+s2], $0x80, v3, vm0, $0xb8;
	[tilespmem:$0x13680] =	vst v63  }
0x36: {  	_ = 	snop  }
0x37: {  	[tilespmem:s18], [sflag:$0x1] =	stream.indirect_vreg.gather [hbm4b:s7+s2], $0x80, v3, vm0, $0xb8;
	[tilespmem:$0x13680] =	vst v63  }
0x38: {  	v3 =	vld [tilespmem:s0+$0xFFFFFFF0];
	_ =	sdelay $0x4  }
0x39: {  	v61 =	vshll.u32 v3, $0x3  }
0x3a: {  	v3 =	vand.u32 $0x7, v3;
	v4 =	vand.u32 $0xFFFFFFC0, v61  }
0x3b: {  	v3 =	vor.u32 v3, v4  }
0x3c: {  	v4 =	vperm.xlane v3, v0;
	_ =	sdelay $0x1  }
0x3d: {  	v4 =	vadd.s32 v1, v4;
	_ =	sdelay $0x4  }
0x3e: {  	[tilespmem:s19], [sflag:$0x1] =	stream.indirect_vreg.gather [hbm4b:s3+s2], $0x80, v4, vm0, $0xb8;
	[tilespmem:$0x13680] =	vst v63  }
0x3f: {  	s4 =	rddreg [dreg:$0x4];
	v3 =	vperm.xlane v3, v2  }
0x40: {  	[tilespmem:s4], [sflag:$0x1] =	stream.indirect_vreg.gather [hbm4b:s5+s2], $0x80, v4, vm0, $0xb8;
	[tilespmem:$0x13680] =	vst v63  }
0x41: {  	s8 =	rddreg [dreg:$0x5];
	v3 =	vadd.s32 v1, v3  }
0x42: {  	[tilespmem:s8], [sflag:$0x1] =	stream.indirect_vreg.gather [hbm4b:s6+s2], $0x80, v4, vm0, $0xb8;
	[tilespmem:$0x13680] =	vst v63  }
0x43: {  	s4 =	rddreg [dreg:$0x6]  }
0x44: {  	[tilespmem:s4], [sflag:$0x1] =	stream.indirect_vreg.gather [hbm4b:s7+s2], $0x80, v4, vm0, $0xb8;
	[tilespmem:$0x13680] =	vst v63  }
0x45: {  	s8 =	rddreg [dreg:$0x7]  }
0x46: {  	[tilespmem:s8], [sflag:$0x1] =	stream.indirect_vreg.gather [hbm4b:s3+s2], $0x80, v3, vm0, $0xb8;
	[tilespmem:$0x13680] =	vst v63  }
0x47: {  	s4 =	rddreg [dreg:$0x8]  }
0x48: {  	[tilespmem:s4], [sflag:$0x1] =	stream.indirect_vreg.gather [hbm4b:s5+s2], $0x80, v3, vm0, $0xb8;
	[tilespmem:$0x13680] =	vst v63  }
0x49: {  	s8 =	rddreg [dreg:$0x9]  }
0x4a: {  	[tilespmem:s8], [sflag:$0x1] =	stream.indirect_vreg.gather [hbm4b:s6+s2], $0x80, v3, vm0, $0xb8;
	[tilespmem:$0x13680] =	vst v63  }
0x4b: {  	s4 =	rddreg [dreg:$0xa]  }
0x4c: {  	[tilespmem:s4], [sflag:$0x1] =	stream.indirect_vreg.gather [hbm4b:s7+s2], $0x80, v3, vm0, $0xb8;
	[tilespmem:$0x13680] =	vst v63  }
0x4d: {  	v3 =	vld [tilespmem:s0+$0x0];
	_ =	sdelay $0x4  }
0x4e: {  	v62 =	vshll.u32 v3, $0x3  }
0x4f: {  	v3 =	vand.u32 $0x7, v3;
	v4 =	vand.u32 $0xFFFFFFC0, v62  }
0x50: {  	v3 =	vor.u32 v3, v4  }
0x51: {  	v4 =	vperm.xlane v3, v0;
	_ =	sdelay $0x1  }
0x52: {  	v4 =	vadd.s32 v1, v4;
	_ =	sdelay $0x4  }
0x53: {  	[tilespmem:s20], [sflag:$0x1] =	stream.indirect_vreg.gather [hbm4b:s3+s2], $0x80, v4, vm0, $0xb8;
	[tilespmem:$0x13680] =	vst v63  }
0x54: {  	s4 =	rddreg [dreg:$0xb];
	v3 =	vperm.xlane v3, v2  }
0x55: {  	[tilespmem:s4], [sflag:$0x1] =	stream.indirect_vreg.gather [hbm4b:s5+s2], $0x80, v4, vm0, $0xb8;
	[tilespmem:$0x13680] =	vst v63  }
0x56: {  	s8 =	rddreg [dreg:$0xc];
	v3 =	vadd.s32 v1, v3  }
0x57: {  	[tilespmem:s8], [sflag:$0x1] =	stream.indirect_vreg.gather [hbm4b:s6+s2], $0x80, v4, vm0, $0xb8;
	[tilespmem:$0x13680] =	vst v63  }
0x58: {  	s4 =	rddreg [dreg:$0xd]  }
0x59: {  	[tilespmem:s4], [sflag:$0x1] =	stream.indirect_vreg.gather [hbm4b:s7+s2], $0x80, v4, vm0, $0xb8;
	[tilespmem:$0x13680] =	vst v63  }
0x5a: {  	s8 =	rddreg [dreg:$0xe]  }
0x5b: {  	[tilespmem:s8], [sflag:$0x1] =	stream.indirect_vreg.gather [hbm4b:s3+s2], $0x80, v3, vm0, $0xb8;
	[tilespmem:$0x13680] =	vst v63  }
0x5c: {  	s4 =	rddreg [dreg:$0xf]  }
0x5d: {  	[tilespmem:s4], [sflag:$0x1] =	stream.indirect_vreg.gather [hbm4b:s5+s2], $0x80, v3, vm0, $0xb8;
	[tilespmem:$0x13680] =	vst v63  }
0x5e: {  	s8 =	rddreg [dreg:$0x10]  }
0x5f: {  	[tilespmem:s8], [sflag:$0x1] =	stream.indirect_vreg.gather [hbm4b:s6+s2], $0x80, v3, vm0, $0xb8;
	[tilespmem:$0x13680] =	vst v63  }
0x60: {  	s4 =	rddreg [dreg:$0x11]  }
0x61: {  	[tilespmem:s4], [sflag:$0x1] =	stream.indirect_vreg.gather [hbm4b:s7+s2], $0x80, v3, vm0, $0xb8;
	[tilespmem:$0x13680] =	vst v63  }
0x62: {  	v3 =	vld [tilespmem:s0+$0x10];
	_ =	sdelay $0x4  }
0x63: {  	v63 =	vshll.u32 v3, $0x3  }
0x64: {  	v3 =	vand.u32 $0x7, v3;
	v4 =	vand.u32 $0xFFFFFFC0, v63  }
0x65: {  	v3 =	vor.u32 v3, v4  }
0x66: {  	v4 =	vperm.xlane v3, v0;
	_ =	sdelay $0x1  }
0x67: {  	v4 =	vadd.s32 v1, v4;
	_ =	sdelay $0x4  }
0x68: {  	[tilespmem:s21], [sflag:$0x1] =	stream.indirect_vreg.gather [hbm4b:s3+s2], $0x80, v4, vm0, $0xb8;
	[tilespmem:$0x13680] =	vst v63  }
0x69: {  	s8 =	rddreg [dreg:$0x12];
	v3 =	vperm.xlane v3, v2  }
0x6a: {  	[tilespmem:s8], [sflag:$0x1] =	stream.indirect_vreg.gather [hbm4b:s5+s2], $0x80, v4, vm0, $0xb8;
	[tilespmem:$0x13680] =	vst v63  }
0x6b: {  	v3 =	vadd.s32 v1, v3  }
0x6c: {  	[tilespmem:s22], [sflag:$0x1] =	stream.indirect_vreg.gather [hbm4b:s6+s2], $0x80, v4, vm0, $0xb8;
	[tilespmem:$0x13680] =	vst v63  }
0x6d: {  	_ = 	snop  }
0x6e: {  	[tilespmem:s23], [sflag:$0x1] =	stream.indirect_vreg.gather [hbm4b:s7+s2], $0x80, v4, vm0, $0xb8;
	[tilespmem:$0x13680] =	vst v63  }
0x6f: {  	_ = 	snop  }
0x70: {  	[tilespmem:s24], [sflag:$0x1] =	stream.indirect_vreg.gather [hbm4b:s3+s2], $0x80, v3, vm0, $0xb8;
	[tilespmem:$0x13680] =	vst v63  }
0x71: {  	_ = 	snop  }
0x72: {  	[tilespmem:s25], [sflag:$0x1] =	stream.indirect_vreg.gather [hbm4b:s5+s2], $0x80, v3, vm0, $0xb8;
	[tilespmem:$0x13680] =	vst v63  }
0x73: {  	_ = 	snop  }
0x74: {  	[tilespmem:s26], [sflag:$0x1] =	stream.indirect_vreg.gather [hbm4b:s6+s2], $0x80, v3, vm0, $0xb8;
	[tilespmem:$0x13680] =	vst v63  }
0x75: {  	_ = 	snop  }
0x76: {  	[tilespmem:s28], [sflag:$0x1] =	stream.indirect_vreg.gather [hbm4b:s7+s2], $0x80, v3, vm0, $0xb8;
	[tilespmem:$0x13680] =	vst v63  }
0x77: {  	_ =	swait.ge [sflag:s29], $0x4000  }
0x78: {  	s8 =	rddreg [dreg:$0x3];
	[sflag:s29] =	ssyncset.done $0x0  }
0x79: {  	[sflag:s29] =	ssyncadd.s32 $0xFFFFC000;
	s4 =	sadd.s32 s1, s8  }
0x7a: {  	[hbm4b:s4+s2] =	stream.linear.scatter [tilespmem:s11], [sflag:$0x2], $0x4000, $0x38;
	[tilespmem:$0x13680] =	vst v63  }
0x7b: {  	_ =	swait.ge [sflag:s29], $0x4000  }
0x7c: {  	[sflag:s29] =	ssyncset.done $0x0  }
0x7d: {  	s8 =	sadd.s32 $0x800, s4;
	[sflag:s29] =	ssyncadd.s32 $0xFFFFC000  }
0x7e: {  	[hbm4b:s8+s2] =	stream.linear.scatter [tilespmem:s19], [sflag:$0x2], $0x4000, $0x38;
	[tilespmem:$0x13680] =	vst v63  }
0x7f: {  	_ =	swait.ge [sflag:s29], $0x4000  }
0x80: {  	[sflag:s29] =	ssyncset.done $0x0  }
0x81: {  	s8 =	sadd.s32 $0x1000, s4;
	[sflag:s29] =	ssyncadd.s32 $0xFFFFC000  }
0x82: {  	[hbm4b:s8+s2] =	stream.linear.scatter [tilespmem:s20], [sflag:$0x2], $0x4000, $0x38;
	[tilespmem:$0x13680] =	vst v63  }
0x83: {  	_ =	swait.ge [sflag:s29], $0x4000  }
0x84: {  	[sflag:s29] =	ssyncset.done $0x0  }
0x85: {  	s4 =	sadd.s32 $0x1800, s4;
	[sflag:s29] =	ssyncadd.s32 $0xFFFFC000  }
0x86: {  	[hbm4b:s4+s2] =	stream.linear.scatter [tilespmem:s21], [sflag:$0x2], $0x4000, $0x38;
	[tilespmem:$0x13680] =	vst v63  }
0x87: {  	_ =	swait.ge [sflag:s30], $0x4000  }
0x88: {  	[sflag:s30] =	ssyncset.done $0x0  }
0x89: {  	[sflag:s30] =	ssyncadd.s32 $0xFFFFC000  }
0x8a: {  	_ =	swait.ge [sflag:s30], $0x4000  }
0x8b: {  	[sflag:s30] =	ssyncset.done $0x0  }
0x8c: {  	[sflag:s30] =	ssyncadd.s32 $0xFFFFC000  }
0x8d: {  	p0 =	sne.s32 s1, $0x1B0000;
	_ =	swait.ge [sflag:s30], $0x4000  }
.Ltmp0:
0x8e: {  	[sflag:s30] =	ssyncset.done $0x0;
	(pc) =	sbr.rel @p0 .LBB2_2-.Ltmp0, $4  }
0x8f: {  	[sflag:s30] =	ssyncadd.s32 $0xFFFFC000  }
0x90: {  	_ =	swait.ge [sflag:s30], $0x4000  }
0x91: {  	[sflag:s30] =	ssyncset.done $0x0  }
0x92: {  	s0 =	sadd.s32 $0x40, s0;
	s1 =	sadd.s32 $0x2000, s1;
	[sflag:s30] =	ssyncadd.s32 $0xFFFFC000  }
0x93: {  	v3 =	vld [tilespmem:$0x3640];
	_ =	sdelay $0x4  }
0x94: {  	v4 =	vshll.u32 v3, $0x3  }
0x95: {  	v3 =	vand.u32 $0x7, v3;
	v4 =	vand.u32 $0xFFFFFFC0, v4  }
0x96: {  	v3 =	vor.u32 v3, v4  }
0x97: {  	v4 =	vperm.xlane v3, v0;
	_ =	sdelay $0x1  }
0x98: {  	v4 =	vadd.s32 v1, v4;
	_ =	sdelay $0x4  }
0x99: {  	[tilespmem:s11], [sflag:$0x1] =	stream.indirect_vreg.gather [hbm4b:s3+s2], $0x80, v4, vm0, $0xb8;
	[tilespmem:$0x13680] =	vst v63  }
0x9a: {  	v3 =	vperm.xlane v3, v2  }
0x9b: {  	[tilespmem:s12], [sflag:$0x1] =	stream.indirect_vreg.gather [hbm4b:s5+s2], $0x80, v4, vm0, $0xb8;
	[tilespmem:$0x13680] =	vst v63  }
0x9c: {  	v3 =	vadd.s32 v1, v3  }
0x9d: {  	[tilespmem:s13], [sflag:$0x1] =	stream.indirect_vreg.gather [hbm4b:s6+s2], $0x80, v4, vm0, $0xb8;
	[tilespmem:$0x13680] =	vst v63  }
0x9e: {  	_ = 	snop  }
0x9f: {  	[tilespmem:s14], [sflag:$0x1] =	stream.indirect_vreg.gather [hbm4b:s7+s2], $0x80, v4, vm0, $0xb8;
	[tilespmem:$0x13680] =	vst v63  }
0xa0: {  	_ = 	snop  }
0xa1: {  	[tilespmem:s15], [sflag:$0x1] =	stream.indirect_vreg.gather [hbm4b:s3+s2], $0x80, v3, vm0, $0xb8;
	[tilespmem:$0x13680] =	vst v63  }
0xa2: {  	_ = 	snop  }
0xa3: {  	[tilespmem:s16], [sflag:$0x1] =	stream.indirect_vreg.gather [hbm4b:s5+s2], $0x80, v3, vm0, $0xb8;
	[tilespmem:$0x13680] =	vst v63  }
0xa4: {  	_ = 	snop  }
0xa5: {  	[tilespmem:s17], [sflag:$0x1] =	stream.indirect_vreg.gather [hbm4b:s6+s2], $0x80, v3, vm0, $0xb8;
	[tilespmem:$0x13680] =	vst v63  }
0xa6: {  	_ = 	snop  }
0xa7: {  	[tilespmem:s18], [sflag:$0x1] =	stream.indirect_vreg.gather [hbm4b:s7+s2], $0x80, v3, vm0, $0xb8;
	[tilespmem:$0x13680] =	vst v63  }
0xa8: {  	s31 =	sadd.s32 $0x1, s31;
	_ =	swait.ge [sflag:s29], $0x4000  }
0xa9: {  	p0 =	sne.s32 s31, s9;
	[sflag:s29] =	ssyncset.done $0x0  }
.Ltmp1:
0xaa: {  	s0 =	rddreg [dreg:$0x14];
	[sflag:s29] =	ssyncadd.s32 $0xFFFFC000;
	(pc) =	sbr.rel @p0 .LBB2_1-.Ltmp1, $4  }
0xab: {  	[hbm4b:s0+s2] =	stream.linear.scatter [tilespmem:s11], [sflag:$0x2], $0x4000, $0x38;
	[tilespmem:$0x13680] =	vst v63  }
0xac: {  	_ =	swait.ge [sflag:s30], $0x4000  }
0xad: {  	[sflag:s30] =	ssyncset.done $0x0  }
0xae: {  	[sflag:s30] =	ssyncadd.s32 $0xFFFFC000  }
0xaf: {  	_ =	sfence.sel $0x180000  }
0xb0: {  	[bflag:$0x0] =	sbarrier.arrive $0xFFFF  }
0xb1: {  	_ =	strace $0x9000004D  }
0xb2: {  	s0 =	stileid.u32;
	[bflag:$0x2] =	sbarrier.arrive $0xFFFF  }
0xb3: {  	p0 =	sne.s32 s0, $0x0;
	s0 =	rddreg [dreg:$0x2]  }
0xb4: {  	s0 =	sadd.s32 @!p0 $0x100000, s0  }
0xb5: {  	[sflag:s0] =	ssyncadd.tile.s32 @!p0 $0x1;
	_ =	shalt  }
.Lfunc_end2:
_tile_overlayer_lowered:
.L_overlay_start_2:
0xb6: {  	(tag) =	ssettag $0x2  }
0xb7: {  	s0 =	rddreg [dreg:$0x0];
	s2 =	stileid.u32  }
0xb8: {  	s1 =	rddreg [dreg:$0x1];
	p0 =	sne.s32 s2, $0x0  }
0xb9: {  	s3 =	rddreg [dreg:$0x2];
	[bflag:$0x3] =	sbarrier.arrive $0xFFFF;
	s2 =	simm.s32 @!p0 $0x1C03  }
0xba: {  	[timem:s3], [sflag:s2] =	dma.local @!p0 [hbm:s0], s1  }
0xbb: {  	s0 =	simm.s32 @!p0 $0x3  }
0xbc: {  	_ =	swait.ge @!p0 [sflag:s0], s1  }
0xbd: {  	s1 =	ssub.s32 @!p0 $0x0, s1;
	[sflag:s0] =	ssyncset.done @!p0 $0x0  }
0xbe: {  	[sflag:s0] =	ssyncadd.s32 @!p0 s1  }
0xbf: {  	[bflag:$0x3] =	sbarrier.arrive $0xFFFF  }
0xc0: {  	_ =	shalt  }

// kernel: kernel.13.cloned.1.call-start
scs
__scs_entry_jumppad:
0x0: {  	(pc) =	sbr.rel $0x88, $3  }
0x1: {  	(tag) =	ssettag $0x0;
	lr =	simm.s32 $0x1  }
0x2: {  	[smem:$0x3F97] =	sst lr;
	_ =	strace $0xD0000000  }
0x3: {  	_ = 	snop  }
0x4: {  	_ = 	snop  }
0x5: {  	_ = 	snop  }
0x6: {  	_ = 	snop  }
0x7: {  	_ = 	snop  }
__scs_overlays_trampoline_lowered:
0x8: {  	[smem:$0x3FA6] =	sst s0  }
0x9: {  	[smem:$0x3FA7] =	sst s1  }
0xa: {  	[smem:$0x3FA8] =	sst s2  }
0xb: {  	[smem:$0x3FA9] =	sst s3  }
0xc: {  	[smem:$0x3FAA] =	sst s4  }
0xd: {  	[smem:$0x3FAB] =	sst s5  }
0xe: {  	[smem:$0x3FAC] =	sst s6  }
0xf: {  	[smem:$0x3FAD] =	sst s7  }
0x10: {  	[smem:$0x3FAE] =	sst s8  }
0x11: {  	[smem:$0x3FAF] =	sst s9;
	s0 =	simm.s32 @!p0 $0x0  }
0x12: {  	s1 =	sld [smem:$0x3F95];
	s0 =	simm.s32 @p0 $0x1  }
0x13: {  	[smem:$0x3FB0] =	sst s0;
	s0 =	simm.s32 @!p1 $0x0  }
0x14: {  	s2 =	sld [smem:$0x3F94];
	s0 =	simm.s32 @p1 $0x1  }
0x15: {  	[smem:$0x3FB1] =	sst s0;
	s0 =	simm.s32 @!p2 $0x0  }
0x16: {  	s3 =	sld [smem:$0x3FDB];
	s0 =	simm.s32 @p2 $0x1  }
0x17: {  	s4 =	simm.s32 $0x1BF5;
	[smem:$0x3FB3] =	sst s0  }
0x18: {  	s0 =	sld [smem:$0x3F96];
	_ =	swait.ge [sflag:s4], $0x0  }
0x19: {  	s7 =	sld [smem:$0x3F97]  }
0x1a: {  	s8 =	sadd.s32 $0xFFFFE003, lr  }
0x1b: {  	s9 =	sadd.s32 $0xFFFFFEF7, lr;
	s5 =	simm.s32 $0xFFFFFFFF;
	p2 =	slt.u32 s8, $0xFFFFF086  }
0x1c: {  	p1 =	slt.u32 s9, $0xF7A;
	s5 =	simm.s32 @!p2 $0x0  }
0x1d: {  	s5 =	simm.s32 @p1 $0x1;
	p0 =	seq.s32 s7, s2  }
0x1e: {  	s7 =	smul.u32 @!p0 $0xF7A, s2;
	p2 =	seq.s32 @!p0 s5, $0x0  }
0x1f: {  	s9 =	smul.u32 $0xF7A, s1;
	s8 =	simm.s32 @!p0 $0x1BF5;
	p2 =	por !p2, p0  }
0x20: {  	[sflag:s8] =	ssyncset.s32 @!p0 $0xFFFFF086;
	s6 =	sadd.s32 @!p0 s3, s7;
	s7 =	simm.s32 @!p0 $0x108  }
0x21: {  	s3 =	sadd.s32 s3, s9;
	s6 =	sadd.s32 @!p0 $0x88, s6;
	s7 =	simm.s32 @p2 $0x1082  }
0x22: {  	[simem:s7], [sflag:s8] =	dma.local @!p0 [hbm:s6], $0xF7A  }
0x23: {  	s9 =	sor.u32 $0xD0000000, s2;
	s6 =	simm.s32 $0x108;
	_ =	swait.ge @!p0 [sflag:s8], $0x0  }
0x24: {  	s3 =	sadd.s32 $0x88, s3;
	s6 =	simm.s32 @!p1 $0x1082;
	[sflag:s4] =	ssyncset.s32 $0xFFFFF086  }
0x25: {  	[simem:s6], [sflag:s4] =	dma.local [hbm:s3], $0xF7A  }
0x26: {  	[smem:$0x3F97] =	sst s1;
	(tag) =	ssettag s2;
	_ =	strace s9  }
0x27: {  	s1 =	sld [smem:$0x3FA7]  }
0x28: {  	s2 =	sld [smem:$0x3FA8]  }
0x29: {  	s4 =	sld [smem:$0x3FAA]  }
0x2a: {  	p0 =	seq.s32 s5, $0x0;
	s5 =	sld [smem:$0x3FAB]  }
0x2b: {  	s6 =	sld [smem:$0x3FAC]  }
0x2c: {  	s7 =	sld [smem:$0x3FAD]  }
0x2d: {  	s3 =	simm.s32 $0x108;
	s8 =	sld [smem:$0x3FAE]  }
0x2e: {  	s3 =	simm.s32 @!p0 $0x1082;
	s9 =	sld [smem:$0x3FAF]  }
0x2f: {  	lr =	sadd.s32 s0, s3;
	s0 =	sld [smem:$0x3FA6]  }
0x30: {  	s3 =	sld [smem:$0x3FA9]  }
0x31: {  	[smem:$0x3FB2] =	sst s10  }
0x32: {  	s10 =	sld [smem:$0x3FB0];
	_ =	sdelay $0x3  }
0x33: {  	p0 =	seq.s32 s10, $0x1;
	s10 =	sld [smem:$0x3FB2];
	_ =	sdelay $0x3  }
0x34: {  	[smem:$0x3FB2] =	sst s10  }
0x35: {  	s10 =	sld [smem:$0x3FB1];
	_ =	sdelay $0x3  }
0x36: {  	p1 =	seq.s32 s10, $0x1;
	s10 =	sld [smem:$0x3FB2];
	_ =	sdelay $0x3  }
0x37: {  	[smem:$0x3FB2] =	sst s10  }
0x38: {  	s10 =	sld [smem:$0x3FB3]  }
0x39: {  	_ = 	snop;
	(pc) =	sbr.ind lr, $3  }
0x3a: {  	_ = 	snop  }
0x3b: {  	_ = 	snop  }
0x3c: {  	p2 =	seq.s32 s10, $0x1;
	s10 =	sld [smem:$0x3FB2]  }
0x3d: {  	_ =	shalt  }
0x3e: {  	_ =	shalt  }
0x3f: {  	_ =	shalt  }
0x40: {  	_ =	shalt  }
0x41: {  	_ =	shalt  }
0x42: {  	_ =	shalt  }
0x43: {  	_ =	shalt  }
0x44: {  	_ =	shalt  }
0x45: {  	_ =	shalt  }
0x46: {  	_ =	shalt  }
0x47: {  	_ =	shalt  }
0x48: {  	_ =	shalt  }
0x49: {  	_ =	shalt  }
0x4a: {  	_ =	shalt  }
0x4b: {  	_ =	shalt  }
0x4c: {  	_ =	shalt  }
0x4d: {  	_ =	shalt  }
0x4e: {  	_ =	shalt  }
0x4f: {  	_ =	shalt  }
0x50: {  	_ =	shalt  }
0x51: {  	_ =	shalt  }
0x52: {  	_ =	shalt  }
0x53: {  	_ =	shalt  }
0x54: {  	_ =	shalt  }
0x55: {  	_ =	shalt  }
0x56: {  	_ =	shalt  }
0x57: {  	_ =	shalt  }
0x58: {  	_ =	shalt  }
0x59: {  	_ =	shalt  }
0x5a: {  	_ =	shalt  }
0x5b: {  	_ =	shalt  }
0x5c: {  	_ =	shalt  }
0x5d: {  	_ =	shalt  }
0x5e: {  	_ =	shalt  }
0x5f: {  	_ =	shalt  }
0x60: {  	_ =	shalt  }
0x61: {  	_ =	shalt  }
0x62: {  	_ =	shalt  }
0x63: {  	_ =	shalt  }
0x64: {  	_ =	shalt  }
0x65: {  	_ =	shalt  }
0x66: {  	_ =	shalt  }
0x67: {  	_ =	shalt  }
0x68: {  	_ =	shalt  }
0x69: {  	_ =	shalt  }
0x6a: {  	_ =	shalt  }
0x6b: {  	_ =	shalt  }
0x6c: {  	_ =	shalt  }
0x6d: {  	_ =	shalt  }
0x6e: {  	_ =	shalt  }
0x6f: {  	_ =	shalt  }
0x70: {  	_ =	shalt  }
0x71: {  	_ =	shalt  }
0x72: {  	_ =	shalt  }
0x73: {  	_ =	shalt  }
0x74: {  	_ =	shalt  }
0x75: {  	_ =	shalt  }
0x76: {  	_ =	shalt  }
0x77: {  	_ =	shalt  }
0x78: {  	_ =	shalt  }
0x79: {  	_ =	shalt  }
0x7a: {  	_ =	shalt  }
0x7b: {  	_ =	shalt  }
0x7c: {  	_ =	shalt  }
0x7d: {  	_ =	shalt  }
0x7e: {  	_ =	shalt  }
0x7f: {  	_ =	shalt  }
0x80: {  	_ =	shalt  }
0x81: {  	_ =	shalt  }
0x82: {  	_ =	shalt  }
0x83: {  	_ =	shalt  }
0x84: {  	_ =	shalt  }
0x85: {  	_ =	shalt  }
0x86: {  	_ =	shalt  }
0x87: {  	_ =	shalt  }
.Lfunc_end0:
.L_simem_size_0:
called_computation.4_lowered:
.L_overlay_start_0:
0x88: {  	s2 =	sld [smem:$0x3FD9]  }
0x89: {  	s3 =	sld [smem:$0x3FFE];
	_ =	sdelay $0x1  }
0x8a: {  	s1 =	srdreg.scid  }
0x8b: {  	s0 =	sand.u32 $0x1, s1  }
0x8c: {  	s17 =	sshll.u32 s0, $0xA;
	s2 =	sadd.s32 s3, s2  }
0x8d: {  	s2 =	sadd.s32 s2, s17  }
0x8e: {  	[smem:$0x3FBE] =	sst s2  }
0x8f: {  	_ = 	snop  }
0x90: {  	s2 =	sld [smem:$0x3FD0];
	(tm) =	ssettm $0x1  }
0x91: {  	s18 =	sld [smem:$0x3FFB];
	_ =	sdelay $0x3  }
0x92: {  	_ =	strace s18  }
0x93: {  	s3 =	sld [smem:$0x3FFC];
	_ =	sdelay $0x3  }
0x94: {  	_ =	strace s3  }
0x95: {  	s3 =	sld [smem:$0x3FFD];
	_ =	sdelay $0x3  }
0x96: {  	_ =	strace s3  }
0x97: {  	_ =	strace $0x8FFFFFFF  }
0x98: {  	s19 =	sld [smem:$0x3FDB];
	_ =	sdelay $0x1  }
0x99: {  	s4 =	simm.s32 $_scs_section_size  }
0x9a: {  	s5 =	simm.s32 $_size__tile_overlayer_lowered;
	s6 =	simm.s32 $_tile_overlayer_lowered  }
0x9b: {  	s22 =	simm.s32 $0x1BFF;
	s21 =	sshll.u32 s6, $0x1;
	s3 =	sadd.s32 s4, s19  }
0x9c: {  	s7 =	simm.s32 $0x0;
	s20 =	sshll.u32 s5, $0x1;
	s5 =	sadd.s32 s21, s3  }
0x9d: {  	[timem:s7], [sflag:s22] =	dma.local [hbm:s5], s20  }
0x9e: {  	_ =	swait.ge [sflag:s22], s20  }
0x9f: {  	s4 =	ssub.s32 $0x0, s20;
	[sflag:s22] =	ssyncset.done $0x0  }
0xa0: {  	[sflag:s22] =	ssyncadd.s32 s4;
	_ =	sdelay $0x1  }
0xa1: {  	s23 =	simm.s32 $0x1B8B  }
0xa2: {  	_ =	swait.ge [sflag:s23], $0x1  }
0xa3: {  	[sflag:s23] =	ssyncset.done $0x0  }
0xa4: {  	s25 =	simm.s32 $0x1B8E;
	s24 =	sld [smem:$0x3FFE];
	[sflag:s23] =	ssyncadd.s32 $0xFFFFFFFF  }
0xa5: {  	s26 =	simm.s32 $execute0_lowered;
	[smem:$0x3FD2] =	sst s25  }
0xa6: {  	s5 =	sshll.u32 s26, $0x1;
	_ =	strace $0x80000052;
	[dreg:$0x1] =	wrdreg $0xFFFFFFFF  }
0xa7: {  	s28 =	simm.s32 $_size_execute0_lowered;
	s3 =	sadd.s32 s3, s5;
	[dreg:$0x0] =	wrdreg $0x0  }
0xa8: {  	s5 =	sshll.u32 s28, $0x1;
	[dreg:$0x2] =	wrdreg s3  }
0xa9: {  	[dreg:$0x3] =	wrdreg s5  }
0xaa: {  	[dreg:$0x4] =	wrdreg $0xC0  }
0xab: {  	_ =	task [dreg:s7], $0x5FFFF  }
0xac: {  	[dreg:$0x1] =	wrdreg $0xFFFFFFFF  }
0xad: {  	[dreg:$0x0] =	wrdreg $0x60  }
0xae: {  	[dreg:$0x2] =	wrdreg s24  }
0xaf: {  	[dreg:$0x3] =	wrdreg s2  }
0xb0: {  	[dreg:$0x4] =	wrdreg $0x9  }
0xb1: {  	_ =	task.clear_ibuf [dreg:s7], $0x5FFFF;
	_ =	strace $0x90000052  }
0xb2: {  	s29 =	simm.s32 $0x9;
	_ =	strace $0x80000054  }
0xb3: {  	_ =	swait.ge [sflag:s29], $0x1  }
0xb4: {  	[sflag:s29] =	ssyncadd.s32 $0xFFFFFFFF  }
0xb5: {  	_ =	strace $0x90000054  }
0xb6: {  	_ =	sfence  }
0xb7: {  	s30 =	sld [smem:$0x0];
	_ =	sdelay $0x2  }
0xb8: {  	s31 =	sshll.u32 s1, $0xD;
	s1 =	sshrl.u32 s1, $0x2  }
0xb9: {  	s3 =	sand.u32 $0x4000, s31;
	s1 =	sadd.s32 s1, s30  }
0xba: {  	s0 =	sor.u32 s3, s0;
	s1 =	sshll.u32 s1, $0x11  }
0xbb: {  	s0 =	sor.u32 s1, s0  }
0xbc: {  	s0 =	sadd.s32 $0x8F2B, s0  }
0xbd: {  	[sflag:s0] =	ssyncadd.remote.s32 $0x1  }
0xbe: {  	_ =	sfence.sel $0xFFFF  }
0xbf: {  	[dreg:$0x0] =	wrdreg $0xFFFFFFFF;
	(pc) =	sbr.abs _section_cstart, $3  }
0xc0: {  	[dreg:$0x1] =	wrdreg $0xFFFFFFFF  }
0xc1: {  	_ =	task.clear_ibuf [dreg:s7], $0x2FFFF;
	_ =	strace $0x9FFFFFFF  }
0xc2: {  	(tm) =	ssettm $0x7FFFFFFF  }
0xc3: {  	_ =	shalt  }
tec
execute0_lowered:
.L_overlay_start_1:
0x0: {  	(tag) =	ssettag $0x1  }
0x1: {  	s4 =	rddreg [dreg:$0x0]  }
0x2: {  	s5 =	rddreg [dreg:$0x1]  }
0x3: {  	s0 =	rddreg [dreg:$0x2];
	s3 =	srdreg.scid  }
0x4: {  	s1 =	stileid.u32;
	s2 =	simm.s32 $0x0;
	s12 =	simm.s32 $0x3680  }
0x5: {  	s13 =	simm.s32 $0x8E80;
	s14 =	simm.s32 $0xE680;
	s15 =	simm.s32 $0x13E80  }
0x6: {  	s16 =	simm.s32 $0x1;
	s17 =	simm.s32 $0x2;
	s18 =	simm.s32 $0x3440  }
0x7: {  	s19 =	simm.s32 $0x34F0;
	s20 =	simm.s32 $0x35A0;
	s21 =	simm.s32 $0x0  }
0x8: {  	s6 =	sand.u32 $0x1, s3;
	s28 =	sshll.u32 s1, $0x1;
	s29 =	smul.u32 $0x6CA00, s1  }
0x9: {  	[smem:$0x7FF] =	sst s2;
	s7 =	sor.u32 s6, s28;
	s31 =	smul.u32 $0x36500, s6  }
0xa: {  	s3 =	sadd.s32 $0x1E000, s4;
	s8 =	ssub.s32 $0x2, s6;
	s9 =	smul.u32 $0x3650, s7  }
0xb: {  	s11 =	sadd.s32 $0x2C0200, s4;
	s10 =	sshrl.u32 s8, $0x1;
	s7 =	smul.u32 $0x1B2800, s7  }
0xc: {  	_ =	strace $0x80000053;
	s8 =	ssub.s32 s8, s10;
	s10 =	sadd.s32 s29, s11  }
0xd: {  	s30 =	sshrl.u32 s9, $0x3;
	s7 =	sshrl.u32 s7, $0x3;
	s9 =	sadd.s32 s31, s10  }
0xe: {  	s8 =	smax.u32 s8, $0x1;
	s10 =	simm.s32 $0x3;
	s4 =	sadd.s32 s5, s30  }
0xf: {  	s7 =	sadd.s32 s11, s7;
	s9 =	sadd.s32 $0x2100, s9;
	s11 =	simm.s32 $0xB0  }
0x10: {  	s5 =	sadd.s32 $0x34400, s7;
	s6 =	sadd.s32 $0x34F00, s7;
	s7 =	sadd.s32 $0x35A00, s7  }
.LBB2_1:
0x11: {  	[tilespmem:s2], [sflag:$0x3] =	stream.linear.gather [hbm4b:s4+s2], $0x3650, $0x38;
	[tilespmem:$0x19680] =	vst v63  }
0x12: {  	_ =	swait.ge [sflag:s10], $0x3650  }
0x13: {  	[sflag:s10] =	ssyncset.done $0x0  }
0x14: {  	s22 =	simm.s32 $0x0;
	[sflag:s10] =	ssyncadd.s32 $0xFFFFC9B0  }
0x15: {  	[tilespmem:s12], [sflag:$0x1] =	stream.indirect.gather [hbm4b:s3+s11], $0x80, s22, s11, $0xb8;
	[tilespmem:$0x19680] =	vst v63  }
0x16: {  	s25 =	simm.s32 $0xB0  }
0x17: {  	[tilespmem:s13], [sflag:$0x1] =	stream.indirect.gather [hbm4b:s3+s11], $0x80, s25, s11, $0xb8;
	[tilespmem:$0x19680] =	vst v63  }
0x18: {  	s26 =	simm.s32 $0x160  }
0x19: {  	[tilespmem:s14], [sflag:$0x1] =	stream.indirect.gather [hbm4b:s3+s11], $0x80, s26, s11, $0xb8;
	[tilespmem:$0x19680] =	vst v63  }
0x1a: {  	s28 =	simm.s32 $0x210  }
0x1b: {  	[tilespmem:s15], [sflag:$0x1] =	stream.indirect.gather [hbm4b:s3+s11], $0x80, s28, s11, $0xb8;
	[tilespmem:$0x19680] =	vst v63  }
0x1c: {  	_ =	swait.ge [sflag:s16], $0x5800  }
0x1d: {  	[sflag:s16] =	ssyncset.done $0x0  }
0x1e: {  	s29 =	sadd.s32 $0xFFFFDF00, s9;
	[sflag:s16] =	ssyncadd.s32 $0xFFFFA800  }
0x1f: {  	[hbm4b:s29+s2] =	stream.linear.scatter [tilespmem:s12], [sflag:$0x2], $0x5800, $0x38;
	[tilespmem:$0x19680] =	vst v63  }
0x20: {  	_ =	swait.ge [sflag:s16], $0x5800  }
0x21: {  	[sflag:s16] =	ssyncset.done $0x0  }
0x22: {  	s30 =	sadd.s32 $0xFFFFEA00, s9;
	[sflag:s16] =	ssyncadd.s32 $0xFFFFA800  }
0x23: {  	[hbm4b:s30+s2] =	stream.linear.scatter [tilespmem:s13], [sflag:$0x2], $0x5800, $0x38;
	[tilespmem:$0x19680] =	vst v63  }
0x24: {  	_ =	swait.ge [sflag:s16], $0x5800  }
0x25: {  	[sflag:s16] =	ssyncset.done $0x0  }
0x26: {  	s31 =	sadd.s32 $0xFFFFF500, s9;
	[sflag:s16] =	ssyncadd.s32 $0xFFFFA800  }
0x27: {  	[hbm4b:s31+s2] =	stream.linear.scatter [tilespmem:s14], [sflag:$0x2], $0x5800, $0x38;
	[tilespmem:$0x19680] =	vst v63  }
0x28: {  	_ =	swait.ge [sflag:s16], $0x5800  }
0x29: {  	[sflag:s16] =	ssyncset.done $0x0  }
0x2a: {  	[sflag:s16] =	ssyncadd.s32 $0xFFFFA800  }
0x2b: {  	[hbm4b:s9+s2] =	stream.linear.scatter [tilespmem:s15], [sflag:$0x2], $0x5800, $0x38;
	[tilespmem:$0x19680] =	vst v63  }
0x2c: {  	_ =	swait.ge [sflag:s17], $0x5800  }
0x2d: {  	[sflag:s17] =	ssyncset.done $0x0  }
0x2e: {  	[sflag:s17] =	ssyncadd.s32 $0xFFFFA800  }
0x2f: {  	_ =	swait.ge [sflag:s17], $0x5800  }
0x30: {  	[sflag:s17] =	ssyncset.done $0x0  }
0x31: {  	[sflag:s17] =	ssyncadd.s32 $0xFFFFA800  }
0x32: {  	_ =	swait.ge [sflag:s17], $0x5800  }
0x33: {  	[sflag:s17] =	ssyncset.done $0x0  }
0x34: {  	[sflag:s17] =	ssyncadd.s32 $0xFFFFA800  }
0x35: {  	s23 =	simm.s32 $0xB00;
	_ =	swait.ge [sflag:s17], $0x5800  }
0x36: {  	s22 =	sadd.s32 $0x2C00, s9;
	s25 =	simm.s32 $0x1600;
	[sflag:s17] =	ssyncset.done $0x0  }
.LBB2_2:
0x37: {  	s26 =	sshra.s32 s23, $0x2  }
0x38: {  	[sflag:s17] =	ssyncadd.s32 $0xFFFFA800;
	s23 =	smov.u32 s25;
	s24 =	sadd.s32 $0xB00, s25  }
0x39: {  	[tilespmem:s12], [sflag:$0x1] =	stream.indirect.gather [hbm4b:s3+s11], $0x80, s26, s11, $0xb8;
	[tilespmem:$0x19680] =	vst v63  }
0x3a: {  	p0 =	sne.s32 s25, $0xC600;
	s25 =	sadd.s32 $0xB0, s26  }
0x3b: {  	[tilespmem:s13], [sflag:$0x1] =	stream.indirect.gather [hbm4b:s3+s11], $0x80, s25, s11, $0xb8;
	[tilespmem:$0x19680] =	vst v63  }
0x3c: {  	s25 =	sadd.s32 $0x160, s26  }
0x3d: {  	[tilespmem:s14], [sflag:$0x1] =	stream.indirect.gather [hbm4b:s3+s11], $0x80, s25, s11, $0xb8;
	[tilespmem:$0x19680] =	vst v63  }
0x3e: {  	s25 =	sadd.s32 $0x210, s26  }
0x3f: {  	[tilespmem:s15], [sflag:$0x1] =	stream.indirect.gather [hbm4b:s3+s11], $0x80, s25, s11, $0xb8;
	[tilespmem:$0x19680] =	vst v63  }
0x40: {  	_ =	swait.ge [sflag:s16], $0x5800  }
0x41: {  	[sflag:s16] =	ssyncset.done $0x0  }
0x42: {  	s25 =	sadd.s32 $0xFFFFDF00, s22;
	[sflag:s16] =	ssyncadd.s32 $0xFFFFA800  }
0x43: {  	[hbm4b:s25+s2] =	stream.linear.scatter [tilespmem:s12], [sflag:$0x2], $0x5800, $0x38;
	[tilespmem:$0x19680] =	vst v63  }
0x44: {  	_ =	swait.ge [sflag:s16], $0x5800  }
0x45: {  	[sflag:s16] =	ssyncset.done $0x0  }
0x46: {  	s25 =	sadd.s32 $0xFFFFEA00, s22;
	[sflag:s16] =	ssyncadd.s32 $0xFFFFA800  }
0x47: {  	[hbm4b:s25+s2] =	stream.linear.scatter [tilespmem:s13], [sflag:$0x2], $0x5800, $0x38;
	[tilespmem:$0x19680] =	vst v63  }
0x48: {  	_ =	swait.ge [sflag:s16], $0x5800  }
0x49: {  	[sflag:s16] =	ssyncset.done $0x0  }
0x4a: {  	s25 =	sadd.s32 $0xFFFFF500, s22;
	[sflag:s16] =	ssyncadd.s32 $0xFFFFA800  }
0x4b: {  	[hbm4b:s25+s2] =	stream.linear.scatter [tilespmem:s14], [sflag:$0x2], $0x5800, $0x38;
	[tilespmem:$0x19680] =	vst v63  }
0x4c: {  	_ =	swait.ge [sflag:s16], $0x5800  }
0x4d: {  	[sflag:s16] =	ssyncset.done $0x0  }
0x4e: {  	[sflag:s16] =	ssyncadd.s32 $0xFFFFA800  }
0x4f: {  	[hbm4b:s22+s2] =	stream.linear.scatter [tilespmem:s15], [sflag:$0x2], $0x5800, $0x38;
	[tilespmem:$0x19680] =	vst v63  }
0x50: {  	_ =	swait.ge [sflag:s17], $0x5800  }
0x51: {  	[sflag:s17] =	ssyncset.done $0x0  }
0x52: {  	[sflag:s17] =	ssyncadd.s32 $0xFFFFA800  }
0x53: {  	_ =	swait.ge [sflag:s17], $0x5800  }
0x54: {  	[sflag:s17] =	ssyncset.done $0x0  }
0x55: {  	[sflag:s17] =	ssyncadd.s32 $0xFFFFA800  }
.Ltmp0:
0x56: {  	_ =	swait.ge [sflag:s17], $0x5800;
	(pc) =	sbr.rel @p0 .LBB2_2-.Ltmp0, $4  }
0x57: {  	[sflag:s17] =	ssyncset.done $0x0  }
0x58: {  	[sflag:s17] =	ssyncadd.s32 $0xFFFFA800  }
0x59: {  	_ =	swait.ge [sflag:s17], $0x5800  }
0x5a: {  	s25 =	smov.u32 s24;
	s22 =	sadd.s32 $0x2C00, s22;
	[sflag:s17] =	ssyncset.done $0x0  }
0x5b: {  	s23 =	sshra.s32 s23, $0x2;
	[sflag:s17] =	ssyncadd.s32 $0xFFFFA800  }
0x5c: {  	[tilespmem:s12], [sflag:$0x1] =	stream.indirect.gather [hbm4b:s3+s11], $0x80, s23, s11, $0xb8;
	[tilespmem:$0x19680] =	vst v63  }
0x5d: {  	s24 =	sadd.s32 $0xB0, s23  }
0x5e: {  	[tilespmem:s13], [sflag:$0x1] =	stream.indirect.gather [hbm4b:s3+s11], $0x80, s24, s11, $0xb8;
	[tilespmem:$0x19680] =	vst v63  }
0x5f: {  	s28 =	sadd.s32 $0x160, s23  }
0x60: {  	[tilespmem:s14], [sflag:$0x1] =	stream.indirect.gather [hbm4b:s3+s11], $0x80, s28, s11, $0xb8;
	[tilespmem:$0x19680] =	vst v63  }
0x61: {  	s23 =	sadd.s32 $0x210, s23  }
0x62: {  	[tilespmem:s15], [sflag:$0x1] =	stream.indirect.gather [hbm4b:s3+s11], $0x80, s23, s11, $0xb8;
	[tilespmem:$0x19680] =	vst v63  }
0x63: {  	_ =	swait.ge [sflag:s16], $0x5800  }
0x64: {  	[sflag:s16] =	ssyncset.done $0x0  }
0x65: {  	s29 =	sadd.s32 $0xFFFFDF00, s22;
	[sflag:s16] =	ssyncadd.s32 $0xFFFFA800  }
0x66: {  	[hbm4b:s29+s2] =	stream.linear.scatter [tilespmem:s12], [sflag:$0x2], $0x5800, $0x38;
	[tilespmem:$0x19680] =	vst v63  }
0x67: {  	_ =	swait.ge [sflag:s16], $0x5800  }
0x68: {  	[sflag:s16] =	ssyncset.done $0x0  }
0x69: {  	s30 =	sadd.s32 $0xFFFFEA00, s22;
	[sflag:s16] =	ssyncadd.s32 $0xFFFFA800  }
0x6a: {  	[hbm4b:s30+s2] =	stream.linear.scatter [tilespmem:s13], [sflag:$0x2], $0x5800, $0x38;
	[tilespmem:$0x19680] =	vst v63  }
0x6b: {  	_ =	swait.ge [sflag:s16], $0x5800  }
0x6c: {  	[sflag:s16] =	ssyncset.done $0x0  }
0x6d: {  	s31 =	sadd.s32 $0xFFFFF500, s22;
	[sflag:s16] =	ssyncadd.s32 $0xFFFFA800  }
0x6e: {  	[hbm4b:s31+s2] =	stream.linear.scatter [tilespmem:s14], [sflag:$0x2], $0x5800, $0x38;
	[tilespmem:$0x19680] =	vst v63  }
0x6f: {  	_ =	swait.ge [sflag:s16], $0x5800  }
0x70: {  	[sflag:s16] =	ssyncset.done $0x0  }
0x71: {  	[sflag:s16] =	ssyncadd.s32 $0xFFFFA800  }
0x72: {  	[hbm4b:s22+s2] =	stream.linear.scatter [tilespmem:s15], [sflag:$0x2], $0x5800, $0x38;
	[tilespmem:$0x19680] =	vst v63  }
0x73: {  	_ =	swait.ge [sflag:s17], $0x5800  }
0x74: {  	[sflag:s17] =	ssyncset.done $0x0  }
0x75: {  	[sflag:s17] =	ssyncadd.s32 $0xFFFFA800  }
0x76: {  	_ =	swait.ge [sflag:s17], $0x5800  }
0x77: {  	[sflag:s17] =	ssyncset.done $0x0  }
0x78: {  	[sflag:s17] =	ssyncadd.s32 $0xFFFFA800  }
0x79: {  	_ =	swait.ge [sflag:s17], $0x5800  }
0x7a: {  	[sflag:s17] =	ssyncset.done $0x0  }
0x7b: {  	[sflag:s17] =	ssyncadd.s32 $0xFFFFA800  }
0x7c: {  	_ =	swait.ge [sflag:s17], $0x5800  }
0x7d: {  	[sflag:s17] =	ssyncset.done $0x0  }
0x7e: {  	[sflag:s17] =	ssyncadd.s32 $0xFFFFA800  }
0x7f: {  	[tilespmem:s12], [sflag:$0x1] =	stream.indirect.gather [hbm4b:s3+s11], $0x80, s18, s11, $0xb8;
	[tilespmem:$0x19680] =	vst v63  }
0x80: {  	_ = 	snop  }
0x81: {  	[tilespmem:s13], [sflag:$0x1] =	stream.indirect.gather [hbm4b:s3+s11], $0x80, s19, s11, $0xb8;
	[tilespmem:$0x19680] =	vst v63  }
0x82: {  	_ = 	snop  }
0x83: {  	[tilespmem:s14], [sflag:$0x1] =	stream.indirect.gather [hbm4b:s3+s11], $0x80, s20, s11, $0xb8;
	[tilespmem:$0x19680] =	vst v63  }
0x84: {  	_ =	swait.ge [sflag:s16], $0x5800  }
0x85: {  	[sflag:s16] =	ssyncset.done $0x0  }
0x86: {  	[sflag:s16] =	ssyncadd.s32 $0xFFFFA800  }
0x87: {  	[hbm4b:s5+s2] =	stream.linear.scatter [tilespmem:s12], [sflag:$0x2], $0x5800, $0x38;
	[tilespmem:$0x19680] =	vst v63  }
0x88: {  	_ =	swait.ge [sflag:s16], $0x5800  }
0x89: {  	[sflag:s16] =	ssyncset.done $0x0  }
0x8a: {  	[sflag:s16] =	ssyncadd.s32 $0xFFFFA800  }
0x8b: {  	[hbm4b:s6+s2] =	stream.linear.scatter [tilespmem:s13], [sflag:$0x2], $0x5800, $0x38;
	[tilespmem:$0x19680] =	vst v63  }
0x8c: {  	_ =	swait.ge [sflag:s16], $0x5800  }
0x8d: {  	[sflag:s16] =	ssyncset.done $0x0  }
0x8e: {  	[sflag:s16] =	ssyncadd.s32 $0xFFFFA800  }
0x8f: {  	[hbm4b:s7+s2] =	stream.linear.scatter [tilespmem:s14], [sflag:$0x2], $0x5800, $0x38;
	[tilespmem:$0x19680] =	vst v63  }
0x90: {  	_ =	swait.ge [sflag:s17], $0x5800  }
0x91: {  	[sflag:s17] =	ssyncset.done $0x0  }
0x92: {  	s21 =	sadd.s32 $0x1, s21;
	[sflag:s17] =	ssyncadd.s32 $0xFFFFA800  }
0x93: {  	p0 =	sne.s32 s21, s8;
	_ =	swait.ge [sflag:s17], $0x5800  }
.Ltmp1:
0x94: {  	[sflag:s17] =	ssyncset.done $0x0;
	(pc) =	sbr.rel @p0 .LBB2_1-.Ltmp1, $4  }
0x95: {  	[sflag:s17] =	ssyncadd.s32 $0xFFFFA800  }
0x96: {  	_ =	swait.ge [sflag:s17], $0x5800  }
0x97: {  	[sflag:s17] =	ssyncset.done $0x0  }
0x98: {  	[sflag:s17] =	ssyncadd.s32 $0xFFFFA800  }
0x99: {  	_ =	sfence.sel $0x180000  }
0x9a: {  	[bflag:$0x0] =	sbarrier.arrive $0xFFFF  }
0x9b: {  	p0 =	sne.s32 s1, $0x0;
	_ =	strace $0x90000053  }
0x9c: {  	s0 =	sadd.s32 @!p0 $0x100000, s0;
	[bflag:$0x2] =	sbarrier.arrive $0xFFFF  }
0x9d: {  	[sflag:s0] =	ssyncadd.tile.s32 @!p0 $0x1;
	_ =	shalt  }
.Lfunc_end2:
_tile_overlayer_lowered:
.L_overlay_start_2:
0x9e: {  	(tag) =	ssettag $0x2  }
0x9f: {  	s0 =	rddreg [dreg:$0x0];
	s2 =	stileid.u32  }
0xa0: {  	s1 =	rddreg [dreg:$0x1];
	p0 =	sne.s32 s2, $0x0  }
0xa1: {  	s3 =	rddreg [dreg:$0x2];
	[bflag:$0x3] =	sbarrier.arrive $0xFFFF;
	s2 =	simm.s32 @!p0 $0x1C03  }
0xa2: {  	[timem:s3], [sflag:s2] =	dma.local @!p0 [hbm:s0], s1  }
0xa3: {  	s0 =	simm.s32 @!p0 $0x3  }
0xa4: {  	_ =	swait.ge @!p0 [sflag:s0], s1  }
0xa5: {  	s1 =	ssub.s32 @!p0 $0x0, s1;
	[sflag:s0] =	ssyncset.done @!p0 $0x0  }
0xa6: {  	[sflag:s0] =	ssyncadd.s32 @!p0 s1  }
0xa7: {  	[bflag:$0x3] =	sbarrier.arrive $0xFFFF  }
0xa8: {  	_ =	shalt  }

// kernel: sparse-core-data-format-call.cloned.1.call-start
scs
called_computation_lowered:
.L_overlay_start_0:
0x0: {  	s1 =	sld [smem:$0x3FD9]  }
0x1: {  	s2 =	sld [smem:$0x3FFE];
	_ =	sdelay $0x1  }
0x2: {  	s3 =	srdreg.scid  }
0x3: {  	s0 =	sand.u32 $0x1, s3  }
0x4: {  	s17 =	sshll.u32 s0, $0xA;
	s1 =	sadd.s32 s2, s1  }
0x5: {  	s1 =	sadd.s32 s1, s17  }
0x6: {  	[smem:$0x3FBE] =	sst s1  }
0x7: {  	_ = 	snop  }
0x8: {  	(tm) =	ssettm $0x1  }
0x9: {  	s18 =	sld [smem:$0x3FFB];
	_ =	sdelay $0x3  }
0xa: {  	_ =	strace s18  }
0xb: {  	s1 =	sld [smem:$0x3FFC];
	_ =	sdelay $0x3  }
0xc: {  	_ =	strace s1  }
0xd: {  	s1 =	sld [smem:$0x3FFD];
	_ =	sdelay $0x3  }
0xe: {  	_ =	strace s1  }
0xf: {  	_ =	strace $0x8FFFFFFF  }
0x10: {  	s19 =	sld [smem:$0x3FDB];
	_ =	sdelay $0x1  }
0x11: {  	s20 =	simm.s32 $_scs_section_size  }
0x12: {  	s4 =	simm.s32 $_size__tile_overlayer_lowered;
	s5 =	simm.s32 $_tile_overlayer_lowered  }
0x13: {  	s23 =	simm.s32 $0x1BFF;
	s22 =	sshll.u32 s5, $0x1;
	s1 =	sadd.s32 s20, s19  }
0x14: {  	s6 =	simm.s32 $0x0;
	s21 =	sshll.u32 s4, $0x1;
	s4 =	sadd.s32 s22, s1  }
0x15: {  	[timem:s6], [sflag:s23] =	dma.local [hbm:s4], s21  }
0x16: {  	_ =	swait.ge [sflag:s23], s21  }
0x17: {  	s2 =	ssub.s32 $0x0, s21;
	[sflag:s23] =	ssyncset.done $0x0  }
0x18: {  	[sflag:s23] =	ssyncadd.s32 s2;
	_ =	sdelay $0x1  }
0x19: {  	s24 =	simm.s32 $0x1B8B  }
0x1a: {  	_ =	swait.ge [sflag:s24], $0x1  }
0x1b: {  	[sflag:s24] =	ssyncset.done $0x0  }
0x1c: {  	s26 =	simm.s32 $0x1B8E;
	s25 =	sld [smem:$0x3FFE];
	[sflag:s24] =	ssyncadd.s32 $0xFFFFFFFF  }
0x1d: {  	s27 =	simm.s32 $execute0_lowered;
	[smem:$0x3FD2] =	sst s26  }
0x1e: {  	s4 =	sshll.u32 s27, $0x1;
	_ =	strace $0x8000004F;
	[dreg:$0x1] =	wrdreg $0xFFFFFFFF  }
0x1f: {  	s28 =	simm.s32 $_size_execute0_lowered;
	s1 =	sadd.s32 s1, s4;
	[dreg:$0x0] =	wrdreg $0x0  }
0x20: {  	s4 =	sshll.u32 s28, $0x1;
	[dreg:$0x2] =	wrdreg s1  }
0x21: {  	[dreg:$0x3] =	wrdreg s4  }
0x22: {  	[dreg:$0x4] =	wrdreg $0xC0  }
0x23: {  	_ =	task [dreg:s6], $0x5FFFF  }
0x24: {  	[dreg:$0x1] =	wrdreg $0xFFFFFFFF  }
0x25: {  	[dreg:$0x0] =	wrdreg $0x60  }
0x26: {  	[dreg:$0x2] =	wrdreg s25  }
0x27: {  	[dreg:$0x3] =	wrdreg $0x9  }
0x28: {  	_ =	task.clear_ibuf [dreg:s6], $0x4FFFF;
	_ =	strace $0x9000004F  }
0x29: {  	s29 =	simm.s32 $0x9;
	_ =	strace $0x80000051  }
0x2a: {  	_ =	swait.ge [sflag:s29], $0x1  }
0x2b: {  	[sflag:s29] =	ssyncadd.s32 $0xFFFFFFFF  }
0x2c: {  	_ =	strace $0x90000051  }
0x2d: {  	_ =	sfence  }
0x2e: {  	s30 =	sld [smem:$0x0];
	_ =	sdelay $0x2  }
0x2f: {  	s31 =	sshll.u32 s3, $0xD;
	s3 =	sshrl.u32 s3, $0x2  }
0x30: {  	s2 =	sand.u32 $0x4000, s31;
	s1 =	sadd.s32 s3, s30  }
0x31: {  	s0 =	sor.u32 s2, s0;
	s1 =	sshll.u32 s1, $0x11  }
0x32: {  	s0 =	sor.u32 s1, s0  }
0x33: {  	s0 =	sadd.s32 $0x8F2B, s0  }
0x34: {  	[sflag:s0] =	ssyncadd.remote.s32 $0x1  }
0x35: {  	_ =	sfence.sel $0xFFFF  }
0x36: {  	[dreg:$0x0] =	wrdreg $0xFFFFFFFF;
	(pc) =	sbr.abs _section_cstart, $3  }
0x37: {  	[dreg:$0x1] =	wrdreg $0xFFFFFFFF  }
0x38: {  	_ =	task.clear_ibuf [dreg:s6], $0x2FFFF;
	_ =	strace $0x9FFFFFFF  }
0x39: {  	(tm) =	ssettm $0x7FFFFFFF  }
tec
execute0_lowered:
.L_overlay_start_1:
0x0: {  	(tag) =	ssettag $0x1  }
0x1: {  	s0 =	srdreg.scid  }
0x2: {  	s1 =	sshll.u32 s0, $0x4  }
0x3: {  	s4 =	rddreg [dreg:$0x0];
	s0 =	stileid.u32;
	s1 =	sand.u32 $0x10, s1  }
0x4: {  	s7 =	simm.s32 $0x1;
	s8 =	simm.s32 $0x2;
	s2 =	sor.u32 s0, s1  }
0x5: {  	s9 =	simm.s32 $0x0;
	s12 =	simm.s32 $0x0;
	s2 =	sshll.u32 s2, $0x1  }
0x6: {  	s11 =	simm.s32 $0x0;
	s3 =	sadd.s32 $0x18DA00, s4;
	s6 =	ssub.s32 $0xD940, s2  }
.Ltmp0:
0x7: {  	s4 =	sadd.s32 $0x37DDA00, s4;
	s5 =	sand.u32 $0x3E, s6;
	(pc) =	sbr.rel .LBB1_1-.Ltmp0, $4  }
0x8: {  	s1 =	rddreg [dreg:$0x1];
	_ =	strace $0x80000050;
	p0 =	sne.s32 s5, $0x0  }
0x9: {  	s6 =	sshrl.u32 s6, $0x6;
	s5 =	simm.s32 $0x1;
	s7 =	simm.s32 @!p0 $0x0  }
0xa: {  	s10 =	smov.u32 s2;
	[sflag:s5] =	ssyncpa.u1 $0x0;
	s6 =	sadd.s32 s7, s6  }
0xb: {  	[sflag:s8] =	ssyncpa.u1 $0x0;
	s8 =	simm.s32 $0x0;
	s7 =	sadd.s32 $0x1, s6  }
.LBB1_9:
0xc: {  	s14 =	sadd.s32 $0x40, s10  }
0xd: {  	p1 =	sgt.s32 s14, $0xD93F  }
0xe: {  	s14 =	smov.u32 @p1 s2;
	p1 =	sne.s32 s11, s7  }
.Ltmp1:
0xf: {  	p0 =	slt.u32 s11, $0x2;
	(pc) =	sbr.rel @!p1 .LBB1_10-.Ltmp1, $4  }
0x10: {  	s13 =	simm.s32 @!p0 $0x2  }
0x11: {  	s15 =	sadd.s32 $0x1, s11;
	_ =	swait.ge @!p0 [sflag:s13], $0x4000  }
0x12: {  	s12 =	smov.u32 s10;
	s9 =	sadd.s32 $0x4000, s9;
	[sflag:s13] =	ssyncset.done @!p0 $0x0  }
0x13: {  	s11 =	smov.u32 s15;
	s10 =	smov.u32 s14;
	[sflag:s13] =	ssyncadd.s32 @!p0 $0xFFFFC000  }
.LBB1_1:
0x14: {  	p0 =	sge.u32 s11, s6  }
0x15: {  	s13 =	sxor.u32 @!p0 $0xFFFFFFFF, s11  }
0x16: {  	s31 =	sadd.s32 $0xFFFFFFFF, s11;
	s14 =	sshll.u32 @!p0 s10, $0xA;
	s13 =	sshll.u32 @!p0 s13, $0xE  }
0x17: {  	s15 =	simm.s32 @!p0 $0x0;
	s14 =	sadd.s32 @!p0 s3, s14;
	s13 =	sand.u32 @!p0 $0x4000, s13  }
0x18: {  	[tilespmem:s13], [sflag:$0x1] =	stream.linear.gather @!p0 [hbm4b:s14+s15], $0x4000, $0x38;
	[tilespmem:$0x10000] =	vst v63  }
0x19: {  	p0 =	sge.u32 s31, s6  }
.Ltmp2:
0x1a: {  	_ = 	snop;
	(pc) =	sbr.rel @p0 .LBB1_9-.Ltmp2, $1  }
0x1b: {  	_ =	sdelay $0x3  }
0x1c: {  	s13 =	sshll.u32 s9, $0x2  }
0x1d: {  	_ =	swait.ge [sflag:s5], $0x4000;
	s14 =	sshll.u32 s11, $0xE;
	s16 =	simm.s32 $0x0  }
0x1e: {  	p1 =	por $0x1, $0x1;
	s13 =	sand.u32 $0x10000, s13;
	[sflag:s5] =	ssyncset.done $0x0  }
0x1f: {  	s14 =	sand.u32 $0x4000, s14;
	s15 =	sshrl.u32 s13, $0x2;
	[sflag:s5] =	ssyncadd.s32 $0xFFFFC000  }
0x20: {  	s13 =	sor.u32 $0x8000, s14;
	s14 =	sadd.s32 $0x8040, s15;
	s15 =	sadd.s32 $0x40, s15  }
.LBB1_3:
0x21: {  	s16 =	sshll.u32 s16, $0x2  }
0x22: {  	p0 =	por p1, p1;
	s17 =	sshra.s32 s16, $0x2  }
0x23: {  	s18 =	simm.s32 $0x0;
	s16 =	sadd.s32 s17, s14;
	s17 =	sadd.s32 s17, s15  }
.LBB1_4:
0x24: {  	v0 =	vmov s17;
	_ =	sdelay $0x3  }
0x25: {  	s20 =	simm.s32 $0x0  }
0x26: {  	v6 =	vld.idx.msk [tilespmem:v0+s20+$0x30 ss:$0x1], $0xffff  }
0x27: {  	v7 =	vld.idx.msk [tilespmem:v0+s20+$0xFFFFFFC0 ss:$0x1], $0xffff  }
0x28: {  	v5 =	vld.idx.msk [tilespmem:v0+s20+$0xFFFFFFD0 ss:$0x1], $0xffff  }
0x29: {  	v4 =	vld.idx.msk [tilespmem:v0+s20+$0xFFFFFFE0 ss:$0x1], $0xffff  }
0x2a: {  	v3 =	vld.idx.msk [tilespmem:v0+s20+$0xFFFFFFF0 ss:$0x1], $0xffff  }
0x2b: {  	v1 =	vld.idx.msk [tilespmem:v0+s20+$0x0 ss:$0x1], $0xffff  }
0x2c: {  	v2 =	vld.idx.msk [tilespmem:v0+s20+$0x10 ss:$0x1], $0xffff;
	[tilespmem:s16+$0x30] =	vst v6  }
0x2d: {  	s19 =	simm.s32 $0x80;
	s21 =	simm.s32 $0x400;
	[tilespmem:s16+$0xFFFFFFC0] =	vst v7;
	v6 =	vld.idx.msk [tilespmem:v0+s20+$0x20 ss:$0x1], $0xffff;
	s20 =	smov.u32 s16  }
.LBB1_5:
0x2e: {  	p1 =	sne.s32 s21, $0xE00;
	v7 =	vld.idx.msk [tilespmem:v0+s19+$0x30 ss:$0x1], $0xffff;
	[tilespmem:s20+$0xFFFFFFD0] =	vst v5  }
0x2f: {  	v8 =	vld.idx.msk [tilespmem:v0+s19+$0xFFFFFFC0 ss:$0x1], $0xffff;
	[tilespmem:s20+$0xFFFFFFE0] =	vst v4  }
0x30: {  	v5 =	vld.idx.msk [tilespmem:v0+s19+$0xFFFFFFD0 ss:$0x1], $0xffff;
	[tilespmem:s20+$0xFFFFFFF0] =	vst v3  }
.Ltmp3:
0x31: {  	v4 =	vld.idx.msk [tilespmem:v0+s19+$0xFFFFFFE0 ss:$0x1], $0xffff;
	[tilespmem:s20+$0x0] =	vst v1;
	(pc) =	sbr.rel @p1 .LBB1_5-.Ltmp3, $4  }
0x32: {  	v3 =	vld.idx.msk [tilespmem:v0+s19+$0xFFFFFFF0 ss:$0x1], $0xffff;
	[tilespmem:s20+$0x10] =	vst v2  }
0x33: {  	v1 =	vld.idx.msk [tilespmem:v0+s19+$0x0 ss:$0x1], $0xffff;
	[tilespmem:s20+$0x20] =	vst v6;
	s20 =	sadd.s32 $0x400, s20  }
0x34: {  	v2 =	vld.idx.msk [tilespmem:v0+s19+$0x10 ss:$0x1], $0xffff;
	[tilespmem:s20+$0x30] =	vst v7  }
0x35: {  	[tilespmem:s20+$0xFFFFFFC0] =	vst v8;
	v6 =	vld.idx.msk [tilespmem:v0+s19+$0x20 ss:$0x1], $0xffff;
	s19 =	sshra.s32 s21, $0x2;
	s21 =	sadd.s32 $0x200, s21  }
0x36: {  	_ =	sdelay $0x2  }
0x37: {  	[tilespmem:s20+$0xFFFFFFD0] =	vst v5  }
0x38: {  	v56 =	vld.idx.msk [tilespmem:v0+s19+$0x30 ss:$0x1], $0xffff;
	[tilespmem:s20+$0xFFFFFFE0] =	vst v4  }
0x39: {  	v57 =	vld.idx.msk [tilespmem:v0+s19+$0xFFFFFFC0 ss:$0x1], $0xffff;
	[tilespmem:s20+$0xFFFFFFF0] =	vst v3  }
0x3a: {  	v58 =	vld.idx.msk [tilespmem:v0+s19+$0xFFFFFFD0 ss:$0x1], $0xffff;
	[tilespmem:s20+$0x0] =	vst v1  }
0x3b: {  	v59 =	vld.idx.msk [tilespmem:v0+s19+$0xFFFFFFE0 ss:$0x1], $0xffff;
	[tilespmem:s20+$0x10] =	vst v2  }
0x3c: {  	v60 =	vld.idx.msk [tilespmem:v0+s19+$0xFFFFFFF0 ss:$0x1], $0xffff;
	s31 =	sadd.s32 $0x400, s20;
	[tilespmem:s20+$0x20] =	vst v6  }
0x3d: {  	v61 =	vld.idx.msk [tilespmem:v0+s19+$0x0 ss:$0x1], $0xffff;
	[tilespmem:s31+$0x30] =	vst v56  }
0x3e: {  	v62 =	vld.idx.msk [tilespmem:v0+s19+$0x10 ss:$0x1], $0xffff;
	s18 =	sadd.s32 $0x1, s18;
	[tilespmem:s31+$0xFFFFFFC0] =	vst v57  }
0x3f: {  	v63 =	vld.idx.msk [tilespmem:v0+s19+$0x20 ss:$0x1], $0xffff;
	p1 =	sne.s32 s18, $0x8;
	[tilespmem:s31+$0xFFFFFFD0] =	vst v58  }
.Ltmp4:
0x40: {  	[tilespmem:s31+$0xFFFFFFE0] =	vst v59;
	(pc) =	sbr.rel @p1 .LBB1_4-.Ltmp4, $4  }
0x41: {  	[tilespmem:s31+$0xFFFFFFF0] =	vst v60  }
0x42: {  	[tilespmem:s31+$0x0] =	vst v61  }
0x43: {  	[tilespmem:s31+$0x10] =	vst v62  }
0x44: {  	s16 =	sadd.s32 $0x80, s16;
	s17 =	sadd.s32 $0x400, s17;
	[tilespmem:s31+$0x20] =	vst v63  }
.Ltmp5:
0x45: {  	(pc) =	sbr.rel @p0 .LBB1_3-.Ltmp5, $2  }
0x46: {  	_ =	sdelay $0x2  }
0x47: {  	s16 =	simm.s32 $0x2000;
	p1 =	por $0x0, $0x0  }
.Ltmp6:
0x48: {  	(pc) =	sbr.rel .LBB1_9-.Ltmp6, $4  }
0x49: {  	_ = 	snop  }
0x4a: {  	s12 =	sshll.u32 s12, $0xA  }
0x4b: {  	s12 =	sadd.s32 s4, s12  }
0x4c: {  	[hbm4b:s12+s8] =	stream.linear.scatter [tilespmem:s13], [sflag:$0x2], $0x4000, $0x38;
	[tilespmem:$0x10000] =	vst v63  }
.LBB1_10:
0x4d: {  	_ =	sfence.sel $0x180000  }
0x4e: {  	s2 =	simm.s32 $0x1;
	[bflag:$0x0] =	sbarrier.arrive $0xFFFF  }
0x4f: {  	s31 =	simm.s32 $0x2;
	[sflag:s2] =	ssyncpa.u1 $0x1  }
0x50: {  	[sflag:s31] =	ssyncpa.u1 $0x1  }
0x51: {  	p0 =	sne.s32 s0, $0x0;
	_ =	strace $0x90000050  }
0x52: {  	s0 =	sadd.s32 @!p0 $0x100000, s1;
	[bflag:$0x2] =	sbarrier.arrive $0xFFFF  }
0x53: {  	[sflag:s0] =	ssyncadd.tile.s32 @!p0 $0x1;
	_ =	shalt  }
.Lfunc_end1:
_tile_overlayer_lowered:
.L_overlay_start_2:
0x54: {  	(tag) =	ssettag $0x2  }
0x55: {  	s0 =	rddreg [dreg:$0x0];
	s2 =	stileid.u32  }
0x56: {  	s1 =	rddreg [dreg:$0x1];
	p0 =	sne.s32 s2, $0x0  }
0x57: {  	s3 =	rddreg [dreg:$0x2];
	[bflag:$0x3] =	sbarrier.arrive $0xFFFF;
	s2 =	simm.s32 @!p0 $0x1C01  }
0x58: {  	[timem:s3], [sflag:s2] =	dma.local @!p0 [hbm:s0], s1  }
0x59: {  	s0 =	simm.s32 @!p0 $0x1  }
0x5a: {  	_ =	swait.ge @!p0 [sflag:s0], s1  }
0x5b: {  	s1 =	ssub.s32 @!p0 $0x0, s1;
	[sflag:s0] =	ssyncset.done @!p0 $0x0  }
0x5c: {  	[sflag:s0] =	ssyncadd.s32 @!p0 s1  }
0x5d: {  	[bflag:$0x3] =	sbarrier.arrive $0xFFFF  }
0x5e: {  	_ =	shalt  }

</sc_bundles>
